<compile_context>
chip_gen: v7x
topology: tpu7x:2x2x1
jax: 0.10.2.dev20260603
libtpu: 0.0.44.dev20260713+nightly
codegen_flags: <defaults>
</compile_context>

<pallas_src>
import jax
import jax.numpy as jnp
from jax import lax
from jax.experimental import pallas as pl
from jax.experimental.pallas import tpu as pltpu
from jax.experimental.pallas import tpu_sc as plsc
from jax.experimental.layout import Layout, with_layout_constraint

ENTITY_COUNT = 1000000
RELATION_COUNT = 1000
EMBED_DIM = 64
BATCH = 16384

NC = 2
NS = 16
L = 16
NW = NC * NS
ROWS_PER_W = BATCH // NW
WAVE = 64
N_WAVES = ROWS_PER_W // WAVE


def _complex_body(s_hbm, r_hbm, o_hbm, eim_hbm, rim_hbm, ere_hbm, rre_hbm,
                  out_hbm,
                  s_v, r_v, o_v,
                  sre_v, sim_v, ore_v, oim_v, rre_v, rim_v,
                  out_v, sem):
    wid = lax.axis_index("s") * NC + lax.axis_index("c")
    base = wid * ROWS_PER_W

    pltpu.sync_copy(s_hbm.at[pl.ds(base, ROWS_PER_W)], s_v)
    pltpu.sync_copy(r_hbm.at[pl.ds(base, ROWS_PER_W)], r_v)
    pltpu.sync_copy(o_hbm.at[pl.ds(base, ROWS_PER_W)], o_v)

    iota16 = lax.iota(jnp.int32, L)

    def wave_body(w, _):
        def issue(j, _):
            s16 = s_v[pl.ds(w * WAVE + j * L, L)]
            o16 = o_v[pl.ds(w * WAVE + j * L, L)]
            r16 = r_v[pl.ds(w * WAVE + j * L, L)]
            for k in range(L):
                i = j * L + k
                es = s16[k]
                eo = o16[k]
                er = r16[k]
                pltpu.make_async_copy(
                    ere_hbm.at[pl.ds(es, 1)], sre_v.at[pl.ds(i, 1)],
                    sem).start()
                pltpu.make_async_copy(
                    eim_hbm.at[pl.ds(es, 1)], sim_v.at[pl.ds(i, 1)],
                    sem).start()
                pltpu.make_async_copy(
                    ere_hbm.at[pl.ds(eo, 1)], ore_v.at[pl.ds(i, 1)],
                    sem).start()
                pltpu.make_async_copy(
                    eim_hbm.at[pl.ds(eo, 1)], oim_v.at[pl.ds(i, 1)],
                    sem).start()
                pltpu.make_async_copy(
                    rre_hbm.at[pl.ds(er, 1)], rre_v.at[pl.ds(i, 1)],
                    sem).start()
                pltpu.make_async_copy(
                    rim_hbm.at[pl.ds(er, 1)], rim_v.at[pl.ds(i, 1)],
                    sem).start()
            return 0

        lax.fori_loop(0, WAVE // L, issue, 0)

        pltpu.make_async_copy(
            ere_hbm.at[pl.ds(0, WAVE)], sre_v, sem).wait()
        pltpu.make_async_copy(
            eim_hbm.at[pl.ds(0, WAVE)], sim_v, sem).wait()
        pltpu.make_async_copy(
            ere_hbm.at[pl.ds(0, WAVE)], ore_v, sem).wait()
        pltpu.make_async_copy(
            eim_hbm.at[pl.ds(0, WAVE)], oim_v, sem).wait()
        pltpu.make_async_copy(
            rre_hbm.at[pl.ds(0, WAVE)], rre_v, sem).wait()
        pltpu.make_async_copy(
            rim_hbm.at[pl.ds(0, WAVE)], rim_v, sem).wait()

        def group_body(g, _):
            rows = g * L + iota16

            def col_body(c, acc):
                cols = jnp.zeros((L,), jnp.int32) + c
                sre = plsc.load_gather(sre_v, [rows, cols])
                sim = plsc.load_gather(sim_v, [rows, cols])
                ore = plsc.load_gather(ore_v, [rows, cols])
                oim = plsc.load_gather(oim_v, [rows, cols])
                rre = plsc.load_gather(rre_v, [rows, cols])
                rim = plsc.load_gather(rim_v, [rows, cols])
                return acc + ((sre * ore + sim * oim) * rre
                              + (sre * oim - sim * ore) * rim)

            acc = lax.fori_loop(0, EMBED_DIM, col_body,
                                jnp.zeros((L,), jnp.float32))
            out_v[pl.ds(w * WAVE + g * L, L)] = acc
            return 0

        lax.fori_loop(0, WAVE // L, group_body, 0)
        return 0

    lax.fori_loop(0, N_WAVES, wave_body, 0)

    pltpu.sync_copy(out_v, out_hbm.at[pl.ds(base, ROWS_PER_W)])


@jax.jit
def _complex_score(s, r, o, E_im, R_im, E_re, R_re):
    fmt = Layout(major_to_minor=(1, 0), tiling=((8, 128),))
    E_im = with_layout_constraint(E_im, fmt)
    E_re = with_layout_constraint(E_re, fmt)
    R_im = with_layout_constraint(R_im, fmt)
    R_re = with_layout_constraint(R_re, fmt)
    mesh = plsc.VectorSubcoreMesh(core_axis_name="c", subcore_axis_name="s",
                                  num_cores=NC, num_subcores=NS)
    kern = pl.kernel(
        _complex_body,
        out_type=jax.ShapeDtypeStruct((BATCH,), jnp.float32),
        mesh=mesh,
        scratch_types=[
            pltpu.VMEM((ROWS_PER_W,), jnp.int32),
            pltpu.VMEM((ROWS_PER_W,), jnp.int32),
            pltpu.VMEM((ROWS_PER_W,), jnp.int32),
            pltpu.VMEM((WAVE, EMBED_DIM), jnp.float32),
            pltpu.VMEM((WAVE, EMBED_DIM), jnp.float32),
            pltpu.VMEM((WAVE, EMBED_DIM), jnp.float32),
            pltpu.VMEM((WAVE, EMBED_DIM), jnp.float32),
            pltpu.VMEM((WAVE, EMBED_DIM), jnp.float32),
            pltpu.VMEM((WAVE, EMBED_DIM), jnp.float32),
            pltpu.VMEM((ROWS_PER_W,), jnp.float32),
            pltpu.SemaphoreType.DMA,
        ],
        compiler_params=pltpu.CompilerParams(needs_layout_passes=False),
    )
    return kern(s, r, o, E_im, R_im, E_re, R_re)


def kernel(s, r, o, E_im, R_im, E_re, R_re):
    s = s.astype(jnp.int32)
    r = r.astype(jnp.int32)
    o = o.astype(jnp.int32)
    return _complex_score(s, r, o, E_im, R_im, E_re, R_re)

# --- scband reference (transcript-rebuilt; emitter-appended) ---
"""Pipeline reference for scband-complex-1288490189389 (READ-ONLY COPY).

The authoritative reference and input builder live on the scoring server;
editing this copy changes nothing except your own understanding.
"""

import jax, jax.numpy as jnp
import numpy as np

ENTITY_COUNT = 1000000
RELATION_COUNT = 1000
EMBED_DIM = 64
BATCH = 16384


def setup_inputs(seed: int = 0) -> dict:
    key = jax.random.key(seed)
    k_s, k_r, k_o, k_eim, k_rim, k_ere, k_rre = jax.random.split(key, 7)
    s = jax.random.randint(k_s, (BATCH,), 0, ENTITY_COUNT, dtype=jnp.int64) if jax.config.jax_enable_x64 else jax.random.randint(k_s, (BATCH,), 0, ENTITY_COUNT).astype(jnp.int32)
    r = jax.random.randint(k_r, (BATCH,), 0, RELATION_COUNT).astype(s.dtype)
    o = jax.random.randint(k_o, (BATCH,), 0, ENTITY_COUNT).astype(s.dtype)
    E_im = jax.random.normal(k_eim, (ENTITY_COUNT, EMBED_DIM), dtype=jnp.float32) * 0.05
    R_im = jax.random.normal(k_rim, (RELATION_COUNT, EMBED_DIM), dtype=jnp.float32) * 0.05
    E_re = jax.random.normal(k_ere, (ENTITY_COUNT, EMBED_DIM), dtype=jnp.float32) * 0.05
    R_re = jax.random.normal(k_rre, (RELATION_COUNT, EMBED_DIM), dtype=jnp.float32) * 0.05
    return {"s": s, "r": r, "o": o, "E_im": E_im, "R_im": R_im, "E_re": E_re, "R_re": R_re}


def reference(s, r, o, E_im, R_im, E_re, R_re):
    # ComplEx scoring: gather embeddings then complex trilinear product.
    s_im = jnp.take(E_im, s, axis=0)
    r_im = jnp.take(R_im, r, axis=0)
    o_im = jnp.take(E_im, o, axis=0)
    s_re = jnp.take(E_re, s, axis=0)
    r_re = jnp.take(R_re, r, axis=0)
    o_re = jnp.take(E_re, o, axis=0)
    result = (s_re * o_re + s_im * o_im) * r_re + (s_re * o_im - s_im * o_re) * r_im
    return result.sum(axis=-1)

if __name__ == "__main__":
    import jax
    _d = setup_inputs()
    print(jax.jit(kernel)(*tuple(_d.values())))

</pallas_src>

<mosaic_0001>
#map = affine_map<(d0, d1) -> (0)>
#map1 = affine_map<(d0, d1) -> (0, 0)>
module attributes {stable_mosaic.version = 14 : i64} {
  func.func @_complex_body(%arg0: i32, %arg1: i32, %arg2: memref<16384xi32, #tpu.memory_space<hbm>>, %arg3: memref<16384xi32, #tpu.memory_space<hbm>>, %arg4: memref<16384xi32, #tpu.memory_space<hbm>>, %arg5: memref<1000000x64xf32, #tpu.memory_space<hbm>>, %arg6: memref<1000x64xf32, #tpu.memory_space<hbm>>, %arg7: memref<1000000x64xf32, #tpu.memory_space<hbm>>, %arg8: memref<1000x64xf32, #tpu.memory_space<hbm>>, %arg9: memref<16384xf32, #tpu.memory_space<hbm>>, %arg10: memref<512xi32, #tpu.memory_space<vmem>>, %arg11: memref<512xi32, #tpu.memory_space<vmem>>, %arg12: memref<512xi32, #tpu.memory_space<vmem>>, %arg13: memref<64x64xf32, #tpu.memory_space<vmem>>, %arg14: memref<64x64xf32, #tpu.memory_space<vmem>>, %arg15: memref<64x64xf32, #tpu.memory_space<vmem>>, %arg16: memref<64x64xf32, #tpu.memory_space<vmem>>, %arg17: memref<64x64xf32, #tpu.memory_space<vmem>>, %arg18: memref<64x64xf32, #tpu.memory_space<vmem>>, %arg19: memref<512xf32, #tpu.memory_space<vmem>>, %arg20: memref<!tpu.dma_semaphore, #tpu.memory_space<semaphore_mem>>) attributes {dimension_semantics = [#tpu.dimension_semantics<core_parallel>, #tpu.dimension_semantics<subcore_parallel>], iteration_bounds = array<i64: 2, 16>, scalar_prefetch = 0 : i64, scratch_operands = 11 : i64, tpu.core_type = #tpu.core_type<sc_vector_subcore>, window_params = [{transform_indices = #map}, {transform_indices = #map}, {transform_indices = #map}, {transform_indices = #map1}, {transform_indices = #map1}, {transform_indices = #map1}, {transform_indices = #map1}, {transform_indices = #map}]} {
    %mul3A = arith.constant 2 : i32
    %mul3A_0 = arith.muli %arg1, %mul3A : i32
    %add3A = arith.addi %mul3A_0, %arg0 : i32
    %mul3A_1 = arith.constant 512 : i32
    %mul3A_2 = arith.muli %add3A, %mul3A_1 : i32
    "tpu.region"() ({
      %run_scoped3A = tpu.sem_alloc : memref<!tpu.dma_semaphore, #tpu.memory_space<semaphore_mem>>
      %dma_start3A = tpu.memref_slice %arg2[%mul3A_2] : memref<16384xi32, #tpu.memory_space<hbm>> -> memref<512xi32, #tpu.memory_space<hbm>>
      %dma_start3A_9 = tpu.memref_slice %arg2[%mul3A_2] : memref<16384xi32, #tpu.memory_space<hbm>> -> memref<512xi32, #tpu.memory_space<hbm>>
      tpu.enqueue_dma source(%dma_start3A_9 : memref<512xi32, #tpu.memory_space<hbm>>) target(%arg10 : memref<512xi32, #tpu.memory_space<vmem>>) target_semaphore(%run_scoped3A : memref<!tpu.dma_semaphore, #tpu.memory_space<semaphore_mem>>)
      %dma_wait3A = tpu.memref_slice %arg2[%mul3A_2] : memref<16384xi32, #tpu.memory_space<hbm>> -> memref<512xi32, #tpu.memory_space<hbm>>
      %dma_wait3A_10 = tpu.memref_slice %arg2[%mul3A_2] : memref<16384xi32, #tpu.memory_space<hbm>> -> memref<512xi32, #tpu.memory_space<hbm>>
      tpu.wait_dma2 semaphore(%run_scoped3A : memref<!tpu.dma_semaphore, #tpu.memory_space<semaphore_mem>>) src(%dma_wait3A_10 : memref<512xi32, #tpu.memory_space<hbm>>) dst(%arg10 : memref<512xi32, #tpu.memory_space<vmem>>)
      tpu.yield
    }) : () -> ()
    "tpu.region"() ({
      %run_scoped3A = tpu.sem_alloc : memref<!tpu.dma_semaphore, #tpu.memory_space<semaphore_mem>>
      %dma_start3A = tpu.memref_slice %arg3[%mul3A_2] : memref<16384xi32, #tpu.memory_space<hbm>> -> memref<512xi32, #tpu.memory_space<hbm>>
      %dma_start3A_9 = tpu.memref_slice %arg3[%mul3A_2] : memref<16384xi32, #tpu.memory_space<hbm>> -> memref<512xi32, #tpu.memory_space<hbm>>
      tpu.enqueue_dma source(%dma_start3A_9 : memref<512xi32, #tpu.memory_space<hbm>>) target(%arg11 : memref<512xi32, #tpu.memory_space<vmem>>) target_semaphore(%run_scoped3A : memref<!tpu.dma_semaphore, #tpu.memory_space<semaphore_mem>>)
      %dma_wait3A = tpu.memref_slice %arg3[%mul3A_2] : memref<16384xi32, #tpu.memory_space<hbm>> -> memref<512xi32, #tpu.memory_space<hbm>>
      %dma_wait3A_10 = tpu.memref_slice %arg3[%mul3A_2] : memref<16384xi32, #tpu.memory_space<hbm>> -> memref<512xi32, #tpu.memory_space<hbm>>
      tpu.wait_dma2 semaphore(%run_scoped3A : memref<!tpu.dma_semaphore, #tpu.memory_space<semaphore_mem>>) src(%dma_wait3A_10 : memref<512xi32, #tpu.memory_space<hbm>>) dst(%arg11 : memref<512xi32, #tpu.memory_space<vmem>>)
      tpu.yield
    }) : () -> ()
    "tpu.region"() ({
      %run_scoped3A = tpu.sem_alloc : memref<!tpu.dma_semaphore, #tpu.memory_space<semaphore_mem>>
      %dma_start3A = tpu.memref_slice %arg4[%mul3A_2] : memref<16384xi32, #tpu.memory_space<hbm>> -> memref<512xi32, #tpu.memory_space<hbm>>
      %dma_start3A_9 = tpu.memref_slice %arg4[%mul3A_2] : memref<16384xi32, #tpu.memory_space<hbm>> -> memref<512xi32, #tpu.memory_space<hbm>>
      tpu.enqueue_dma source(%dma_start3A_9 : memref<512xi32, #tpu.memory_space<hbm>>) target(%arg12 : memref<512xi32, #tpu.memory_space<vmem>>) target_semaphore(%run_scoped3A : memref<!tpu.dma_semaphore, #tpu.memory_space<semaphore_mem>>)
      %dma_wait3A = tpu.memref_slice %arg4[%mul3A_2] : memref<16384xi32, #tpu.memory_space<hbm>> -> memref<512xi32, #tpu.memory_space<hbm>>
      %dma_wait3A_10 = tpu.memref_slice %arg4[%mul3A_2] : memref<16384xi32, #tpu.memory_space<hbm>> -> memref<512xi32, #tpu.memory_space<hbm>>
      tpu.wait_dma2 semaphore(%run_scoped3A : memref<!tpu.dma_semaphore, #tpu.memory_space<semaphore_mem>>) src(%dma_wait3A_10 : memref<512xi32, #tpu.memory_space<hbm>>) dst(%arg12 : memref<512xi32, #tpu.memory_space<vmem>>)
      tpu.yield
    }) : () -> ()
    %iota3A = tpu.iota {dimensions = array<i32: 0>} : vector<16xi32>
    %scan3A = arith.constant 0 : i32
    %scan3A_3 = arith.constant 0 : i32
    %scan3A_4 = arith.constant 8 : i32
    %scan3A_5 = arith.addi %scan3A_3, %scan3A_4 : i32
    %scan3A_6 = arith.constant 1 : i32
    %scan3A_7 = scf.for %scan3A_9 = %scan3A_3 to %scan3A_5 step %scan3A_6 iter_args(%scan3A_10 = %scan3A) -> (i32)  : i32 {
      %scan3A_11 = arith.constant 0 : i32
      %scan3A_12 = arith.constant 0 : i32
      %scan3A_13 = arith.constant 4 : i32
      %scan3A_14 = arith.addi %scan3A_12, %scan3A_13 : i32
      %scan3A_15 = arith.constant 1 : i32
      %scan3A_16 = scf.for %scan3A_61 = %scan3A_12 to %scan3A_14 step %scan3A_15 iter_args(%scan3A_62 = %scan3A_11) -> (i32)  : i32 {
        %mul3A_63 = arith.constant 64 : i32
        %mul3A_64 = arith.muli %scan3A_9, %mul3A_63 : i32
        %mul3A_65 = arith.constant 16 : i32
        %mul3A_66 = arith.muli %scan3A_61, %mul3A_65 : i32
        %add3A_67 = arith.addi %mul3A_64, %mul3A_66 : i32
        %get3A = arith.index_cast %add3A_67 : i32 to index
        %get3A_68 = tpu.vector_load %arg10[%get3A] {strides = array<i32>} : memref<512xi32, #tpu.memory_space<vmem>>, vector<16xi32>,
        %mul3A_69 = arith.constant 64 : i32
        %mul3A_70 = arith.muli %scan3A_9, %mul3A_69 : i32
        %mul3A_71 = arith.constant 16 : i32
        %mul3A_72 = arith.muli %scan3A_61, %mul3A_71 : i32
        %add3A_73 = arith.addi %mul3A_70, %mul3A_72 : i32
        %get3A_74 = arith.index_cast %add3A_73 : i32 to index
        %get3A_75 = tpu.vector_load %arg12[%get3A_74] {strides = array<i32>} : memref<512xi32, #tpu.memory_space<vmem>>, vector<16xi32>,
        %mul3A_76 = arith.constant 64 : i32
        %mul3A_77 = arith.muli %scan3A_9, %mul3A_76 : i32
        %mul3A_78 = arith.constant 16 : i32
        %mul3A_79 = arith.muli %scan3A_61, %mul3A_78 : i32
        %add3A_80 = arith.addi %mul3A_77, %mul3A_79 : i32
        %get3A_81 = arith.index_cast %add3A_80 : i32 to index
        %get3A_82 = tpu.vector_load %arg11[%get3A_81] {strides = array<i32>} : memref<512xi32, #tpu.memory_space<vmem>>, vector<16xi32>,
        %mul3A_83 = arith.constant 16 : i32
        %mul3A_84 = arith.muli %scan3A_61, %mul3A_83 : i32
        %add3A_85 = arith.constant 0 : i32
        %add3A_86 = arith.addi %mul3A_84, %add3A_85 : i32
        %slice3A = vector.extract_strided_slice %get3A_68 {offsets = [0], sizes = [1], strides = [1]} : vector<16xi32> to vector<1xi32>
        %squeeze3A = vector.extract %slice3A[0] : i32 from vector<1xi32>
        %slice3A_87 = vector.extract_strided_slice %get3A_75 {offsets = [0], sizes = [1], strides = [1]} : vector<16xi32> to vector<1xi32>
        %squeeze3A_88 = vector.extract %slice3A_87[0] : i32 from vector<1xi32>
        %slice3A_89 = vector.extract_strided_slice %get3A_82 {offsets = [0], sizes = [1], strides = [1]} : vector<16xi32> to vector<1xi32>
        %squeeze3A_90 = vector.extract %slice3A_89[0] : i32 from vector<1xi32>
        %dma_start3A = arith.constant 0 : i32
        %dma_start3A_91 = tpu.memref_slice %arg13[%add3A_86, %dma_start3A] : memref<64x64xf32, #tpu.memory_space<vmem>> -> memref<1x64xf32, #tpu.memory_space<vmem>>
        %dma_start3A_92 = arith.constant 0 : i32
        %dma_start3A_93 = tpu.memref_slice %arg7[%squeeze3A, %dma_start3A_92] : memref<1000000x64xf32, #tpu.memory_space<hbm>> -> memref<1x64xf32, #tpu.memory_space<hbm>>
        %dma_start3A_94 = arith.constant 0 : i32
        %dma_start3A_95 = tpu.memref_slice %arg13[%add3A_86, %dma_start3A_94] : memref<64x64xf32, #tpu.memory_space<vmem>> -> memref<1x64xf32, #tpu.memory_space<vmem>>
        %dma_start3A_96 = arith.constant 0 : i32
        %dma_start3A_97 = tpu.memref_slice %arg7[%squeeze3A, %dma_start3A_96] : memref<1000000x64xf32, #tpu.memory_space<hbm>> -> memref<1x64xf32, #tpu.memory_space<hbm>>
        tpu.enqueue_dma source(%dma_start3A_97 : memref<1x64xf32, #tpu.memory_space<hbm>>) target(%dma_start3A_95 : memref<1x64xf32, #tpu.memory_space<vmem>>) target_semaphore(%arg20 : memref<!tpu.dma_semaphore, #tpu.memory_space<semaphore_mem>>)
        %dma_start3A_98 = arith.constant 0 : i32
        %dma_start3A_99 = tpu.memref_slice %arg14[%add3A_86, %dma_start3A_98] : memref<64x64xf32, #tpu.memory_space<vmem>> -> memref<1x64xf32, #tpu.memory_space<vmem>>
        %dma_start3A_100 = arith.constant 0 : i32
        %dma_start3A_101 = tpu.memref_slice %arg5[%squeeze3A, %dma_start3A_100] : memref<1000000x64xf32, #tpu.memory_space<hbm>> -> memref<1x64xf32, #tpu.memory_space<hbm>>
        %dma_start3A_102 = arith.constant 0 : i32
        %dma_start3A_103 = tpu.memref_slice %arg14[%add3A_86, %dma_start3A_102] : memref<64x64xf32, #tpu.memory_space<vmem>> -> memref<1x64xf32, #tpu.memory_space<vmem>>
        %dma_start3A_104 = arith.constant 0 : i32
        %dma_start3A_105 = tpu.memref_slice %arg5[%squeeze3A, %dma_start3A_104] : memref<1000000x64xf32, #tpu.memory_space<hbm>> -> memref<1x64xf32, #tpu.memory_space<hbm>>
        tpu.enqueue_dma source(%dma_start3A_105 : memref<1x64xf32, #tpu.memory_space<hbm>>) target(%dma_start3A_103 : memref<1x64xf32, #tpu.memory_space<vmem>>) target_semaphore(%arg20 : memref<!tpu.dma_semaphore, #tpu.memory_space<semaphore_mem>>)
        %dma_start3A_106 = arith.constant 0 : i32
        %dma_start3A_107 = tpu.memref_slice %arg15[%add3A_86, %dma_start3A_106] : memref<64x64xf32, #tpu.memory_space<vmem>> -> memref<1x64xf32, #tpu.memory_space<vmem>>
        %dma_start3A_108 = arith.constant 0 : i32
        %dma_start3A_109 = tpu.memref_slice %arg7[%squeeze3A_88, %dma_start3A_108] : memref<1000000x64xf32, #tpu.memory_space<hbm>> -> memref<1x64xf32, #tpu.memory_space<hbm>>
        %dma_start3A_110 = arith.constant 0 : i32
        %dma_start3A_111 = tpu.memref_slice %arg15[%add3A_86, %dma_start3A_110] : memref<64x64xf32, #tpu.memory_space<vmem>> -> memref<1x64xf32, #tpu.memory_space<vmem>>
        %dma_start3A_112 = arith.constant 0 : i32
        %dma_start3A_113 = tpu.memref_slice %arg7[%squeeze3A_88, %dma_start3A_112] : memref<1000000x64xf32, #tpu.memory_space<hbm>> -> memref<1x64xf32, #tpu.memory_space<hbm>>
        tpu.enqueue_dma source(%dma_start3A_113 : memref<1x64xf32, #tpu.memory_space<hbm>>) target(%dma_start3A_111 : memref<1x64xf32, #tpu.memory_space<vmem>>) target_semaphore(%arg20 : memref<!tpu.dma_semaphore, #tpu.memory_space<semaphore_mem>>)
        %dma_start3A_114 = arith.constant 0 : i32
        %dma_start3A_115 = tpu.memref_slice %arg16[%add3A_86, %dma_start3A_114] : memref<64x64xf32, #tpu.memory_space<vmem>> -> memref<1x64xf32, #tpu.memory_space<vmem>>
        %dma_start3A_116 = arith.constant 0 : i32
        %dma_start3A_117 = tpu.memref_slice %arg5[%squeeze3A_88, %dma_start3A_116] : memref<1000000x64xf32, #tpu.memory_space<hbm>> -> memref<1x64xf32, #tpu.memory_space<hbm>>
        %dma_start3A_118 = arith.constant 0 : i32
        %dma_start3A_119 = tpu.memref_slice %arg16[%add3A_86, %dma_start3A_118] : memref<64x64xf32, #tpu.memory_space<vmem>> -> memref<1x64xf32, #tpu.memory_space<vmem>>
        %dma_start3A_120 = arith.constant 0 : i32
        %dma_start3A_121 = tpu.memref_slice %arg5[%squeeze3A_88, %dma_start3A_120] : memref<1000000x64xf32, #tpu.memory_space<hbm>> -> memref<1x64xf32, #tpu.memory_space<hbm>>
        tpu.enqueue_dma source(%dma_start3A_121 : memref<1x64xf32, #tpu.memory_space<hbm>>) target(%dma_start3A_119 : memref<1x64xf32, #tpu.memory_space<vmem>>) target_semaphore(%arg20 : memref<!tpu.dma_semaphore, #tpu.memory_space<semaphore_mem>>)
        %dma_start3A_122 = arith.constant 0 : i32
        %dma_start3A_123 = tpu.memref_slice %arg17[%add3A_86, %dma_start3A_122] : memref<64x64xf32, #tpu.memory_space<vmem>> -> memref<1x64xf32, #tpu.memory_space<vmem>>
        %dma_start3A_124 = arith.constant 0 : i32
        %dma_start3A_125 = tpu.memref_slice %arg8[%squeeze3A_90, %dma_start3A_124] : memref<1000x64xf32, #tpu.memory_space<hbm>> -> memref<1x64xf32, #tpu.memory_space<hbm>>
        %dma_start3A_126 = arith.constant 0 : i32
        %dma_start3A_127 = tpu.memref_slice %arg17[%add3A_86, %dma_start3A_126] : memref<64x64xf32, #tpu.memory_space<vmem>> -> memref<1x64xf32, #tpu.memory_space<vmem>>
        %dma_start3A_128 = arith.constant 0 : i32
        %dma_start3A_129 = tpu.memref_slice %arg8[%squeeze3A_90, %dma_start3A_128] : memref<1000x64xf32, #tpu.memory_space<hbm>> -> memref<1x64xf32, #tpu.memory_space<hbm>>
        tpu.enqueue_dma source(%dma_start3A_129 : memref<1x64xf32, #tpu.memory_space<hbm>>) target(%dma_start3A_127 : memref<1x64xf32, #tpu.memory_space<vmem>>) target_semaphore(%arg20 : memref<!tpu.dma_semaphore, #tpu.memory_space<semaphore_mem>>)
        %dma_start3A_130 = arith.constant 0 : i32
        %dma_start3A_131 = tpu.memref_slice %arg18[%add3A_86, %dma_start3A_130] : memref<64x64xf32, #tpu.memory_space<vmem>> -> memref<1x64xf32, #tpu.memory_space<vmem>>
        %dma_start3A_132 = arith.constant 0 : i32
        %dma_start3A_133 = tpu.memref_slice %arg6[%squeeze3A_90, %dma_start3A_132] : memref<1000x64xf32, #tpu.memory_space<hbm>> -> memref<1x64xf32, #tpu.memory_space<hbm>>
        %dma_start3A_134 = arith.constant 0 : i32
        %dma_start3A_135 = tpu.memref_slice %arg18[%add3A_86, %dma_start3A_134] : memref<64x64xf32, #tpu.memory_space<vmem>> -> memref<1x64xf32, #tpu.memory_space<vmem>>
        %dma_start3A_136 = arith.constant 0 : i32
        %dma_start3A_137 = tpu.memref_slice %arg6[%squeeze3A_90, %dma_start3A_136] : memref<1000x64xf32, #tpu.memory_space<hbm>> -> memref<1x64xf32, #tpu.memory_space<hbm>>
        tpu.enqueue_dma source(%dma_start3A_137 : memref<1x64xf32, #tpu.memory_space<hbm>>) target(%dma_start3A_135 : memref<1x64xf32, #tpu.memory_space<vmem>>) target_semaphore(%arg20 : memref<!tpu.dma_semaphore, #tpu.memory_space<semaphore_mem>>)
        %mul3A_138 = arith.constant 16 : i32
        %mul3A_139 = arith.muli %scan3A_61, %mul3A_138 : i32
        %add3A_140 = arith.constant 1 : i32
        %add3A_141 = arith.addi %mul3A_139, %add3A_140 : i32
        %slice3A_142 = vector.extract_strided_slice %get3A_68 {offsets = [1], sizes = [1], strides = [1]} : vector<16xi32> to vector<1xi32>
        %squeeze3A_143 = vector.extract %slice3A_142[0] : i32 from vector<1xi32>
        %slice3A_144 = vector.extract_strided_slice %get3A_75 {offsets = [1], sizes = [1], strides = [1]} : vector<16xi32> to vector<1xi32>
        %squeeze3A_145 = vector.extract %slice3A_144[0] : i32 from vector<1xi32>
        %slice3A_146 = vector.extract_strided_slice %get3A_82 {offsets = [1], sizes = [1], strides = [1]} : vector<16xi32> to vector<1xi32>
        %squeeze3A_147 = vector.extract %slice3A_146[0] : i32 from vector<1xi32>
        %dma_start3A_148 = arith.constant 0 : i32
        %dma_start3A_149 = tpu.memref_slice %arg13[%add3A_141, %dma_start3A_148] : memref<64x64xf32, #tpu.memory_space<vmem>> -> memref<1x64xf32, #tpu.memory_space<vmem>>
        %dma_start3A_150 = arith.constant 0 : i32
        %dma_start3A_151 = tpu.memref_slice %arg7[%squeeze3A_143, %dma_start3A_150] : memref<1000000x64xf32, #tpu.memory_space<hbm>> -> memref<1x64xf32, #tpu.memory_space<hbm>>
        %dma_start3A_152 = arith.constant 0 : i32
        %dma_start3A_153 = tpu.memref_slice %arg13[%add3A_141, %dma_start3A_152] : memref<64x64xf32, #tpu.memory_space<vmem>> -> memref<1x64xf32, #tpu.memory_space<vmem>>
        %dma_start3A_154 = arith.constant 0 : i32
        %dma_start3A_155 = tpu.memref_slice %arg7[%squeeze3A_143, %dma_start3A_154] : memref<1000000x64xf32, #tpu.memory_space<hbm>> -> memref<1x64xf32, #tpu.memory_space<hbm>>
        tpu.enqueue_dma source(%dma_start3A_155 : memref<1x64xf32, #tpu.memory_space<hbm>>) target(%dma_start3A_153 : memref<1x64xf32, #tpu.memory_space<vmem>>) target_semaphore(%arg20 : memref<!tpu.dma_semaphore, #tpu.memory_space<semaphore_mem>>)
        %dma_start3A_156 = arith.constant 0 : i32
        %dma_start3A_157 = tpu.memref_slice %arg14[%add3A_141, %dma_start3A_156] : memref<64x64xf32, #tpu.memory_space<vmem>> -> memref<1x64xf32, #tpu.memory_space<vmem>>
        %dma_start3A_158 = arith.constant 0 : i32
        %dma_start3A_159 = tpu.memref_slice %arg5[%squeeze3A_143, %dma_start3A_158] : memref<1000000x64xf32, #tpu.memory_space<hbm>> -> memref<1x64xf32, #tpu.memory_space<hbm>>
        %dma_start3A_160 = arith.constant 0 : i32
        %dma_start3A_161 = tpu.memref_slice %arg14[%add3A_141, %dma_start3A_160] : memref<64x64xf32, #tpu.memory_space<vmem>> -> memref<1x64xf32, #tpu.memory_space<vmem>>
        %dma_start3A_162 = arith.constant 0 : i32
        %dma_start3A_163 = tpu.memref_slice %arg5[%squeeze3A_143, %dma_start3A_162] : memref<1000000x64xf32, #tpu.memory_space<hbm>> -> memref<1x64xf32, #tpu.memory_space<hbm>>
        tpu.enqueue_dma source(%dma_start3A_163 : memref<1x64xf32, #tpu.memory_space<hbm>>) target(%dma_start3A_161 : memref<1x64xf32, #tpu.memory_space<vmem>>) target_semaphore(%arg20 : memref<!tpu.dma_semaphore, #tpu.memory_space<semaphore_mem>>)
        %dma_start3A_164 = arith.constant 0 : i32
        %dma_start3A_165 = tpu.memref_slice %arg15[%add3A_141, %dma_start3A_164] : memref<64x64xf32, #tpu.memory_space<vmem>> -> memref<1x64xf32, #tpu.memory_space<vmem>>
        %dma_start3A_166 = arith.constant 0 : i32
        %dma_start3A_167 = tpu.memref_slice %arg7[%squeeze3A_145, %dma_start3A_166] : memref<1000000x64xf32, #tpu.memory_space<hbm>> -> memref<1x64xf32, #tpu.memory_space<hbm>>
        %dma_start3A_168 = arith.constant 0 : i32
        %dma_start3A_169 = tpu.memref_slice %arg15[%add3A_141, %dma_start3A_168] : memref<64x64xf32, #tpu.memory_space<vmem>> -> memref<1x64xf32, #tpu.memory_space<vmem>>
        %dma_start3A_170 = arith.constant 0 : i32
        %dma_start3A_171 = tpu.memref_slice %arg7[%squeeze3A_145, %dma_start3A_170] : memref<1000000x64xf32, #tpu.memory_space<hbm>> -> memref<1x64xf32, #tpu.memory_space<hbm>>
        tpu.enqueue_dma source(%dma_start3A_171 : memref<1x64xf32, #tpu.memory_space<hbm>>) target(%dma_start3A_169 : memref<1x64xf32, #tpu.memory_space<vmem>>) target_semaphore(%arg20 : memref<!tpu.dma_semaphore, #tpu.memory_space<semaphore_mem>>)
        %dma_start3A_172 = arith.constant 0 : i32
        %dma_start3A_173 = tpu.memref_slice %arg16[%add3A_141, %dma_start3A_172] : memref<64x64xf32, #tpu.memory_space<vmem>> -> memref<1x64xf32, #tpu.memory_space<vmem>>
        %dma_start3A_174 = arith.constant 0 : i32
        %dma_start3A_175 = tpu.memref_slice %arg5[%squeeze3A_145, %dma_start3A_174] : memref<1000000x64xf32, #tpu.memory_space<hbm>> -> memref<1x64xf32, #tpu.memory_space<hbm>>
        %dma_start3A_176 = arith.constant 0 : i32
        %dma_start3A_177 = tpu.memref_slice %arg16[%add3A_141, %dma_start3A_176] : memref<64x64xf32, #tpu.memory_space<vmem>> -> memref<1x64xf32, #tpu.memory_space<vmem>>
        %dma_start3A_178 = arith.constant 0 : i32
        %dma_start3A_179 = tpu.memref_slice %arg5[%squeeze3A_145, %dma_start3A_178] : memref<1000000x64xf32, #tpu.memory_space<hbm>> -> memref<1x64xf32, #tpu.memory_space<hbm>>
        tpu.enqueue_dma source(%dma_start3A_179 : memref<1x64xf32, #tpu.memory_space<hbm>>) target(%dma_start3A_177 : memref<1x64xf32, #tpu.memory_space<vmem>>) target_semaphore(%arg20 : memref<!tpu.dma_semaphore, #tpu.memory_space<semaphore_mem>>)
        %dma_start3A_180 = arith.constant 0 : i32
        %dma_start3A_181 = tpu.memref_slice %arg17[%add3A_141, %dma_start3A_180] : memref<64x64xf32, #tpu.memory_space<vmem>> -> memref<1x64xf32, #tpu.memory_space<vmem>>
        %dma_start3A_182 = arith.constant 0 : i32
        %dma_start3A_183 = tpu.memref_slice %arg8[%squeeze3A_147, %dma_start3A_182] : memref<1000x64xf32, #tpu.memory_space<hbm>> -> memref<1x64xf32, #tpu.memory_space<hbm>>
        %dma_start3A_184 = arith.constant 0 : i32
        %dma_start3A_185 = tpu.memref_slice %arg17[%add3A_141, %dma_start3A_184] : memref<64x64xf32, #tpu.memory_space<vmem>> -> memref<1x64xf32, #tpu.memory_space<vmem>>
        %dma_start3A_186 = arith.constant 0 : i32
        %dma_start3A_187 = tpu.memref_slice %arg8[%squeeze3A_147, %dma_start3A_186] : memref<1000x64xf32, #tpu.memory_space<hbm>> -> memref<1x64xf32, #tpu.memory_space<hbm>>
        tpu.enqueue_dma source(%dma_start3A_187 : memref<1x64xf32, #tpu.memory_space<hbm>>) target(%dma_start3A_185 : memref<1x64xf32, #tpu.memory_space<vmem>>) target_semaphore(%arg20 : memref<!tpu.dma_semaphore, #tpu.memory_space<semaphore_mem>>)
        %dma_start3A_188 = arith.constant 0 : i32
        %dma_start3A_189 = tpu.memref_slice %arg18[%add3A_141, %dma_start3A_188] : memref<64x64xf32, #tpu.memory_space<vmem>> -> memref<1x64xf32, #tpu.memory_space<vmem>>
        %dma_start3A_190 = arith.constant 0 : i32
        %dma_start3A_191 = tpu.memref_slice %arg6[%squeeze3A_147, %dma_start3A_190] : memref<1000x64xf32, #tpu.memory_space<hbm>> -> memref<1x64xf32, #tpu.memory_space<hbm>>
        %dma_start3A_192 = arith.constant 0 : i32
        %dma_start3A_193 = tpu.memref_slice %arg18[%add3A_141, %dma_start3A_192] : memref<64x64xf32, #tpu.memory_space<vmem>> -> memref<1x64xf32, #tpu.memory_space<vmem>>
        %dma_start3A_194 = arith.constant 0 : i32
        %dma_start3A_195 = tpu.memref_slice %arg6[%squeeze3A_147, %dma_start3A_194] : memref<1000x64xf32, #tpu.memory_space<hbm>> -> memref<1x64xf32, #tpu.memory_space<hbm>>
        tpu.enqueue_dma source(%dma_start3A_195 : memref<1x64xf32, #tpu.memory_space<hbm>>) target(%dma_start3A_193 : memref<1x64xf32, #tpu.memory_space<vmem>>) target_semaphore(%arg20 : memref<!tpu.dma_semaphore, #tpu.memory_space<semaphore_mem>>)
        %mul3A_196 = arith.constant 16 : i32
        %mul3A_197 = arith.muli %scan3A_61, %mul3A_196 : i32
        %add3A_198 = arith.constant 2 : i32
        %add3A_199 = arith.addi %mul3A_197, %add3A_198 : i32
        %slice3A_200 = vector.extract_strided_slice %get3A_68 {offsets = [2], sizes = [1], strides = [1]} : vector<16xi32> to vector<1xi32>
        %squeeze3A_201 = vector.extract %slice3A_200[0] : i32 from vector<1xi32>
        %slice3A_202 = vector.extract_strided_slice %get3A_75 {offsets = [2], sizes = [1], strides = [1]} : vector<16xi32> to vector<1xi32>
        %squeeze3A_203 = vector.extract %slice3A_202[0] : i32 from vector<1xi32>
        %slice3A_204 = vector.extract_strided_slice %get3A_82 {offsets = [2], sizes = [1], strides = [1]} : vector<16xi32> to vector<1xi32>
        %squeeze3A_205 = vector.extract %slice3A_204[0] : i32 from vector<1xi32>
        %dma_start3A_206 = arith.constant 0 : i32
        %dma_start3A_207 = tpu.memref_slice %arg13[%add3A_199, %dma_start3A_206] : memref<64x64xf32, #tpu.memory_space<vmem>> -> memref<1x64xf32, #tpu.memory_space<vmem>>
        %dma_start3A_208 = arith.constant 0 : i32
        %dma_start3A_209 = tpu.memref_slice %arg7[%squeeze3A_201, %dma_start3A_208] : memref<1000000x64xf32, #tpu.memory_space<hbm>> -> memref<1x64xf32, #tpu.memory_space<hbm>>
        %dma_start3A_210 = arith.constant 0 : i32
        %dma_start3A_211 = tpu.memref_slice %arg13[%add3A_199, %dma_start3A_210] : memref<64x64xf32, #tpu.memory_space<vmem>> -> memref<1x64xf32, #tpu.memory_space<vmem>>
        %dma_start3A_212 = arith.constant 0 : i32
        %dma_start3A_213 = tpu.memref_slice %arg7[%squeeze3A_201, %dma_start3A_212] : memref<1000000x64xf32, #tpu.memory_space<hbm>> -> memref<1x64xf32, #tpu.memory_space<hbm>>
        tpu.enqueue_dma source(%dma_start3A_213 : memref<1x64xf32, #tpu.memory_space<hbm>>) target(%dma_start3A_211 : memref<1x64xf32, #tpu.memory_space<vmem>>) target_semaphore(%arg20 : memref<!tpu.dma_semaphore, #tpu.memory_space<semaphore_mem>>)
        %dma_start3A_214 = arith.constant 0 : i32
        %dma_start3A_215 = tpu.memref_slice %arg14[%add3A_199, %dma_start3A_214] : memref<64x64xf32, #tpu.memory_space<vmem>> -> memref<1x64xf32, #tpu.memory_space<vmem>>
        %dma_start3A_216 = arith.constant 0 : i32
        %dma_start3A_217 = tpu.memref_slice %arg5[%squeeze3A_201, %dma_start3A_216] : memref<1000000x64xf32, #tpu.memory_space<hbm>> -> memref<1x64xf32, #tpu.memory_space<hbm>>
        %dma_start3A_218 = arith.constant 0 : i32
        %dma_start3A_219 = tpu.memref_slice %arg14[%add3A_199, %dma_start3A_218] : memref<64x64xf32, #tpu.memory_space<vmem>> -> memref<1x64xf32, #tpu.memory_space<vmem>>
        %dma_start3A_220 = arith.constant 0 : i32
        %dma_start3A_221 = tpu.memref_slice %arg5[%squeeze3A_201, %dma_start3A_220] : memref<1000000x64xf32, #tpu.memory_space<hbm>> -> memref<1x64xf32, #tpu.memory_space<hbm>>
        tpu.enqueue_dma source(%dma_start3A_221 : memref<1x64xf32, #tpu.memory_space<hbm>>) target(%dma_start3A_219 : memref<1x64xf32, #tpu.memory_space<vmem>>) target_semaphore(%arg20 : memref<!tpu.dma_semaphore, #tpu.memory_space<semaphore_mem>>)
        %dma_start3A_222 = arith.constant 0 : i32
        %dma_start3A_223 = tpu.memref_slice %arg15[%add3A_199, %dma_start3A_222] : memref<64x64xf32, #tpu.memory_space<vmem>> -> memref<1x64xf32, #tpu.memory_space<vmem>>
        %dma_start3A_224 = arith.constant 0 : i32
        %dma_start3A_225 = tpu.memref_slice %arg7[%squeeze3A_203, %dma_start3A_224] : memref<1000000x64xf32, #tpu.memory_space<hbm>> -> memref<1x64xf32, #tpu.memory_space<hbm>>
        %dma_start3A_226 = arith.constant 0 : i32
        %dma_start3A_227 = tpu.memref_slice %arg15[%add3A_199, %dma_start3A_226] : memref<64x64xf32, #tpu.memory_space<vmem>> -> memref<1x64xf32, #tpu.memory_space<vmem>>
        %dma_start3A_228 = arith.constant 0 : i32
        %dma_start3A_229 = tpu.memref_slice %arg7[%squeeze3A_203, %dma_start3A_228] : memref<1000000x64xf32, #tpu.memory_space<hbm>> -> memref<1x64xf32, #tpu.memory_space<hbm>>
        tpu.enqueue_dma source(%dma_start3A_229 : memref<1x64xf32, #tpu.memory_space<hbm>>) target(%dma_start3A_227 : memref<1x64xf32, #tpu.memory_space<vmem>>) target_semaphore(%arg20 : memref<!tpu.dma_semaphore, #tpu.memory_space<semaphore_mem>>)
        %dma_start3A_230 = arith.constant 0 : i32
        %dma_start3A_231 = tpu.memref_slice %arg16[%add3A_199, %dma_start3A_230] : memref<64x64xf32, #tpu.memory_space<vmem>> -> memref<1x64xf32, #tpu.memory_space<vmem>>
        %dma_start3A_232 = arith.constant 0 : i32
        %dma_start3A_233 = tpu.memref_slice %arg5[%squeeze3A_203, %dma_start3A_232] : memref<1000000x64xf32, #tpu.memory_space<hbm>> -> memref<1x64xf32, #tpu.memory_space<hbm>>
        %dma_start3A_234 = arith.constant 0 : i32
        %dma_start3A_235 = tpu.memref_slice %arg16[%add3A_199, %dma_start3A_234] : memref<64x64xf32, #tpu.memory_space<vmem>> -> memref<1x64xf32, #tpu.memory_space<vmem>>
        %dma_start3A_236 = arith.constant 0 : i32
        %dma_start3A_237 = tpu.memref_slice %arg5[%squeeze3A_203, %dma_start3A_236] : memref<1000000x64xf32, #tpu.memory_space<hbm>> -> memref<1x64xf32, #tpu.memory_space<hbm>>
        tpu.enqueue_dma source(%dma_start3A_237 : memref<1x64xf32, #tpu.memory_space<hbm>>) target(%dma_start3A_235 : memref<1x64xf32, #tpu.memory_space<vmem>>) target_semaphore(%arg20 : memref<!tpu.dma_semaphore, #tpu.memory_space<semaphore_mem>>)
        %dma_start3A_238 = arith.constant 0 : i32
        %dma_start3A_239 = tpu.memref_slice %arg17[%add3A_199, %dma_start3A_238] : memref<64x64xf32, #tpu.memory_space<vmem>> -> memref<1x64xf32, #tpu.memory_space<vmem>>
        %dma_start3A_240 = arith.constant 0 : i32
        %dma_start3A_241 = tpu.memref_slice %arg8[%squeeze3A_205, %dma_start3A_240] : memref<1000x64xf32, #tpu.memory_space<hbm>> -> memref<1x64xf32, #tpu.memory_space<hbm>>
        %dma_start3A_242 = arith.constant 0 : i32
        %dma_start3A_243 = tpu.memref_slice %arg17[%add3A_199, %dma_start3A_242] : memref<64x64xf32, #tpu.memory_space<vmem>> -> memref<1x64xf32, #tpu.memory_space<vmem>>
        %dma_start3A_244 = arith.constant 0 : i32
        %dma_start3A_245 = tpu.memref_slice %arg8[%squeeze3A_205, %dma_start3A_244] : memref<1000x64xf32, #tpu.memory_space<hbm>> -> memref<1x64xf32, #tpu.memory_space<hbm>>
        tpu.enqueue_dma source(%dma_start3A_245 : memref<1x64xf32, #tpu.memory_space<hbm>>) target(%dma_start3A_243 : memref<1x64xf32, #tpu.memory_space<vmem>>) target_semaphore(%arg20 : memref<!tpu.dma_semaphore, #tpu.memory_space<semaphore_mem>>)
        %dma_start3A_246 = arith.constant 0 : i32
        %dma_start3A_247 = tpu.memref_slice %arg18[%add3A_199, %dma_start3A_246] : memref<64x64xf32, #tpu.memory_space<vmem>> -> memref<1x64xf32, #tpu.memory_space<vmem>>
        %dma_start3A_248 = arith.constant 0 : i32
        %dma_start3A_249 = tpu.memref_slice %arg6[%squeeze3A_205, %dma_start3A_248] : memref<1000x64xf32, #tpu.memory_space<hbm>> -> memref<1x64xf32, #tpu.memory_space<hbm>>
        %dma_start3A_250 = arith.constant 0 : i32
        %dma_start3A_251 = tpu.memref_slice %arg18[%add3A_199, %dma_start3A_250] : memref<64x64xf32, #tpu.memory_space<vmem>> -> memref<1x64xf32, #tpu.memory_space<vmem>>
        %dma_start3A_252 = arith.constant 0 : i32
        %dma_start3A_253 = tpu.memref_slice %arg6[%squeeze3A_205, %dma_start3A_252] : memref<1000x64xf32, #tpu.memory_space<hbm>> -> memref<1x64xf32, #tpu.memory_space<hbm>>
        tpu.enqueue_dma source(%dma_start3A_253 : memref<1x64xf32, #tpu.memory_space<hbm>>) target(%dma_start3A_251 : memref<1x64xf32, #tpu.memory_space<vmem>>) target_semaphore(%arg20 : memref<!tpu.dma_semaphore, #tpu.memory_space<semaphore_mem>>)
        %mul3A_254 = arith.constant 16 : i32
        %mul3A_255 = arith.muli %scan3A_61, %mul3A_254 : i32
        %add3A_256 = arith.constant 3 : i32
        %add3A_257 = arith.addi %mul3A_255, %add3A_256 : i32
        %slice3A_258 = vector.extract_strided_slice %get3A_68 {offsets = [3], sizes = [1], strides = [1]} : vector<16xi32> to vector<1xi32>
        %squeeze3A_259 = vector.extract %slice3A_258[0] : i32 from vector<1xi32>
        %slice3A_260 = vector.extract_strided_slice %get3A_75 {offsets = [3], sizes = [1], strides = [1]} : vector<16xi32> to vector<1xi32>
        %squeeze3A_261 = vector.extract %slice3A_260[0] : i32 from vector<1xi32>
        %slice3A_262 = vector.extract_strided_slice %get3A_82 {offsets = [3], sizes = [1], strides = [1]} : vector<16xi32> to vector<1xi32>
        %squeeze3A_263 = vector.extract %slice3A_262[0] : i32 from vector<1xi32>
        %dma_start3A_264 = arith.constant 0 : i32
        %dma_start3A_265 = tpu.memref_slice %arg13[%add3A_257, %dma_start3A_264] : memref<64x64xf32, #tpu.memory_space<vmem>> -> memref<1x64xf32, #tpu.memory_space<vmem>>
        %dma_start3A_266 = arith.constant 0 : i32
        %dma_start3A_267 = tpu.memref_slice %arg7[%squeeze3A_259, %dma_start3A_266] : memref<1000000x64xf32, #tpu.memory_space<hbm>> -> memref<1x64xf32, #tpu.memory_space<hbm>>
        %dma_start3A_268 = arith.constant 0 : i32
        %dma_start3A_269 = tpu.memref_slice %arg13[%add3A_257, %dma_start3A_268] : memref<64x64xf32, #tpu.memory_space<vmem>> -> memref<1x64xf32, #tpu.memory_space<vmem>>
        %dma_start3A_270 = arith.constant 0 : i32
        %dma_start3A_271 = tpu.memref_slice %arg7[%squeeze3A_259, %dma_start3A_270] : memref<1000000x64xf32, #tpu.memory_space<hbm>> -> memref<1x64xf32, #tpu.memory_space<hbm>>
        tpu.enqueue_dma source(%dma_start3A_271 : memref<1x64xf32, #tpu.memory_space<hbm>>) target(%dma_start3A_269 : memref<1x64xf32, #tpu.memory_space<vmem>>) target_semaphore(%arg20 : memref<!tpu.dma_semaphore, #tpu.memory_space<semaphore_mem>>)
        %dma_start3A_272 = arith.constant 0 : i32
        %dma_start3A_273 = tpu.memref_slice %arg14[%add3A_257, %dma_start3A_272] : memref<64x64xf32, #tpu.memory_space<vmem>> -> memref<1x64xf32, #tpu.memory_space<vmem>>
        %dma_start3A_274 = arith.constant 0 : i32
        %dma_start3A_275 = tpu.memref_slice %arg5[%squeeze3A_259, %dma_start3A_274] : memref<1000000x64xf32, #tpu.memory_space<hbm>> -> memref<1x64xf32, #tpu.memory_space<hbm>>
        %dma_start3A_276 = arith.constant 0 : i32
        %dma_start3A_277 = tpu.memref_slice %arg14[%add3A_257, %dma_start3A_276] : memref<64x64xf32, #tpu.memory_space<vmem>> -> memref<1x64xf32, #tpu.memory_space<vmem>>
        %dma_start3A_278 = arith.constant 0 : i32
        %dma_start3A_279 = tpu.memref_slice %arg5[%squeeze3A_259, %dma_start3A_278] : memref<1000000x64xf32, #tpu.memory_space<hbm>> -> memref<1x64xf32, #tpu.memory_space<hbm>>
        tpu.enqueue_dma source(%dma_start3A_279 : memref<1x64xf32, #tpu.memory_space<hbm>>) target(%dma_start3A_277 : memref<1x64xf32, #tpu.memory_space<vmem>>) target_semaphore(%arg20 : memref<!tpu.dma_semaphore, #tpu.memory_space<semaphore_mem>>)
        %dma_start3A_280 = arith.constant 0 : i32
        %dma_start3A_281 = tpu.memref_slice %arg15[%add3A_257, %dma_start3A_280] : memref<64x64xf32, #tpu.memory_space<vmem>> -> memref<1x64xf32, #tpu.memory_space<vmem>>
        %dma_start3A_282 = arith.constant 0 : i32
        %dma_start3A_283 = tpu.memref_slice %arg7[%squeeze3A_261, %dma_start3A_282] : memref<1000000x64xf32, #tpu.memory_space<hbm>> -> memref<1x64xf32, #tpu.memory_space<hbm>>
        %dma_start3A_284 = arith.constant 0 : i32
        %dma_start3A_285 = tpu.memref_slice %arg15[%add3A_257, %dma_start3A_284] : memref<64x64xf32, #tpu.memory_space<vmem>> -> memref<1x64xf32, #tpu.memory_space<vmem>>
        %dma_start3A_286 = arith.constant 0 : i32
        %dma_start3A_287 = tpu.memref_slice %arg7[%squeeze3A_261, %dma_start3A_286] : memref<1000000x64xf32, #tpu.memory_space<hbm>> -> memref<1x64xf32, #tpu.memory_space<hbm>>
        tpu.enqueue_dma source(%dma_start3A_287 : memref<1x64xf32, #tpu.memory_space<hbm>>) target(%dma_start3A_285 : memref<1x64xf32, #tpu.memory_space<vmem>>) target_semaphore(%arg20 : memref<!tpu.dma_semaphore, #tpu.memory_space<semaphore_mem>>)
        %dma_start3A_288 = arith.constant 0 : i32
        %dma_start3A_289 = tpu.memref_slice %arg16[%add3A_257, %dma_start3A_288] : memref<64x64xf32, #tpu.memory_space<vmem>> -> memref<1x64xf32, #tpu.memory_space<vmem>>
        %dma_start3A_290 = arith.constant 0 : i32
        %dma_start3A_291 = tpu.memref_slice %arg5[%squeeze3A_261, %dma_start3A_290] : memref<1000000x64xf32, #tpu.memory_space<hbm>> -> memref<1x64xf32, #tpu.memory_space<hbm>>
        %dma_start3A_292 = arith.constant 0 : i32
        %dma_start3A_293 = tpu.memref_slice %arg16[%add3A_257, %dma_start3A_292] : memref<64x64xf32, #tpu.memory_space<vmem>> -> memref<1x64xf32, #tpu.memory_space<vmem>>
        %dma_start3A_294 = arith.constant 0 : i32
        %dma_start3A_295 = tpu.memref_slice %arg5[%squeeze3A_261, %dma_start3A_294] : memref<1000000x64xf32, #tpu.memory_space<hbm>> -> memref<1x64xf32, #tpu.memory_space<hbm>>
        tpu.enqueue_dma source(%dma_start3A_295 : memref<1x64xf32, #tpu.memory_space<hbm>>) target(%dma_start3A_293 : memref<1x64xf32, #tpu.memory_space<vmem>>) target_semaphore(%arg20 : memref<!tpu.dma_semaphore, #tpu.memory_space<semaphore_mem>>)
        %dma_start3A_296 = arith.constant 0 : i32
        %dma_start3A_297 = tpu.memref_slice %arg17[%add3A_257, %dma_start3A_296] : memref<64x64xf32, #tpu.memory_space<vmem>> -> memref<1x64xf32, #tpu.memory_space<vmem>>
        %dma_start3A_298 = arith.constant 0 : i32
        %dma_start3A_299 = tpu.memref_slice %arg8[%squeeze3A_263, %dma_start3A_298] : memref<1000x64xf32, #tpu.memory_space<hbm>> -> memref<1x64xf32, #tpu.memory_space<hbm>>
        %dma_start3A_300 = arith.constant 0 : i32
        %dma_start3A_301 = tpu.memref_slice %arg17[%add3A_257, %dma_start3A_300] : memref<64x64xf32, #tpu.memory_space<vmem>> -> memref<1x64xf32, #tpu.memory_space<vmem>>
        %dma_start3A_302 = arith.constant 0 : i32
        %dma_start3A_303 = tpu.memref_slice %arg8[%squeeze3A_263, %dma_start3A_302] : memref<1000x64xf32, #tpu.memory_space<hbm>> -> memref<1x64xf32, #tpu.memory_space<hbm>>
        tpu.enqueue_dma source(%dma_start3A_303 : memref<1x64xf32, #tpu.memory_space<hbm>>) target(%dma_start3A_301 : memref<1x64xf32, #tpu.memory_space<vmem>>) target_semaphore(%arg20 : memref<!tpu.dma_semaphore, #tpu.memory_space<semaphore_mem>>)
        %dma_start3A_304 = arith.constant 0 : i32
        %dma_start3A_305 = tpu.memref_slice %arg18[%add3A_257, %dma_start3A_304] : memref<64x64xf32, #tpu.memory_space<vmem>> -> memref<1x64xf32, #tpu.memory_space<vmem>>
        %dma_start3A_306 = arith.constant 0 : i32
        %dma_start3A_307 = tpu.memref_slice %arg6[%squeeze3A_263, %dma_start3A_306] : memref<1000x64xf32, #tpu.memory_space<hbm>> -> memref<1x64xf32, #tpu.memory_space<hbm>>
        %dma_start3A_308 = arith.constant 0 : i32
        %dma_start3A_309 = tpu.memref_slice %arg18[%add3A_257, %dma_start3A_308] : memref<64x64xf32, #tpu.memory_space<vmem>> -> memref<1x64xf32, #tpu.memory_space<vmem>>
        %dma_start3A_310 = arith.constant 0 : i32
        %dma_start3A_311 = tpu.memref_slice %arg6[%squeeze3A_263, %dma_start3A_310] : memref<1000x64xf32, #tpu.memory_space<hbm>> -> memref<1x64xf32, #tpu.memory_space<hbm>>
        tpu.enqueue_dma source(%dma_start3A_311 : memref<1x64xf32, #tpu.memory_space<hbm>>) target(%dma_start3A_309 : memref<1x64xf32, #tpu.memory_space<vmem>>) target_semaphore(%arg20 : memref<!tpu.dma_semaphore, #tpu.memory_space<semaphore_mem>>)
        %mul3A_312 = arith.constant 16 : i32
        %mul3A_313 = arith.muli %scan3A_61, %mul3A_312 : i32
        %add3A_314 = arith.constant 4 : i32
        %add3A_315 = arith.addi %mul3A_313, %add3A_314 : i32
        %slice3A_316 = vector.extract_strided_slice %get3A_68 {offsets = [4], sizes = [1], strides = [1]} : vector<16xi32> to vector<1xi32>
        %squeeze3A_317 = vector.extract %slice3A_316[0] : i32 from vector<1xi32>
        %slice3A_318 = vector.extract_strided_slice %get3A_75 {offsets = [4], sizes = [1], strides = [1]} : vector<16xi32> to vector<1xi32>
        %squeeze3A_319 = vector.extract %slice3A_318[0] : i32 from vector<1xi32>
        %slice3A_320 = vector.extract_strided_slice %get3A_82 {offsets = [4], sizes = [1], strides = [1]} : vector<16xi32> to vector<1xi32>
        %squeeze3A_321 = vector.extract %slice3A_320[0] : i32 from vector<1xi32>
        %dma_start3A_322 = arith.constant 0 : i32
        %dma_start3A_323 = tpu.memref_slice %arg13[%add3A_315, %dma_start3A_322] : memref<64x64xf32, #tpu.memory_space<vmem>> -> memref<1x64xf32, #tpu.memory_space<vmem>>
        %dma_start3A_324 = arith.constant 0 : i32
        %dma_start3A_325 = tpu.memref_slice %arg7[%squeeze3A_317, %dma_start3A_324] : memref<1000000x64xf32, #tpu.memory_space<hbm>> -> memref<1x64xf32, #tpu.memory_space<hbm>>
        %dma_start3A_326 = arith.constant 0 : i32
        %dma_start3A_327 = tpu.memref_slice %arg13[%add3A_315, %dma_start3A_326] : memref<64x64xf32, #tpu.memory_space<vmem>> -> memref<1x64xf32, #tpu.memory_space<vmem>>
        %dma_start3A_328 = arith.constant 0 : i32
        %dma_start3A_329 = tpu.memref_slice %arg7[%squeeze3A_317, %dma_start3A_328] : memref<1000000x64xf32, #tpu.memory_space<hbm>> -> memref<1x64xf32, #tpu.memory_space<hbm>>
        tpu.enqueue_dma source(%dma_start3A_329 : memref<1x64xf32, #tpu.memory_space<hbm>>) target(%dma_start3A_327 : memref<1x64xf32, #tpu.memory_space<vmem>>) target_semaphore(%arg20 : memref<!tpu.dma_semaphore, #tpu.memory_space<semaphore_mem>>)
        %dma_start3A_330 = arith.constant 0 : i32
        %dma_start3A_331 = tpu.memref_slice %arg14[%add3A_315, %dma_start3A_330] : memref<64x64xf32, #tpu.memory_space<vmem>> -> memref<1x64xf32, #tpu.memory_space<vmem>>
        %dma_start3A_332 = arith.constant 0 : i32
        %dma_start3A_333 = tpu.memref_slice %arg5[%squeeze3A_317, %dma_start3A_332] : memref<1000000x64xf32, #tpu.memory_space<hbm>> -> memref<1x64xf32, #tpu.memory_space<hbm>>
        %dma_start3A_334 = arith.constant 0 : i32
        %dma_start3A_335 = tpu.memref_slice %arg14[%add3A_315, %dma_start3A_334] : memref<64x64xf32, #tpu.memory_space<vmem>> -> memref<1x64xf32, #tpu.memory_space<vmem>>
        %dma_start3A_336 = arith.constant 0 : i32
        %dma_start3A_337 = tpu.memref_slice %arg5[%squeeze3A_317, %dma_start3A_336] : memref<1000000x64xf32, #tpu.memory_space<hbm>> -> memref<1x64xf32, #tpu.memory_space<hbm>>
        tpu.enqueue_dma source(%dma_start3A_337 : memref<1x64xf32, #tpu.memory_space<hbm>>) target(%dma_start3A_335 : memref<1x64xf32, #tpu.memory_space<vmem>>) target_semaphore(%arg20 : memref<!tpu.dma_semaphore, #tpu.memory_space<semaphore_mem>>)
        %dma_start3A_338 = arith.constant 0 : i32
        %dma_start3A_339 = tpu.memref_slice %arg15[%add3A_315, %dma_start3A_338] : memref<64x64xf32, #tpu.memory_space<vmem>> -> memref<1x64xf32, #tpu.memory_space<vmem>>
        %dma_start3A_340 = arith.constant 0 : i32
        %dma_start3A_341 = tpu.memref_slice %arg7[%squeeze3A_319, %dma_start3A_340] : memref<1000000x64xf32, #tpu.memory_space<hbm>> -> memref<1x64xf32, #tpu.memory_space<hbm>>
        %dma_start3A_342 = arith.constant 0 : i32
        %dma_start3A_343 = tpu.memref_slice %arg15[%add3A_315, %dma_start3A_342] : memref<64x64xf32, #tpu.memory_space<vmem>> -> memref<1x64xf32, #tpu.memory_space<vmem>>
        %dma_start3A_344 = arith.constant 0 : i32
        %dma_start3A_345 = tpu.memref_slice %arg7[%squeeze3A_319, %dma_start3A_344] : memref<1000000x64xf32, #tpu.memory_space<hbm>> -> memref<1x64xf32, #tpu.memory_space<hbm>>
        tpu.enqueue_dma source(%dma_start3A_345 : memref<1x64xf32, #tpu.memory_space<hbm>>) target(%dma_start3A_343 : memref<1x64xf32, #tpu.memory_space<vmem>>) target_semaphore(%arg20 : memref<!tpu.dma_semaphore, #tpu.memory_space<semaphore_mem>>)
        %dma_start3A_346 = arith.constant 0 : i32
        %dma_start3A_347 = tpu.memref_slice %arg16[%add3A_315, %dma_start3A_346] : memref<64x64xf32, #tpu.memory_space<vmem>> -> memref<1x64xf32, #tpu.memory_space<vmem>>
        %dma_start3A_348 = arith.constant 0 : i32
        %dma_start3A_349 = tpu.memref_slice %arg5[%squeeze3A_319, %dma_start3A_348] : memref<1000000x64xf32, #tpu.memory_space<hbm>> -> memref<1x64xf32, #tpu.memory_space<hbm>>
        %dma_start3A_350 = arith.constant 0 : i32
        %dma_start3A_351 = tpu.memref_slice %arg16[%add3A_315, %dma_start3A_350] : memref<64x64xf32, #tpu.memory_space<vmem>> -> memref<1x64xf32, #tpu.memory_space<vmem>>
        %dma_start3A_352 = arith.constant 0 : i32
        %dma_start3A_353 = tpu.memref_slice %arg5[%squeeze3A_319, %dma_start3A_352] : memref<1000000x64xf32, #tpu.memory_space<hbm>> -> memref<1x64xf32, #tpu.memory_space<hbm>>
        tpu.enqueue_dma source(%dma_start3A_353 : memref<1x64xf32, #tpu.memory_space<hbm>>) target(%dma_start3A_351 : memref<1x64xf32, #tpu.memory_space<vmem>>) target_semaphore(%arg20 : memref<!tpu.dma_semaphore, #tpu.memory_space<semaphore_mem>>)
        %dma_start3A_354 = arith.constant 0 : i32
        %dma_start3A_355 = tpu.memref_slice %arg17[%add3A_315, %dma_start3A_354] : memref<64x64xf32, #tpu.memory_space<vmem>> -> memref<1x64xf32, #tpu.memory_space<vmem>>
        %dma_start3A_356 = arith.constant 0 : i32
        %dma_start3A_357 = tpu.memref_slice %arg8[%squeeze3A_321, %dma_start3A_356] : memref<1000x64xf32, #tpu.memory_space<hbm>> -> memref<1x64xf32, #tpu.memory_space<hbm>>
        %dma_start3A_358 = arith.constant 0 : i32
        %dma_start3A_359 = tpu.memref_slice %arg17[%add3A_315, %dma_start3A_358] : memref<64x64xf32, #tpu.memory_space<vmem>> -> memref<1x64xf32, #tpu.memory_space<vmem>>
        %dma_start3A_360 = arith.constant 0 : i32
        %dma_start3A_361 = tpu.memref_slice %arg8[%squeeze3A_321, %dma_start3A_360] : memref<1000x64xf32, #tpu.memory_space<hbm>> -> memref<1x64xf32, #tpu.memory_space<hbm>>
        tpu.enqueue_dma source(%dma_start3A_361 : memref<1x64xf32, #tpu.memory_space<hbm>>) target(%dma_start3A_359 : memref<1x64xf32, #tpu.memory_space<vmem>>) target_semaphore(%arg20 : memref<!tpu.dma_semaphore, #tpu.memory_space<semaphore_mem>>)
        %dma_start3A_362 = arith.constant 0 : i32
        %dma_start3A_363 = tpu.memref_slice %arg18[%add3A_315, %dma_start3A_362] : memref<64x64xf32, #tpu.memory_space<vmem>> -> memref<1x64xf32, #tpu.memory_space<vmem>>
        %dma_start3A_364 = arith.constant 0 : i32
        %dma_start3A_365 = tpu.memref_slice %arg6[%squeeze3A_321, %dma_start3A_364] : memref<1000x64xf32, #tpu.memory_space<hbm>> -> memref<1x64xf32, #tpu.memory_space<hbm>>
        %dma_start3A_366 = arith.constant 0 : i32
        %dma_start3A_367 = tpu.memref_slice %arg18[%add3A_315, %dma_start3A_366] : memref<64x64xf32, #tpu.memory_space<vmem>> -> memref<1x64xf32, #tpu.memory_space<vmem>>
        %dma_start3A_368 = arith.constant 0 : i32
        %dma_start3A_369 = tpu.memref_slice %arg6[%squeeze3A_321, %dma_start3A_368] : memref<1000x64xf32, #tpu.memory_space<hbm>> -> memref<1x64xf32, #tpu.memory_space<hbm>>
        tpu.enqueue_dma source(%dma_start3A_369 : memref<1x64xf32, #tpu.memory_space<hbm>>) target(%dma_start3A_367 : memref<1x64xf32, #tpu.memory_space<vmem>>) target_semaphore(%arg20 : memref<!tpu.dma_semaphore, #tpu.memory_space<semaphore_mem>>)
        %mul3A_370 = arith.constant 16 : i32
        %mul3A_371 = arith.muli %scan3A_61, %mul3A_370 : i32
        %add3A_372 = arith.constant 5 : i32
        %add3A_373 = arith.addi %mul3A_371, %add3A_372 : i32
        %slice3A_374 = vector.extract_strided_slice %get3A_68 {offsets = [5], sizes = [1], strides = [1]} : vector<16xi32> to vector<1xi32>
        %squeeze3A_375 = vector.extract %slice3A_374[0] : i32 from vector<1xi32>
        %slice3A_376 = vector.extract_strided_slice %get3A_75 {offsets = [5], sizes = [1], strides = [1]} : vector<16xi32> to vector<1xi32>
        %squeeze3A_377 = vector.extract %slice3A_376[0] : i32 from vector<1xi32>
        %slice3A_378 = vector.extract_strided_slice %get3A_82 {offsets = [5], sizes = [1], strides = [1]} : vector<16xi32> to vector<1xi32>
        %squeeze3A_379 = vector.extract %slice3A_378[0] : i32 from vector<1xi32>
        %dma_start3A_380 = arith.constant 0 : i32
        %dma_start3A_381 = tpu.memref_slice %arg13[%add3A_373, %dma_start3A_380] : memref<64x64xf32, #tpu.memory_space<vmem>> -> memref<1x64xf32, #tpu.memory_space<vmem>>
        %dma_start3A_382 = arith.constant 0 : i32
        %dma_start3A_383 = tpu.memref_slice %arg7[%squeeze3A_375, %dma_start3A_382] : memref<1000000x64xf32, #tpu.memory_space<hbm>> -> memref<1x64xf32, #tpu.memory_space<hbm>>
        %dma_start3A_384 = arith.constant 0 : i32
        %dma_start3A_385 = tpu.memref_slice %arg13[%add3A_373, %dma_start3A_384] : memref<64x64xf32, #tpu.memory_space<vmem>> -> memref<1x64xf32, #tpu.memory_space<vmem>>
        %dma_start3A_386 = arith.constant 0 : i32
        %dma_start3A_387 = tpu.memref_slice %arg7[%squeeze3A_375, %dma_start3A_386] : memref<1000000x64xf32, #tpu.memory_space<hbm>> -> memref<1x64xf32, #tpu.memory_space<hbm>>
        tpu.enqueue_dma source(%dma_start3A_387 : memref<1x64xf32, #tpu.memory_space<hbm>>) target(%dma_start3A_385 : memref<1x64xf32, #tpu.memory_space<vmem>>) target_semaphore(%arg20 : memref<!tpu.dma_semaphore, #tpu.memory_space<semaphore_mem>>)
        %dma_start3A_388 = arith.constant 0 : i32
        %dma_start3A_389 = tpu.memref_slice %arg14[%add3A_373, %dma_start3A_388] : memref<64x64xf32, #tpu.memory_space<vmem>> -> memref<1x64xf32, #tpu.memory_space<vmem>>
        %dma_start3A_390 = arith.constant 0 : i32
        %dma_start3A_391 = tpu.memref_slice %arg5[%squeeze3A_375, %dma_start3A_390] : memref<1000000x64xf32, #tpu.memory_space<hbm>> -> memref<1x64xf32, #tpu.memory_space<hbm>>
        %dma_start3A_392 = arith.constant 0 : i32
        %dma_start3A_393 = tpu.memref_slice %arg14[%add3A_373, %dma_start3A_392] : memref<64x64xf32, #tpu.memory_space<vmem>> -> memref<1x64xf32, #tpu.memory_space<vmem>>
        %dma_start3A_394 = arith.constant 0 : i32
        %dma_start3A_395 = tpu.memref_slice %arg5[%squeeze3A_375, %dma_start3A_394] : memref<1000000x64xf32, #tpu.memory_space<hbm>> -> memref<1x64xf32, #tpu.memory_space<hbm>>
        tpu.enqueue_dma source(%dma_start3A_395 : memref<1x64xf32, #tpu.memory_space<hbm>>) target(%dma_start3A_393 : memref<1x64xf32, #tpu.memory_space<vmem>>) target_semaphore(%arg20 : memref<!tpu.dma_semaphore, #tpu.memory_space<semaphore_mem>>)
        %dma_start3A_396 = arith.constant 0 : i32
        %dma_start3A_397 = tpu.memref_slice %arg15[%add3A_373, %dma_start3A_396] : memref<64x64xf32, #tpu.memory_space<vmem>> -> memref<1x64xf32, #tpu.memory_space<vmem>>
        %dma_start3A_398 = arith.constant 0 : i32
        %dma_start3A_399 = tpu.memref_slice %arg7[%squeeze3A_377, %dma_start3A_398] : memref<1000000x64xf32, #tpu.memory_space<hbm>> -> memref<1x64xf32, #tpu.memory_space<hbm>>
        %dma_start3A_400 = arith.constant 0 : i32
        %dma_start3A_401 = tpu.memref_slice %arg15[%add3A_373, %dma_start3A_400] : memref<64x64xf32, #tpu.memory_space<vmem>> -> memref<1x64xf32, #tpu.memory_space<vmem>>
        %dma_start3A_402 = arith.constant 0 : i32
        %dma_start3A_403 = tpu.memref_slice %arg7[%squeeze3A_377, %dma_start3A_402] : memref<1000000x64xf32, #tpu.memory_space<hbm>> -> memref<1x64xf32, #tpu.memory_space<hbm>>
        tpu.enqueue_dma source(%dma_start3A_403 : memref<1x64xf32, #tpu.memory_space<hbm>>) target(%dma_start3A_401 : memref<1x64xf32, #tpu.memory_space<vmem>>) target_semaphore(%arg20 : memref<!tpu.dma_semaphore, #tpu.memory_space<semaphore_mem>>)
        %dma_start3A_404 = arith.constant 0 : i32
        %dma_start3A_405 = tpu.memref_slice %arg16[%add3A_373, %dma_start3A_404] : memref<64x64xf32, #tpu.memory_space<vmem>> -> memref<1x64xf32, #tpu.memory_space<vmem>>
        %dma_start3A_406 = arith.constant 0 : i32
        %dma_start3A_407 = tpu.memref_slice %arg5[%squeeze3A_377, %dma_start3A_406] : memref<1000000x64xf32, #tpu.memory_space<hbm>> -> memref<1x64xf32, #tpu.memory_space<hbm>>
        %dma_start3A_408 = arith.constant 0 : i32
        %dma_start3A_409 = tpu.memref_slice %arg16[%add3A_373, %dma_start3A_408] : memref<64x64xf32, #tpu.memory_space<vmem>> -> memref<1x64xf32, #tpu.memory_space<vmem>>
        %dma_start3A_410 = arith.constant 0 : i32
        %dma_start3A_411 = tpu.memref_slice %arg5[%squeeze3A_377, %dma_start3A_410] : memref<1000000x64xf32, #tpu.memory_space<hbm>> -> memref<1x64xf32, #tpu.memory_space<hbm>>
        tpu.enqueue_dma source(%dma_start3A_411 : memref<1x64xf32, #tpu.memory_space<hbm>>) target(%dma_start3A_409 : memref<1x64xf32, #tpu.memory_space<vmem>>) target_semaphore(%arg20 : memref<!tpu.dma_semaphore, #tpu.memory_space<semaphore_mem>>)
        %dma_start3A_412 = arith.constant 0 : i32
        %dma_start3A_413 = tpu.memref_slice %arg17[%add3A_373, %dma_start3A_412] : memref<64x64xf32, #tpu.memory_space<vmem>> -> memref<1x64xf32, #tpu.memory_space<vmem>>
        %dma_start3A_414 = arith.constant 0 : i32
        %dma_start3A_415 = tpu.memref_slice %arg8[%squeeze3A_379, %dma_start3A_414] : memref<1000x64xf32, #tpu.memory_space<hbm>> -> memref<1x64xf32, #tpu.memory_space<hbm>>
        %dma_start3A_416 = arith.constant 0 : i32
        %dma_start3A_417 = tpu.memref_slice %arg17[%add3A_373, %dma_start3A_416] : memref<64x64xf32, #tpu.memory_space<vmem>> -> memref<1x64xf32, #tpu.memory_space<vmem>>
        %dma_start3A_418 = arith.constant 0 : i32
        %dma_start3A_419 = tpu.memref_slice %arg8[%squeeze3A_379, %dma_start3A_418] : memref<1000x64xf32, #tpu.memory_space<hbm>> -> memref<1x64xf32, #tpu.memory_space<hbm>>
        tpu.enqueue_dma source(%dma_start3A_419 : memref<1x64xf32, #tpu.memory_space<hbm>>) target(%dma_start3A_417 : memref<1x64xf32, #tpu.memory_space<vmem>>) target_semaphore(%arg20 : memref<!tpu.dma_semaphore, #tpu.memory_space<semaphore_mem>>)
        %dma_start3A_420 = arith.constant 0 : i32
        %dma_start3A_421 = tpu.memref_slice %arg18[%add3A_373, %dma_start3A_420] : memref<64x64xf32, #tpu.memory_space<vmem>> -> memref<1x64xf32, #tpu.memory_space<vmem>>
        %dma_start3A_422 = arith.constant 0 : i32
        %dma_start3A_423 = tpu.memref_slice %arg6[%squeeze3A_379, %dma_start3A_422] : memref<1000x64xf32, #tpu.memory_space<hbm>> -> memref<1x64xf32, #tpu.memory_space<hbm>>
        %dma_start3A_424 = arith.constant 0 : i32
        %dma_start3A_425 = tpu.memref_slice %arg18[%add3A_373, %dma_start3A_424] : memref<64x64xf32, #tpu.memory_space<vmem>> -> memref<1x64xf32, #tpu.memory_space<vmem>>
        %dma_start3A_426 = arith.constant 0 : i32
        %dma_start3A_427 = tpu.memref_slice %arg6[%squeeze3A_379, %dma_start3A_426] : memref<1000x64xf32, #tpu.memory_space<hbm>> -> memref<1x64xf32, #tpu.memory_space<hbm>>
        tpu.enqueue_dma source(%dma_start3A_427 : memref<1x64xf32, #tpu.memory_space<hbm>>) target(%dma_start3A_425 : memref<1x64xf32, #tpu.memory_space<vmem>>) target_semaphore(%arg20 : memref<!tpu.dma_semaphore, #tpu.memory_space<semaphore_mem>>)
        %mul3A_428 = arith.constant 16 : i32
        %mul3A_429 = arith.muli %scan3A_61, %mul3A_428 : i32
        %add3A_430 = arith.constant 6 : i32
        %add3A_431 = arith.addi %mul3A_429, %add3A_430 : i32
        %slice3A_432 = vector.extract_strided_slice %get3A_68 {offsets = [6], sizes = [1], strides = [1]} : vector<16xi32> to vector<1xi32>
        %squeeze3A_433 = vector.extract %slice3A_432[0] : i32 from vector<1xi32>
        %slice3A_434 = vector.extract_strided_slice %get3A_75 {offsets = [6], sizes = [1], strides = [1]} : vector<16xi32> to vector<1xi32>
        %squeeze3A_435 = vector.extract %slice3A_434[0] : i32 from vector<1xi32>
        %slice3A_436 = vector.extract_strided_slice %get3A_82 {offsets = [6], sizes = [1], strides = [1]} : vector<16xi32> to vector<1xi32>
        %squeeze3A_437 = vector.extract %slice3A_436[0] : i32 from vector<1xi32>
        %dma_start3A_438 = arith.constant 0 : i32
        %dma_start3A_439 = tpu.memref_slice %arg13[%add3A_431, %dma_start3A_438] : memref<64x64xf32, #tpu.memory_space<vmem>> -> memref<1x64xf32, #tpu.memory_space<vmem>>
        %dma_start3A_440 = arith.constant 0 : i32
        %dma_start3A_441 = tpu.memref_slice %arg7[%squeeze3A_433, %dma_start3A_440] : memref<1000000x64xf32, #tpu.memory_space<hbm>> -> memref<1x64xf32, #tpu.memory_space<hbm>>
        %dma_start3A_442 = arith.constant 0 : i32
        %dma_start3A_443 = tpu.memref_slice %arg13[%add3A_431, %dma_start3A_442] : memref<64x64xf32, #tpu.memory_space<vmem>> -> memref<1x64xf32, #tpu.memory_space<vmem>>
        %dma_start3A_444 = arith.constant 0 : i32
        %dma_start3A_445 = tpu.memref_slice %arg7[%squeeze3A_433, %dma_start3A_444] : memref<1000000x64xf32, #tpu.memory_space<hbm>> -> memref<1x64xf32, #tpu.memory_space<hbm>>
        tpu.enqueue_dma source(%dma_start3A_445 : memref<1x64xf32, #tpu.memory_space<hbm>>) target(%dma_start3A_443 : memref<1x64xf32, #tpu.memory_space<vmem>>) target_semaphore(%arg20 : memref<!tpu.dma_semaphore, #tpu.memory_space<semaphore_mem>>)
        %dma_start3A_446 = arith.constant 0 : i32
        %dma_start3A_447 = tpu.memref_slice %arg14[%add3A_431, %dma_start3A_446] : memref<64x64xf32, #tpu.memory_space<vmem>> -> memref<1x64xf32, #tpu.memory_space<vmem>>
        %dma_start3A_448 = arith.constant 0 : i32
        %dma_start3A_449 = tpu.memref_slice %arg5[%squeeze3A_433, %dma_start3A_448] : memref<1000000x64xf32, #tpu.memory_space<hbm>> -> memref<1x64xf32, #tpu.memory_space<hbm>>
        %dma_start3A_450 = arith.constant 0 : i32
        %dma_start3A_451 = tpu.memref_slice %arg14[%add3A_431, %dma_start3A_450] : memref<64x64xf32, #tpu.memory_space<vmem>> -> memref<1x64xf32, #tpu.memory_space<vmem>>
        %dma_start3A_452 = arith.constant 0 : i32
        %dma_start3A_453 = tpu.memref_slice %arg5[%squeeze3A_433, %dma_start3A_452] : memref<1000000x64xf32, #tpu.memory_space<hbm>> -> memref<1x64xf32, #tpu.memory_space<hbm>>
        tpu.enqueue_dma source(%dma_start3A_453 : memref<1x64xf32, #tpu.memory_space<hbm>>) target(%dma_start3A_451 : memref<1x64xf32, #tpu.memory_space<vmem>>) target_semaphore(%arg20 : memref<!tpu.dma_semaphore, #tpu.memory_space<semaphore_mem>>)
        %dma_start3A_454 = arith.constant 0 : i32
        %dma_start3A_455 = tpu.memref_slice %arg15[%add3A_431, %dma_start3A_454] : memref<64x64xf32, #tpu.memory_space<vmem>> -> memref<1x64xf32, #tpu.memory_space<vmem>>
        %dma_start3A_456 = arith.constant 0 : i32
        %dma_start3A_457 = tpu.memref_slice %arg7[%squeeze3A_435, %dma_start3A_456] : memref<1000000x64xf32, #tpu.memory_space<hbm>> -> memref<1x64xf32, #tpu.memory_space<hbm>>
        %dma_start3A_458 = arith.constant 0 : i32
        %dma_start3A_459 = tpu.memref_slice %arg15[%add3A_431, %dma_start3A_458] : memref<64x64xf32, #tpu.memory_space<vmem>> -> memref<1x64xf32, #tpu.memory_space<vmem>>
        %dma_start3A_460 = arith.constant 0 : i32
        %dma_start3A_461 = tpu.memref_slice %arg7[%squeeze3A_435, %dma_start3A_460] : memref<1000000x64xf32, #tpu.memory_space<hbm>> -> memref<1x64xf32, #tpu.memory_space<hbm>>
        tpu.enqueue_dma source(%dma_start3A_461 : memref<1x64xf32, #tpu.memory_space<hbm>>) target(%dma_start3A_459 : memref<1x64xf32, #tpu.memory_space<vmem>>) target_semaphore(%arg20 : memref<!tpu.dma_semaphore, #tpu.memory_space<semaphore_mem>>)
        %dma_start3A_462 = arith.constant 0 : i32
        %dma_start3A_463 = tpu.memref_slice %arg16[%add3A_431, %dma_start3A_462] : memref<64x64xf32, #tpu.memory_space<vmem>> -> memref<1x64xf32, #tpu.memory_space<vmem>>
        %dma_start3A_464 = arith.constant 0 : i32
        %dma_start3A_465 = tpu.memref_slice %arg5[%squeeze3A_435, %dma_start3A_464] : memref<1000000x64xf32, #tpu.memory_space<hbm>> -> memref<1x64xf32, #tpu.memory_space<hbm>>
        %dma_start3A_466 = arith.constant 0 : i32
        %dma_start3A_467 = tpu.memref_slice %arg16[%add3A_431, %dma_start3A_466] : memref<64x64xf32, #tpu.memory_space<vmem>> -> memref<1x64xf32, #tpu.memory_space<vmem>>
        %dma_start3A_468 = arith.constant 0 : i32
        %dma_start3A_469 = tpu.memref_slice %arg5[%squeeze3A_435, %dma_start3A_468] : memref<1000000x64xf32, #tpu.memory_space<hbm>> -> memref<1x64xf32, #tpu.memory_space<hbm>>
        tpu.enqueue_dma source(%dma_start3A_469 : memref<1x64xf32, #tpu.memory_space<hbm>>) target(%dma_start3A_467 : memref<1x64xf32, #tpu.memory_space<vmem>>) target_semaphore(%arg20 : memref<!tpu.dma_semaphore, #tpu.memory_space<semaphore_mem>>)
        %dma_start3A_470 = arith.constant 0 : i32
        %dma_start3A_471 = tpu.memref_slice %arg17[%add3A_431, %dma_start3A_470] : memref<64x64xf32, #tpu.memory_space<vmem>> -> memref<1x64xf32, #tpu.memory_space<vmem>>
        %dma_start3A_472 = arith.constant 0 : i32
        %dma_start3A_473 = tpu.memref_slice %arg8[%squeeze3A_437, %dma_start3A_472] : memref<1000x64xf32, #tpu.memory_space<hbm>> -> memref<1x64xf32, #tpu.memory_space<hbm>>
        %dma_start3A_474 = arith.constant 0 : i32
        %dma_start3A_475 = tpu.memref_slice %arg17[%add3A_431, %dma_start3A_474] : memref<64x64xf32, #tpu.memory_space<vmem>> -> memref<1x64xf32, #tpu.memory_space<vmem>>
        %dma_start3A_476 = arith.constant 0 : i32
        %dma_start3A_477 = tpu.memref_slice %arg8[%squeeze3A_437, %dma_start3A_476] : memref<1000x64xf32, #tpu.memory_space<hbm>> -> memref<1x64xf32, #tpu.memory_space<hbm>>
        tpu.enqueue_dma source(%dma_start3A_477 : memref<1x64xf32, #tpu.memory_space<hbm>>) target(%dma_start3A_475 : memref<1x64xf32, #tpu.memory_space<vmem>>) target_semaphore(%arg20 : memref<!tpu.dma_semaphore, #tpu.memory_space<semaphore_mem>>)
        %dma_start3A_478 = arith.constant 0 : i32
        %dma_start3A_479 = tpu.memref_slice %arg18[%add3A_431, %dma_start3A_478] : memref<64x64xf32, #tpu.memory_space<vmem>> -> memref<1x64xf32, #tpu.memory_space<vmem>>
        %dma_start3A_480 = arith.constant 0 : i32
        %dma_start3A_481 = tpu.memref_slice %arg6[%squeeze3A_437, %dma_start3A_480] : memref<1000x64xf32, #tpu.memory_space<hbm>> -> memref<1x64xf32, #tpu.memory_space<hbm>>
        %dma_start3A_482 = arith.constant 0 : i32
        %dma_start3A_483 = tpu.memref_slice %arg18[%add3A_431, %dma_start3A_482] : memref<64x64xf32, #tpu.memory_space<vmem>> -> memref<1x64xf32, #tpu.memory_space<vmem>>
        %dma_start3A_484 = arith.constant 0 : i32
        %dma_start3A_485 = tpu.memref_slice %arg6[%squeeze3A_437, %dma_start3A_484] : memref<1000x64xf32, #tpu.memory_space<hbm>> -> memref<1x64xf32, #tpu.memory_space<hbm>>
        tpu.enqueue_dma source(%dma_start3A_485 : memref<1x64xf32, #tpu.memory_space<hbm>>) target(%dma_start3A_483 : memref<1x64xf32, #tpu.memory_space<vmem>>) target_semaphore(%arg20 : memref<!tpu.dma_semaphore, #tpu.memory_space<semaphore_mem>>)
        %mul3A_486 = arith.constant 16 : i32
        %mul3A_487 = arith.muli %scan3A_61, %mul3A_486 : i32
        %add3A_488 = arith.constant 7 : i32
        %add3A_489 = arith.addi %mul3A_487, %add3A_488 : i32
        %slice3A_490 = vector.extract_strided_slice %get3A_68 {offsets = [7], sizes = [1], strides = [1]} : vector<16xi32> to vector<1xi32>
        %squeeze3A_491 = vector.extract %slice3A_490[0] : i32 from vector<1xi32>
        %slice3A_492 = vector.extract_strided_slice %get3A_75 {offsets = [7], sizes = [1], strides = [1]} : vector<16xi32> to vector<1xi32>
        %squeeze3A_493 = vector.extract %slice3A_492[0] : i32 from vector<1xi32>
        %slice3A_494 = vector.extract_strided_slice %get3A_82 {offsets = [7], sizes = [1], strides = [1]} : vector<16xi32> to vector<1xi32>
        %squeeze3A_495 = vector.extract %slice3A_494[0] : i32 from vector<1xi32>
        %dma_start3A_496 = arith.constant 0 : i32
        %dma_start3A_497 = tpu.memref_slice %arg13[%add3A_489, %dma_start3A_496] : memref<64x64xf32, #tpu.memory_space<vmem>> -> memref<1x64xf32, #tpu.memory_space<vmem>>
        %dma_start3A_498 = arith.constant 0 : i32
        %dma_start3A_499 = tpu.memref_slice %arg7[%squeeze3A_491, %dma_start3A_498] : memref<1000000x64xf32, #tpu.memory_space<hbm>> -> memref<1x64xf32, #tpu.memory_space<hbm>>
        %dma_start3A_500 = arith.constant 0 : i32
        %dma_start3A_501 = tpu.memref_slice %arg13[%add3A_489, %dma_start3A_500] : memref<64x64xf32, #tpu.memory_space<vmem>> -> memref<1x64xf32, #tpu.memory_space<vmem>>
        %dma_start3A_502 = arith.constant 0 : i32
        %dma_start3A_503 = tpu.memref_slice %arg7[%squeeze3A_491, %dma_start3A_502] : memref<1000000x64xf32, #tpu.memory_space<hbm>> -> memref<1x64xf32, #tpu.memory_space<hbm>>
        tpu.enqueue_dma source(%dma_start3A_503 : memref<1x64xf32, #tpu.memory_space<hbm>>) target(%dma_start3A_501 : memref<1x64xf32, #tpu.memory_space<vmem>>) target_semaphore(%arg20 : memref<!tpu.dma_semaphore, #tpu.memory_space<semaphore_mem>>)
        %dma_start3A_504 = arith.constant 0 : i32
        %dma_start3A_505 = tpu.memref_slice %arg14[%add3A_489, %dma_start3A_504] : memref<64x64xf32, #tpu.memory_space<vmem>> -> memref<1x64xf32, #tpu.memory_space<vmem>>
        %dma_start3A_506 = arith.constant 0 : i32
        %dma_start3A_507 = tpu.memref_slice %arg5[%squeeze3A_491, %dma_start3A_506] : memref<1000000x64xf32, #tpu.memory_space<hbm>> -> memref<1x64xf32, #tpu.memory_space<hbm>>
        %dma_start3A_508 = arith.constant 0 : i32
        %dma_start3A_509 = tpu.memref_slice %arg14[%add3A_489, %dma_start3A_508] : memref<64x64xf32, #tpu.memory_space<vmem>> -> memref<1x64xf32, #tpu.memory_space<vmem>>
        %dma_start3A_510 = arith.constant 0 : i32
        %dma_start3A_511 = tpu.memref_slice %arg5[%squeeze3A_491, %dma_start3A_510] : memref<1000000x64xf32, #tpu.memory_space<hbm>> -> memref<1x64xf32, #tpu.memory_space<hbm>>
        tpu.enqueue_dma source(%dma_start3A_511 : memref<1x64xf32, #tpu.memory_space<hbm>>) target(%dma_start3A_509 : memref<1x64xf32, #tpu.memory_space<vmem>>) target_semaphore(%arg20 : memref<!tpu.dma_semaphore, #tpu.memory_space<semaphore_mem>>)
        %dma_start3A_512 = arith.constant 0 : i32
        %dma_start3A_513 = tpu.memref_slice %arg15[%add3A_489, %dma_start3A_512] : memref<64x64xf32, #tpu.memory_space<vmem>> -> memref<1x64xf32, #tpu.memory_space<vmem>>
        %dma_start3A_514 = arith.constant 0 : i32
        %dma_start3A_515 = tpu.memref_slice %arg7[%squeeze3A_493, %dma_start3A_514] : memref<1000000x64xf32, #tpu.memory_space<hbm>> -> memref<1x64xf32, #tpu.memory_space<hbm>>
        %dma_start3A_516 = arith.constant 0 : i32
        %dma_start3A_517 = tpu.memref_slice %arg15[%add3A_489, %dma_start3A_516] : memref<64x64xf32, #tpu.memory_space<vmem>> -> memref<1x64xf32, #tpu.memory_space<vmem>>
        %dma_start3A_518 = arith.constant 0 : i32
        %dma_start3A_519 = tpu.memref_slice %arg7[%squeeze3A_493, %dma_start3A_518] : memref<1000000x64xf32, #tpu.memory_space<hbm>> -> memref<1x64xf32, #tpu.memory_space<hbm>>
        tpu.enqueue_dma source(%dma_start3A_519 : memref<1x64xf32, #tpu.memory_space<hbm>>) target(%dma_start3A_517 : memref<1x64xf32, #tpu.memory_space<vmem>>) target_semaphore(%arg20 : memref<!tpu.dma_semaphore, #tpu.memory_space<semaphore_mem>>)
        %dma_start3A_520 = arith.constant 0 : i32
        %dma_start3A_521 = tpu.memref_slice %arg16[%add3A_489, %dma_start3A_520] : memref<64x64xf32, #tpu.memory_space<vmem>> -> memref<1x64xf32, #tpu.memory_space<vmem>>
        %dma_start3A_522 = arith.constant 0 : i32
        %dma_start3A_523 = tpu.memref_slice %arg5[%squeeze3A_493, %dma_start3A_522] : memref<1000000x64xf32, #tpu.memory_space<hbm>> -> memref<1x64xf32, #tpu.memory_space<hbm>>
        %dma_start3A_524 = arith.constant 0 : i32
        %dma_start3A_525 = tpu.memref_slice %arg16[%add3A_489, %dma_start3A_524] : memref<64x64xf32, #tpu.memory_space<vmem>> -> memref<1x64xf32, #tpu.memory_space<vmem>>
        %dma_start3A_526 = arith.constant 0 : i32
        %dma_start3A_527 = tpu.memref_slice %arg5[%squeeze3A_493, %dma_start3A_526] : memref<1000000x64xf32, #tpu.memory_space<hbm>> -> memref<1x64xf32, #tpu.memory_space<hbm>>
        tpu.enqueue_dma source(%dma_start3A_527 : memref<1x64xf32, #tpu.memory_space<hbm>>) target(%dma_start3A_525 : memref<1x64xf32, #tpu.memory_space<vmem>>) target_semaphore(%arg20 : memref<!tpu.dma_semaphore, #tpu.memory_space<semaphore_mem>>)
        %dma_start3A_528 = arith.constant 0 : i32
        %dma_start3A_529 = tpu.memref_slice %arg17[%add3A_489, %dma_start3A_528] : memref<64x64xf32, #tpu.memory_space<vmem>> -> memref<1x64xf32, #tpu.memory_space<vmem>>
        %dma_start3A_530 = arith.constant 0 : i32
        %dma_start3A_531 = tpu.memref_slice %arg8[%squeeze3A_495, %dma_start3A_530] : memref<1000x64xf32, #tpu.memory_space<hbm>> -> memref<1x64xf32, #tpu.memory_space<hbm>>
        %dma_start3A_532 = arith.constant 0 : i32
        %dma_start3A_533 = tpu.memref_slice %arg17[%add3A_489, %dma_start3A_532] : memref<64x64xf32, #tpu.memory_space<vmem>> -> memref<1x64xf32, #tpu.memory_space<vmem>>
        %dma_start3A_534 = arith.constant 0 : i32
        %dma_start3A_535 = tpu.memref_slice %arg8[%squeeze3A_495, %dma_start3A_534] : memref<1000x64xf32, #tpu.memory_space<hbm>> -> memref<1x64xf32, #tpu.memory_space<hbm>>
        tpu.enqueue_dma source(%dma_start3A_535 : memref<1x64xf32, #tpu.memory_space<hbm>>) target(%dma_start3A_533 : memref<1x64xf32, #tpu.memory_space<vmem>>) target_semaphore(%arg20 : memref<!tpu.dma_semaphore, #tpu.memory_space<semaphore_mem>>)
        %dma_start3A_536 = arith.constant 0 : i32
        %dma_start3A_537 = tpu.memref_slice %arg18[%add3A_489, %dma_start3A_536] : memref<64x64xf32, #tpu.memory_space<vmem>> -> memref<1x64xf32, #tpu.memory_space<vmem>>
        %dma_start3A_538 = arith.constant 0 : i32
        %dma_start3A_539 = tpu.memref_slice %arg6[%squeeze3A_495, %dma_start3A_538] : memref<1000x64xf32, #tpu.memory_space<hbm>> -> memref<1x64xf32, #tpu.memory_space<hbm>>
        %dma_start3A_540 = arith.constant 0 : i32
        %dma_start3A_541 = tpu.memref_slice %arg18[%add3A_489, %dma_start3A_540] : memref<64x64xf32, #tpu.memory_space<vmem>> -> memref<1x64xf32, #tpu.memory_space<vmem>>
        %dma_start3A_542 = arith.constant 0 : i32
        %dma_start3A_543 = tpu.memref_slice %arg6[%squeeze3A_495, %dma_start3A_542] : memref<1000x64xf32, #tpu.memory_space<hbm>> -> memref<1x64xf32, #tpu.memory_space<hbm>>
        tpu.enqueue_dma source(%dma_start3A_543 : memref<1x64xf32, #tpu.memory_space<hbm>>) target(%dma_start3A_541 : memref<1x64xf32, #tpu.memory_space<vmem>>) target_semaphore(%arg20 : memref<!tpu.dma_semaphore, #tpu.memory_space<semaphore_mem>>)
        %mul3A_544 = arith.constant 16 : i32
        %mul3A_545 = arith.muli %scan3A_61, %mul3A_544 : i32
        %add3A_546 = arith.constant 8 : i32
        %add3A_547 = arith.addi %mul3A_545, %add3A_546 : i32
        %slice3A_548 = vector.extract_strided_slice %get3A_68 {offsets = [8], sizes = [1], strides = [1]} : vector<16xi32> to vector<1xi32>
        %squeeze3A_549 = vector.extract %slice3A_548[0] : i32 from vector<1xi32>
        %slice3A_550 = vector.extract_strided_slice %get3A_75 {offsets = [8], sizes = [1], strides = [1]} : vector<16xi32> to vector<1xi32>
        %squeeze3A_551 = vector.extract %slice3A_550[0] : i32 from vector<1xi32>
        %slice3A_552 = vector.extract_strided_slice %get3A_82 {offsets = [8], sizes = [1], strides = [1]} : vector<16xi32> to vector<1xi32>
        %squeeze3A_553 = vector.extract %slice3A_552[0] : i32 from vector<1xi32>
        %dma_start3A_554 = arith.constant 0 : i32
        %dma_start3A_555 = tpu.memref_slice %arg13[%add3A_547, %dma_start3A_554] : memref<64x64xf32, #tpu.memory_space<vmem>> -> memref<1x64xf32, #tpu.memory_space<vmem>>
        %dma_start3A_556 = arith.constant 0 : i32
        %dma_start3A_557 = tpu.memref_slice %arg7[%squeeze3A_549, %dma_start3A_556] : memref<1000000x64xf32, #tpu.memory_space<hbm>> -> memref<1x64xf32, #tpu.memory_space<hbm>>
        %dma_start3A_558 = arith.constant 0 : i32
        %dma_start3A_559 = tpu.memref_slice %arg13[%add3A_547, %dma_start3A_558] : memref<64x64xf32, #tpu.memory_space<vmem>> -> memref<1x64xf32, #tpu.memory_space<vmem>>
        %dma_start3A_560 = arith.constant 0 : i32
        %dma_start3A_561 = tpu.memref_slice %arg7[%squeeze3A_549, %dma_start3A_560] : memref<1000000x64xf32, #tpu.memory_space<hbm>> -> memref<1x64xf32, #tpu.memory_space<hbm>>
        tpu.enqueue_dma source(%dma_start3A_561 : memref<1x64xf32, #tpu.memory_space<hbm>>) target(%dma_start3A_559 : memref<1x64xf32, #tpu.memory_space<vmem>>) target_semaphore(%arg20 : memref<!tpu.dma_semaphore, #tpu.memory_space<semaphore_mem>>)
        %dma_start3A_562 = arith.constant 0 : i32
        %dma_start3A_563 = tpu.memref_slice %arg14[%add3A_547, %dma_start3A_562] : memref<64x64xf32, #tpu.memory_space<vmem>> -> memref<1x64xf32, #tpu.memory_space<vmem>>
        %dma_start3A_564 = arith.constant 0 : i32
        %dma_start3A_565 = tpu.memref_slice %arg5[%squeeze3A_549, %dma_start3A_564] : memref<1000000x64xf32, #tpu.memory_space<hbm>> -> memref<1x64xf32, #tpu.memory_space<hbm>>
        %dma_start3A_566 = arith.constant 0 : i32
        %dma_start3A_567 = tpu.memref_slice %arg14[%add3A_547, %dma_start3A_566] : memref<64x64xf32, #tpu.memory_space<vmem>> -> memref<1x64xf32, #tpu.memory_space<vmem>>
        %dma_start3A_568 = arith.constant 0 : i32
        %dma_start3A_569 = tpu.memref_slice %arg5[%squeeze3A_549, %dma_start3A_568] : memref<1000000x64xf32, #tpu.memory_space<hbm>> -> memref<1x64xf32, #tpu.memory_space<hbm>>
        tpu.enqueue_dma source(%dma_start3A_569 : memref<1x64xf32, #tpu.memory_space<hbm>>) target(%dma_start3A_567 : memref<1x64xf32, #tpu.memory_space<vmem>>) target_semaphore(%arg20 : memref<!tpu.dma_semaphore, #tpu.memory_space<semaphore_mem>>)
        %dma_start3A_570 = arith.constant 0 : i32
        %dma_start3A_571 = tpu.memref_slice %arg15[%add3A_547, %dma_start3A_570] : memref<64x64xf32, #tpu.memory_space<vmem>> -> memref<1x64xf32, #tpu.memory_space<vmem>>
        %dma_start3A_572 = arith.constant 0 : i32
        %dma_start3A_573 = tpu.memref_slice %arg7[%squeeze3A_551, %dma_start3A_572] : memref<1000000x64xf32, #tpu.memory_space<hbm>> -> memref<1x64xf32, #tpu.memory_space<hbm>>
        %dma_start3A_574 = arith.constant 0 : i32
        %dma_start3A_575 = tpu.memref_slice %arg15[%add3A_547, %dma_start3A_574] : memref<64x64xf32, #tpu.memory_space<vmem>> -> memref<1x64xf32, #tpu.memory_space<vmem>>
        %dma_start3A_576 = arith.constant 0 : i32
        %dma_start3A_577 = tpu.memref_slice %arg7[%squeeze3A_551, %dma_start3A_576] : memref<1000000x64xf32, #tpu.memory_space<hbm>> -> memref<1x64xf32, #tpu.memory_space<hbm>>
        tpu.enqueue_dma source(%dma_start3A_577 : memref<1x64xf32, #tpu.memory_space<hbm>>) target(%dma_start3A_575 : memref<1x64xf32, #tpu.memory_space<vmem>>) target_semaphore(%arg20 : memref<!tpu.dma_semaphore, #tpu.memory_space<semaphore_mem>>)
        %dma_start3A_578 = arith.constant 0 : i32
        %dma_start3A_579 = tpu.memref_slice %arg16[%add3A_547, %dma_start3A_578] : memref<64x64xf32, #tpu.memory_space<vmem>> -> memref<1x64xf32, #tpu.memory_space<vmem>>
        %dma_start3A_580 = arith.constant 0 : i32
        %dma_start3A_581 = tpu.memref_slice %arg5[%squeeze3A_551, %dma_start3A_580] : memref<1000000x64xf32, #tpu.memory_space<hbm>> -> memref<1x64xf32, #tpu.memory_space<hbm>>
        %dma_start3A_582 = arith.constant 0 : i32
        %dma_start3A_583 = tpu.memref_slice %arg16[%add3A_547, %dma_start3A_582] : memref<64x64xf32, #tpu.memory_space<vmem>> -> memref<1x64xf32, #tpu.memory_space<vmem>>
        %dma_start3A_584 = arith.constant 0 : i32
        %dma_start3A_585 = tpu.memref_slice %arg5[%squeeze3A_551, %dma_start3A_584] : memref<1000000x64xf32, #tpu.memory_space<hbm>> -> memref<1x64xf32, #tpu.memory_space<hbm>>
        tpu.enqueue_dma source(%dma_start3A_585 : memref<1x64xf32, #tpu.memory_space<hbm>>) target(%dma_start3A_583 : memref<1x64xf32, #tpu.memory_space<vmem>>) target_semaphore(%arg20 : memref<!tpu.dma_semaphore, #tpu.memory_space<semaphore_mem>>)
        %dma_start3A_586 = arith.constant 0 : i32
        %dma_start3A_587 = tpu.memref_slice %arg17[%add3A_547, %dma_start3A_586] : memref<64x64xf32, #tpu.memory_space<vmem>> -> memref<1x64xf32, #tpu.memory_space<vmem>>
        %dma_start3A_588 = arith.constant 0 : i32
        %dma_start3A_589 = tpu.memref_slice %arg8[%squeeze3A_553, %dma_start3A_588] : memref<1000x64xf32, #tpu.memory_space<hbm>> -> memref<1x64xf32, #tpu.memory_space<hbm>>
        %dma_start3A_590 = arith.constant 0 : i32
        %dma_start3A_591 = tpu.memref_slice %arg17[%add3A_547, %dma_start3A_590] : memref<64x64xf32, #tpu.memory_space<vmem>> -> memref<1x64xf32, #tpu.memory_space<vmem>>
        %dma_start3A_592 = arith.constant 0 : i32
        %dma_start3A_593 = tpu.memref_slice %arg8[%squeeze3A_553, %dma_start3A_592] : memref<1000x64xf32, #tpu.memory_space<hbm>> -> memref<1x64xf32, #tpu.memory_space<hbm>>
        tpu.enqueue_dma source(%dma_start3A_593 : memref<1x64xf32, #tpu.memory_space<hbm>>) target(%dma_start3A_591 : memref<1x64xf32, #tpu.memory_space<vmem>>) target_semaphore(%arg20 : memref<!tpu.dma_semaphore, #tpu.memory_space<semaphore_mem>>)
        %dma_start3A_594 = arith.constant 0 : i32
        %dma_start3A_595 = tpu.memref_slice %arg18[%add3A_547, %dma_start3A_594] : memref<64x64xf32, #tpu.memory_space<vmem>> -> memref<1x64xf32, #tpu.memory_space<vmem>>
        %dma_start3A_596 = arith.constant 0 : i32
        %dma_start3A_597 = tpu.memref_slice %arg6[%squeeze3A_553, %dma_start3A_596] : memref<1000x64xf32, #tpu.memory_space<hbm>> -> memref<1x64xf32, #tpu.memory_space<hbm>>
        %dma_start3A_598 = arith.constant 0 : i32
        %dma_start3A_599 = tpu.memref_slice %arg18[%add3A_547, %dma_start3A_598] : memref<64x64xf32, #tpu.memory_space<vmem>> -> memref<1x64xf32, #tpu.memory_space<vmem>>
        %dma_start3A_600 = arith.constant 0 : i32
        %dma_start3A_601 = tpu.memref_slice %arg6[%squeeze3A_553, %dma_start3A_600] : memref<1000x64xf32, #tpu.memory_space<hbm>> -> memref<1x64xf32, #tpu.memory_space<hbm>>
        tpu.enqueue_dma source(%dma_start3A_601 : memref<1x64xf32, #tpu.memory_space<hbm>>) target(%dma_start3A_599 : memref<1x64xf32, #tpu.memory_space<vmem>>) target_semaphore(%arg20 : memref<!tpu.dma_semaphore, #tpu.memory_space<semaphore_mem>>)
        %mul3A_602 = arith.constant 16 : i32
        %mul3A_603 = arith.muli %scan3A_61, %mul3A_602 : i32
        %add3A_604 = arith.constant 9 : i32
        %add3A_605 = arith.addi %mul3A_603, %add3A_604 : i32
        %slice3A_606 = vector.extract_strided_slice %get3A_68 {offsets = [9], sizes = [1], strides = [1]} : vector<16xi32> to vector<1xi32>
        %squeeze3A_607 = vector.extract %slice3A_606[0] : i32 from vector<1xi32>
        %slice3A_608 = vector.extract_strided_slice %get3A_75 {offsets = [9], sizes = [1], strides = [1]} : vector<16xi32> to vector<1xi32>
        %squeeze3A_609 = vector.extract %slice3A_608[0] : i32 from vector<1xi32>
        %slice3A_610 = vector.extract_strided_slice %get3A_82 {offsets = [9], sizes = [1], strides = [1]} : vector<16xi32> to vector<1xi32>
        %squeeze3A_611 = vector.extract %slice3A_610[0] : i32 from vector<1xi32>
        %dma_start3A_612 = arith.constant 0 : i32
        %dma_start3A_613 = tpu.memref_slice %arg13[%add3A_605, %dma_start3A_612] : memref<64x64xf32, #tpu.memory_space<vmem>> -> memref<1x64xf32, #tpu.memory_space<vmem>>
        %dma_start3A_614 = arith.constant 0 : i32
        %dma_start3A_615 = tpu.memref_slice %arg7[%squeeze3A_607, %dma_start3A_614] : memref<1000000x64xf32, #tpu.memory_space<hbm>> -> memref<1x64xf32, #tpu.memory_space<hbm>>
        %dma_start3A_616 = arith.constant 0 : i32
        %dma_start3A_617 = tpu.memref_slice %arg13[%add3A_605, %dma_start3A_616] : memref<64x64xf32, #tpu.memory_space<vmem>> -> memref<1x64xf32, #tpu.memory_space<vmem>>
        %dma_start3A_618 = arith.constant 0 : i32
        %dma_start3A_619 = tpu.memref_slice %arg7[%squeeze3A_607, %dma_start3A_618] : memref<1000000x64xf32, #tpu.memory_space<hbm>> -> memref<1x64xf32, #tpu.memory_space<hbm>>
        tpu.enqueue_dma source(%dma_start3A_619 : memref<1x64xf32, #tpu.memory_space<hbm>>) target(%dma_start3A_617 : memref<1x64xf32, #tpu.memory_space<vmem>>) target_semaphore(%arg20 : memref<!tpu.dma_semaphore, #tpu.memory_space<semaphore_mem>>)
        %dma_start3A_620 = arith.constant 0 : i32
        %dma_start3A_621 = tpu.memref_slice %arg14[%add3A_605, %dma_start3A_620] : memref<64x64xf32, #tpu.memory_space<vmem>> -> memref<1x64xf32, #tpu.memory_space<vmem>>
        %dma_start3A_622 = arith.constant 0 : i32
        %dma_start3A_623 = tpu.memref_slice %arg5[%squeeze3A_607, %dma_start3A_622] : memref<1000000x64xf32, #tpu.memory_space<hbm>> -> memref<1x64xf32, #tpu.memory_space<hbm>>
        %dma_start3A_624 = arith.constant 0 : i32
        %dma_start3A_625 = tpu.memref_slice %arg14[%add3A_605, %dma_start3A_624] : memref<64x64xf32, #tpu.memory_space<vmem>> -> memref<1x64xf32, #tpu.memory_space<vmem>>
        %dma_start3A_626 = arith.constant 0 : i32
        %dma_start3A_627 = tpu.memref_slice %arg5[%squeeze3A_607, %dma_start3A_626] : memref<1000000x64xf32, #tpu.memory_space<hbm>> -> memref<1x64xf32, #tpu.memory_space<hbm>>
        tpu.enqueue_dma source(%dma_start3A_627 : memref<1x64xf32, #tpu.memory_space<hbm>>) target(%dma_start3A_625 : memref<1x64xf32, #tpu.memory_space<vmem>>) target_semaphore(%arg20 : memref<!tpu.dma_semaphore, #tpu.memory_space<semaphore_mem>>)
        %dma_start3A_628 = arith.constant 0 : i32
        %dma_start3A_629 = tpu.memref_slice %arg15[%add3A_605, %dma_start3A_628] : memref<64x64xf32, #tpu.memory_space<vmem>> -> memref<1x64xf32, #tpu.memory_space<vmem>>
        %dma_start3A_630 = arith.constant 0 : i32
        %dma_start3A_631 = tpu.memref_slice %arg7[%squeeze3A_609, %dma_start3A_630] : memref<1000000x64xf32, #tpu.memory_space<hbm>> -> memref<1x64xf32, #tpu.memory_space<hbm>>
        %dma_start3A_632 = arith.constant 0 : i32
        %dma_start3A_633 = tpu.memref_slice %arg15[%add3A_605, %dma_start3A_632] : memref<64x64xf32, #tpu.memory_space<vmem>> -> memref<1x64xf32, #tpu.memory_space<vmem>>
        %dma_start3A_634 = arith.constant 0 : i32
        %dma_start3A_635 = tpu.memref_slice %arg7[%squeeze3A_609, %dma_start3A_634] : memref<1000000x64xf32, #tpu.memory_space<hbm>> -> memref<1x64xf32, #tpu.memory_space<hbm>>
        tpu.enqueue_dma source(%dma_start3A_635 : memref<1x64xf32, #tpu.memory_space<hbm>>) target(%dma_start3A_633 : memref<1x64xf32, #tpu.memory_space<vmem>>) target_semaphore(%arg20 : memref<!tpu.dma_semaphore, #tpu.memory_space<semaphore_mem>>)
        %dma_start3A_636 = arith.constant 0 : i32
        %dma_start3A_637 = tpu.memref_slice %arg16[%add3A_605, %dma_start3A_636] : memref<64x64xf32, #tpu.memory_space<vmem>> -> memref<1x64xf32, #tpu.memory_space<vmem>>
        %dma_start3A_638 = arith.constant 0 : i32
        %dma_start3A_639 = tpu.memref_slice %arg5[%squeeze3A_609, %dma_start3A_638] : memref<1000000x64xf32, #tpu.memory_space<hbm>> -> memref<1x64xf32, #tpu.memory_space<hbm>>
        %dma_start3A_640 = arith.constant 0 : i32
        %dma_start3A_641 = tpu.memref_slice %arg16[%add3A_605, %dma_start3A_640] : memref<64x64xf32, #tpu.memory_space<vmem>> -> memref<1x64xf32, #tpu.memory_space<vmem>>
        %dma_start3A_642 = arith.constant 0 : i32
        %dma_start3A_643 = tpu.memref_slice %arg5[%squeeze3A_609, %dma_start3A_642] : memref<1000000x64xf32, #tpu.memory_space<hbm>> -> memref<1x64xf32, #tpu.memory_space<hbm>>
        tpu.enqueue_dma source(%dma_start3A_643 : memref<1x64xf32, #tpu.memory_space<hbm>>) target(%dma_start3A_641 : memref<1x64xf32, #tpu.memory_space<vmem>>) target_semaphore(%arg20 : memref<!tpu.dma_semaphore, #tpu.memory_space<semaphore_mem>>)
        %dma_start3A_644 = arith.constant 0 : i32
        %dma_start3A_645 = tpu.memref_slice %arg17[%add3A_605, %dma_start3A_644] : memref<64x64xf32, #tpu.memory_space<vmem>> -> memref<1x64xf32, #tpu.memory_space<vmem>>
        %dma_start3A_646 = arith.constant 0 : i32
        %dma_start3A_647 = tpu.memref_slice %arg8[%squeeze3A_611, %dma_start3A_646] : memref<1000x64xf32, #tpu.memory_space<hbm>> -> memref<1x64xf32, #tpu.memory_space<hbm>>
        %dma_start3A_648 = arith.constant 0 : i32
        %dma_start3A_649 = tpu.memref_slice %arg17[%add3A_605, %dma_start3A_648] : memref<64x64xf32, #tpu.memory_space<vmem>> -> memref<1x64xf32, #tpu.memory_space<vmem>>
        %dma_start3A_650 = arith.constant 0 : i32
        %dma_start3A_651 = tpu.memref_slice %arg8[%squeeze3A_611, %dma_start3A_650] : memref<1000x64xf32, #tpu.memory_space<hbm>> -> memref<1x64xf32, #tpu.memory_space<hbm>>
        tpu.enqueue_dma source(%dma_start3A_651 : memref<1x64xf32, #tpu.memory_space<hbm>>) target(%dma_start3A_649 : memref<1x64xf32, #tpu.memory_space<vmem>>) target_semaphore(%arg20 : memref<!tpu.dma_semaphore, #tpu.memory_space<semaphore_mem>>)
        %dma_start3A_652 = arith.constant 0 : i32
        %dma_start3A_653 = tpu.memref_slice %arg18[%add3A_605, %dma_start3A_652] : memref<64x64xf32, #tpu.memory_space<vmem>> -> memref<1x64xf32, #tpu.memory_space<vmem>>
        %dma_start3A_654 = arith.constant 0 : i32
        %dma_start3A_655 = tpu.memref_slice %arg6[%squeeze3A_611, %dma_start3A_654] : memref<1000x64xf32, #tpu.memory_space<hbm>> -> memref<1x64xf32, #tpu.memory_space<hbm>>
        %dma_start3A_656 = arith.constant 0 : i32
        %dma_start3A_657 = tpu.memref_slice %arg18[%add3A_605, %dma_start3A_656] : memref<64x64xf32, #tpu.memory_space<vmem>> -> memref<1x64xf32, #tpu.memory_space<vmem>>
        %dma_start3A_658 = arith.constant 0 : i32
        %dma_start3A_659 = tpu.memref_slice %arg6[%squeeze3A_611, %dma_start3A_658] : memref<1000x64xf32, #tpu.memory_space<hbm>> -> memref<1x64xf32, #tpu.memory_space<hbm>>
        tpu.enqueue_dma source(%dma_start3A_659 : memref<1x64xf32, #tpu.memory_space<hbm>>) target(%dma_start3A_657 : memref<1x64xf32, #tpu.memory_space<vmem>>) target_semaphore(%arg20 : memref<!tpu.dma_semaphore, #tpu.memory_space<semaphore_mem>>)
        %mul3A_660 = arith.constant 16 : i32
        %mul3A_661 = arith.muli %scan3A_61, %mul3A_660 : i32
        %add3A_662 = arith.constant 10 : i32
        %add3A_663 = arith.addi %mul3A_661, %add3A_662 : i32
        %slice3A_664 = vector.extract_strided_slice %get3A_68 {offsets = [10], sizes = [1], strides = [1]} : vector<16xi32> to vector<1xi32>
        %squeeze3A_665 = vector.extract %slice3A_664[0] : i32 from vector<1xi32>
        %slice3A_666 = vector.extract_strided_slice %get3A_75 {offsets = [10], sizes = [1], strides = [1]} : vector<16xi32> to vector<1xi32>
        %squeeze3A_667 = vector.extract %slice3A_666[0] : i32 from vector<1xi32>
        %slice3A_668 = vector.extract_strided_slice %get3A_82 {offsets = [10], sizes = [1], strides = [1]} : vector<16xi32> to vector<1xi32>
        %squeeze3A_669 = vector.extract %slice3A_668[0] : i32 from vector<1xi32>
        %dma_start3A_670 = arith.constant 0 : i32
        %dma_start3A_671 = tpu.memref_slice %arg13[%add3A_663, %dma_start3A_670] : memref<64x64xf32, #tpu.memory_space<vmem>> -> memref<1x64xf32, #tpu.memory_space<vmem>>
        %dma_start3A_672 = arith.constant 0 : i32
        %dma_start3A_673 = tpu.memref_slice %arg7[%squeeze3A_665, %dma_start3A_672] : memref<1000000x64xf32, #tpu.memory_space<hbm>> -> memref<1x64xf32, #tpu.memory_space<hbm>>
        %dma_start3A_674 = arith.constant 0 : i32
        %dma_start3A_675 = tpu.memref_slice %arg13[%add3A_663, %dma_start3A_674] : memref<64x64xf32, #tpu.memory_space<vmem>> -> memref<1x64xf32, #tpu.memory_space<vmem>>
        %dma_start3A_676 = arith.constant 0 : i32
        %dma_start3A_677 = tpu.memref_slice %arg7[%squeeze3A_665, %dma_start3A_676] : memref<1000000x64xf32, #tpu.memory_space<hbm>> -> memref<1x64xf32, #tpu.memory_space<hbm>>
        tpu.enqueue_dma source(%dma_start3A_677 : memref<1x64xf32, #tpu.memory_space<hbm>>) target(%dma_start3A_675 : memref<1x64xf32, #tpu.memory_space<vmem>>) target_semaphore(%arg20 : memref<!tpu.dma_semaphore, #tpu.memory_space<semaphore_mem>>)
        %dma_start3A_678 = arith.constant 0 : i32
        %dma_start3A_679 = tpu.memref_slice %arg14[%add3A_663, %dma_start3A_678] : memref<64x64xf32, #tpu.memory_space<vmem>> -> memref<1x64xf32, #tpu.memory_space<vmem>>
        %dma_start3A_680 = arith.constant 0 : i32
        %dma_start3A_681 = tpu.memref_slice %arg5[%squeeze3A_665, %dma_start3A_680] : memref<1000000x64xf32, #tpu.memory_space<hbm>> -> memref<1x64xf32, #tpu.memory_space<hbm>>
        %dma_start3A_682 = arith.constant 0 : i32
        %dma_start3A_683 = tpu.memref_slice %arg14[%add3A_663, %dma_start3A_682] : memref<64x64xf32, #tpu.memory_space<vmem>> -> memref<1x64xf32, #tpu.memory_space<vmem>>
        %dma_start3A_684 = arith.constant 0 : i32
        %dma_start3A_685 = tpu.memref_slice %arg5[%squeeze3A_665, %dma_start3A_684] : memref<1000000x64xf32, #tpu.memory_space<hbm>> -> memref<1x64xf32, #tpu.memory_space<hbm>>
        tpu.enqueue_dma source(%dma_start3A_685 : memref<1x64xf32, #tpu.memory_space<hbm>>) target(%dma_start3A_683 : memref<1x64xf32, #tpu.memory_space<vmem>>) target_semaphore(%arg20 : memref<!tpu.dma_semaphore, #tpu.memory_space<semaphore_mem>>)
        %dma_start3A_686 = arith.constant 0 : i32
        %dma_start3A_687 = tpu.memref_slice %arg15[%add3A_663, %dma_start3A_686] : memref<64x64xf32, #tpu.memory_space<vmem>> -> memref<1x64xf32, #tpu.memory_space<vmem>>
        %dma_start3A_688 = arith.constant 0 : i32
        %dma_start3A_689 = tpu.memref_slice %arg7[%squeeze3A_667, %dma_start3A_688] : memref<1000000x64xf32, #tpu.memory_space<hbm>> -> memref<1x64xf32, #tpu.memory_space<hbm>>
        %dma_start3A_690 = arith.constant 0 : i32
        %dma_start3A_691 = tpu.memref_slice %arg15[%add3A_663, %dma_start3A_690] : memref<64x64xf32, #tpu.memory_space<vmem>> -> memref<1x64xf32, #tpu.memory_space<vmem>>
        %dma_start3A_692 = arith.constant 0 : i32
        %dma_start3A_693 = tpu.memref_slice %arg7[%squeeze3A_667, %dma_start3A_692] : memref<1000000x64xf32, #tpu.memory_space<hbm>> -> memref<1x64xf32, #tpu.memory_space<hbm>>
        tpu.enqueue_dma source(%dma_start3A_693 : memref<1x64xf32, #tpu.memory_space<hbm>>) target(%dma_start3A_691 : memref<1x64xf32, #tpu.memory_space<vmem>>) target_semaphore(%arg20 : memref<!tpu.dma_semaphore, #tpu.memory_space<semaphore_mem>>)
        %dma_start3A_694 = arith.constant 0 : i32
        %dma_start3A_695 = tpu.memref_slice %arg16[%add3A_663, %dma_start3A_694] : memref<64x64xf32, #tpu.memory_space<vmem>> -> memref<1x64xf32, #tpu.memory_space<vmem>>
        %dma_start3A_696 = arith.constant 0 : i32
        %dma_start3A_697 = tpu.memref_slice %arg5[%squeeze3A_667, %dma_start3A_696] : memref<1000000x64xf32, #tpu.memory_space<hbm>> -> memref<1x64xf32, #tpu.memory_space<hbm>>
        %dma_start3A_698 = arith.constant 0 : i32
        %dma_start3A_699 = tpu.memref_slice %arg16[%add3A_663, %dma_start3A_698] : memref<64x64xf32, #tpu.memory_space<vmem>> -> memref<1x64xf32, #tpu.memory_space<vmem>>
        %dma_start3A_700 = arith.constant 0 : i32
        %dma_start3A_701 = tpu.memref_slice %arg5[%squeeze3A_667, %dma_start3A_700] : memref<1000000x64xf32, #tpu.memory_space<hbm>> -> memref<1x64xf32, #tpu.memory_space<hbm>>
        tpu.enqueue_dma source(%dma_start3A_701 : memref<1x64xf32, #tpu.memory_space<hbm>>) target(%dma_start3A_699 : memref<1x64xf32, #tpu.memory_space<vmem>>) target_semaphore(%arg20 : memref<!tpu.dma_semaphore, #tpu.memory_space<semaphore_mem>>)
        %dma_start3A_702 = arith.constant 0 : i32
        %dma_start3A_703 = tpu.memref_slice %arg17[%add3A_663, %dma_start3A_702] : memref<64x64xf32, #tpu.memory_space<vmem>> -> memref<1x64xf32, #tpu.memory_space<vmem>>
        %dma_start3A_704 = arith.constant 0 : i32
        %dma_start3A_705 = tpu.memref_slice %arg8[%squeeze3A_669, %dma_start3A_704] : memref<1000x64xf32, #tpu.memory_space<hbm>> -> memref<1x64xf32, #tpu.memory_space<hbm>>
        %dma_start3A_706 = arith.constant 0 : i32
        %dma_start3A_707 = tpu.memref_slice %arg17[%add3A_663, %dma_start3A_706] : memref<64x64xf32, #tpu.memory_space<vmem>> -> memref<1x64xf32, #tpu.memory_space<vmem>>
        %dma_start3A_708 = arith.constant 0 : i32
        %dma_start3A_709 = tpu.memref_slice %arg8[%squeeze3A_669, %dma_start3A_708] : memref<1000x64xf32, #tpu.memory_space<hbm>> -> memref<1x64xf32, #tpu.memory_space<hbm>>
        tpu.enqueue_dma source(%dma_start3A_709 : memref<1x64xf32, #tpu.memory_space<hbm>>) target(%dma_start3A_707 : memref<1x64xf32, #tpu.memory_space<vmem>>) target_semaphore(%arg20 : memref<!tpu.dma_semaphore, #tpu.memory_space<semaphore_mem>>)
        %dma_start3A_710 = arith.constant 0 : i32
        %dma_start3A_711 = tpu.memref_slice %arg18[%add3A_663, %dma_start3A_710] : memref<64x64xf32, #tpu.memory_space<vmem>> -> memref<1x64xf32, #tpu.memory_space<vmem>>
        %dma_start3A_712 = arith.constant 0 : i32
        %dma_start3A_713 = tpu.memref_slice %arg6[%squeeze3A_669, %dma_start3A_712] : memref<1000x64xf32, #tpu.memory_space<hbm>> -> memref<1x64xf32, #tpu.memory_space<hbm>>
        %dma_start3A_714 = arith.constant 0 : i32
        %dma_start3A_715 = tpu.memref_slice %arg18[%add3A_663, %dma_start3A_714] : memref<64x64xf32, #tpu.memory_space<vmem>> -> memref<1x64xf32, #tpu.memory_space<vmem>>
        %dma_start3A_716 = arith.constant 0 : i32
        %dma_start3A_717 = tpu.memref_slice %arg6[%squeeze3A_669, %dma_start3A_716] : memref<1000x64xf32, #tpu.memory_space<hbm>> -> memref<1x64xf32, #tpu.memory_space<hbm>>
        tpu.enqueue_dma source(%dma_start3A_717 : memref<1x64xf32, #tpu.memory_space<hbm>>) target(%dma_start3A_715 : memref<1x64xf32, #tpu.memory_space<vmem>>) target_semaphore(%arg20 : memref<!tpu.dma_semaphore, #tpu.memory_space<semaphore_mem>>)
        %mul3A_718 = arith.constant 16 : i32
        %mul3A_719 = arith.muli %scan3A_61, %mul3A_718 : i32
        %add3A_720 = arith.constant 11 : i32
        %add3A_721 = arith.addi %mul3A_719, %add3A_720 : i32
        %slice3A_722 = vector.extract_strided_slice %get3A_68 {offsets = [11], sizes = [1], strides = [1]} : vector<16xi32> to vector<1xi32>
        %squeeze3A_723 = vector.extract %slice3A_722[0] : i32 from vector<1xi32>
        %slice3A_724 = vector.extract_strided_slice %get3A_75 {offsets = [11], sizes = [1], strides = [1]} : vector<16xi32> to vector<1xi32>
        %squeeze3A_725 = vector.extract %slice3A_724[0] : i32 from vector<1xi32>
        %slice3A_726 = vector.extract_strided_slice %get3A_82 {offsets = [11], sizes = [1], strides = [1]} : vector<16xi32> to vector<1xi32>
        %squeeze3A_727 = vector.extract %slice3A_726[0] : i32 from vector<1xi32>
        %dma_start3A_728 = arith.constant 0 : i32
        %dma_start3A_729 = tpu.memref_slice %arg13[%add3A_721, %dma_start3A_728] : memref<64x64xf32, #tpu.memory_space<vmem>> -> memref<1x64xf32, #tpu.memory_space<vmem>>
        %dma_start3A_730 = arith.constant 0 : i32
        %dma_start3A_731 = tpu.memref_slice %arg7[%squeeze3A_723, %dma_start3A_730] : memref<1000000x64xf32, #tpu.memory_space<hbm>> -> memref<1x64xf32, #tpu.memory_space<hbm>>
        %dma_start3A_732 = arith.constant 0 : i32
        %dma_start3A_733 = tpu.memref_slice %arg13[%add3A_721, %dma_start3A_732] : memref<64x64xf32, #tpu.memory_space<vmem>> -> memref<1x64xf32, #tpu.memory_space<vmem>>
        %dma_start3A_734 = arith.constant 0 : i32
        %dma_start3A_735 = tpu.memref_slice %arg7[%squeeze3A_723, %dma_start3A_734] : memref<1000000x64xf32, #tpu.memory_space<hbm>> -> memref<1x64xf32, #tpu.memory_space<hbm>>
        tpu.enqueue_dma source(%dma_start3A_735 : memref<1x64xf32, #tpu.memory_space<hbm>>) target(%dma_start3A_733 : memref<1x64xf32, #tpu.memory_space<vmem>>) target_semaphore(%arg20 : memref<!tpu.dma_semaphore, #tpu.memory_space<semaphore_mem>>)
        %dma_start3A_736 = arith.constant 0 : i32
        %dma_start3A_737 = tpu.memref_slice %arg14[%add3A_721, %dma_start3A_736] : memref<64x64xf32, #tpu.memory_space<vmem>> -> memref<1x64xf32, #tpu.memory_space<vmem>>
        %dma_start3A_738 = arith.constant 0 : i32
        %dma_start3A_739 = tpu.memref_slice %arg5[%squeeze3A_723, %dma_start3A_738] : memref<1000000x64xf32, #tpu.memory_space<hbm>> -> memref<1x64xf32, #tpu.memory_space<hbm>>
        %dma_start3A_740 = arith.constant 0 : i32
        %dma_start3A_741 = tpu.memref_slice %arg14[%add3A_721, %dma_start3A_740] : memref<64x64xf32, #tpu.memory_space<vmem>> -> memref<1x64xf32, #tpu.memory_space<vmem>>
        %dma_start3A_742 = arith.constant 0 : i32
        %dma_start3A_743 = tpu.memref_slice %arg5[%squeeze3A_723, %dma_start3A_742] : memref<1000000x64xf32, #tpu.memory_space<hbm>> -> memref<1x64xf32, #tpu.memory_space<hbm>>
        tpu.enqueue_dma source(%dma_start3A_743 : memref<1x64xf32, #tpu.memory_space<hbm>>) target(%dma_start3A_741 : memref<1x64xf32, #tpu.memory_space<vmem>>) target_semaphore(%arg20 : memref<!tpu.dma_semaphore, #tpu.memory_space<semaphore_mem>>)
        %dma_start3A_744 = arith.constant 0 : i32
        %dma_start3A_745 = tpu.memref_slice %arg15[%add3A_721, %dma_start3A_744] : memref<64x64xf32, #tpu.memory_space<vmem>> -> memref<1x64xf32, #tpu.memory_space<vmem>>
        %dma_start3A_746 = arith.constant 0 : i32
        %dma_start3A_747 = tpu.memref_slice %arg7[%squeeze3A_725, %dma_start3A_746] : memref<1000000x64xf32, #tpu.memory_space<hbm>> -> memref<1x64xf32, #tpu.memory_space<hbm>>
        %dma_start3A_748 = arith.constant 0 : i32
        %dma_start3A_749 = tpu.memref_slice %arg15[%add3A_721, %dma_start3A_748] : memref<64x64xf32, #tpu.memory_space<vmem>> -> memref<1x64xf32, #tpu.memory_space<vmem>>
        %dma_start3A_750 = arith.constant 0 : i32
        %dma_start3A_751 = tpu.memref_slice %arg7[%squeeze3A_725, %dma_start3A_750] : memref<1000000x64xf32, #tpu.memory_space<hbm>> -> memref<1x64xf32, #tpu.memory_space<hbm>>
        tpu.enqueue_dma source(%dma_start3A_751 : memref<1x64xf32, #tpu.memory_space<hbm>>) target(%dma_start3A_749 : memref<1x64xf32, #tpu.memory_space<vmem>>) target_semaphore(%arg20 : memref<!tpu.dma_semaphore, #tpu.memory_space<semaphore_mem>>)
        %dma_start3A_752 = arith.constant 0 : i32
        %dma_start3A_753 = tpu.memref_slice %arg16[%add3A_721, %dma_start3A_752] : memref<64x64xf32, #tpu.memory_space<vmem>> -> memref<1x64xf32, #tpu.memory_space<vmem>>
        %dma_start3A_754 = arith.constant 0 : i32
        %dma_start3A_755 = tpu.memref_slice %arg5[%squeeze3A_725, %dma_start3A_754] : memref<1000000x64xf32, #tpu.memory_space<hbm>> -> memref<1x64xf32, #tpu.memory_space<hbm>>
        %dma_start3A_756 = arith.constant 0 : i32
        %dma_start3A_757 = tpu.memref_slice %arg16[%add3A_721, %dma_start3A_756] : memref<64x64xf32, #tpu.memory_space<vmem>> -> memref<1x64xf32, #tpu.memory_space<vmem>>
        %dma_start3A_758 = arith.constant 0 : i32
        %dma_start3A_759 = tpu.memref_slice %arg5[%squeeze3A_725, %dma_start3A_758] : memref<1000000x64xf32, #tpu.memory_space<hbm>> -> memref<1x64xf32, #tpu.memory_space<hbm>>
        tpu.enqueue_dma source(%dma_start3A_759 : memref<1x64xf32, #tpu.memory_space<hbm>>) target(%dma_start3A_757 : memref<1x64xf32, #tpu.memory_space<vmem>>) target_semaphore(%arg20 : memref<!tpu.dma_semaphore, #tpu.memory_space<semaphore_mem>>)
        %dma_start3A_760 = arith.constant 0 : i32
        %dma_start3A_761 = tpu.memref_slice %arg17[%add3A_721, %dma_start3A_760] : memref<64x64xf32, #tpu.memory_space<vmem>> -> memref<1x64xf32, #tpu.memory_space<vmem>>
        %dma_start3A_762 = arith.constant 0 : i32
        %dma_start3A_763 = tpu.memref_slice %arg8[%squeeze3A_727, %dma_start3A_762] : memref<1000x64xf32, #tpu.memory_space<hbm>> -> memref<1x64xf32, #tpu.memory_space<hbm>>
        %dma_start3A_764 = arith.constant 0 : i32
        %dma_start3A_765 = tpu.memref_slice %arg17[%add3A_721, %dma_start3A_764] : memref<64x64xf32, #tpu.memory_space<vmem>> -> memref<1x64xf32, #tpu.memory_space<vmem>>
        %dma_start3A_766 = arith.constant 0 : i32
        %dma_start3A_767 = tpu.memref_slice %arg8[%squeeze3A_727, %dma_start3A_766] : memref<1000x64xf32, #tpu.memory_space<hbm>> -> memref<1x64xf32, #tpu.memory_space<hbm>>
        tpu.enqueue_dma source(%dma_start3A_767 : memref<1x64xf32, #tpu.memory_space<hbm>>) target(%dma_start3A_765 : memref<1x64xf32, #tpu.memory_space<vmem>>) target_semaphore(%arg20 : memref<!tpu.dma_semaphore, #tpu.memory_space<semaphore_mem>>)
        %dma_start3A_768 = arith.constant 0 : i32
        %dma_start3A_769 = tpu.memref_slice %arg18[%add3A_721, %dma_start3A_768] : memref<64x64xf32, #tpu.memory_space<vmem>> -> memref<1x64xf32, #tpu.memory_space<vmem>>
        %dma_start3A_770 = arith.constant 0 : i32
        %dma_start3A_771 = tpu.memref_slice %arg6[%squeeze3A_727, %dma_start3A_770] : memref<1000x64xf32, #tpu.memory_space<hbm>> -> memref<1x64xf32, #tpu.memory_space<hbm>>
        %dma_start3A_772 = arith.constant 0 : i32
        %dma_start3A_773 = tpu.memref_slice %arg18[%add3A_721, %dma_start3A_772] : memref<64x64xf32, #tpu.memory_space<vmem>> -> memref<1x64xf32, #tpu.memory_space<vmem>>
        %dma_start3A_774 = arith.constant 0 : i32
        %dma_start3A_775 = tpu.memref_slice %arg6[%squeeze3A_727, %dma_start3A_774] : memref<1000x64xf32, #tpu.memory_space<hbm>> -> memref<1x64xf32, #tpu.memory_space<hbm>>
        tpu.enqueue_dma source(%dma_start3A_775 : memref<1x64xf32, #tpu.memory_space<hbm>>) target(%dma_start3A_773 : memref<1x64xf32, #tpu.memory_space<vmem>>) target_semaphore(%arg20 : memref<!tpu.dma_semaphore, #tpu.memory_space<semaphore_mem>>)
        %mul3A_776 = arith.constant 16 : i32
        %mul3A_777 = arith.muli %scan3A_61, %mul3A_776 : i32
        %add3A_778 = arith.constant 12 : i32
        %add3A_779 = arith.addi %mul3A_777, %add3A_778 : i32
        %slice3A_780 = vector.extract_strided_slice %get3A_68 {offsets = [12], sizes = [1], strides = [1]} : vector<16xi32> to vector<1xi32>
        %squeeze3A_781 = vector.extract %slice3A_780[0] : i32 from vector<1xi32>
        %slice3A_782 = vector.extract_strided_slice %get3A_75 {offsets = [12], sizes = [1], strides = [1]} : vector<16xi32> to vector<1xi32>
        %squeeze3A_783 = vector.extract %slice3A_782[0] : i32 from vector<1xi32>
        %slice3A_784 = vector.extract_strided_slice %get3A_82 {offsets = [12], sizes = [1], strides = [1]} : vector<16xi32> to vector<1xi32>
        %squeeze3A_785 = vector.extract %slice3A_784[0] : i32 from vector<1xi32>
        %dma_start3A_786 = arith.constant 0 : i32
        %dma_start3A_787 = tpu.memref_slice %arg13[%add3A_779, %dma_start3A_786] : memref<64x64xf32, #tpu.memory_space<vmem>> -> memref<1x64xf32, #tpu.memory_space<vmem>>
        %dma_start3A_788 = arith.constant 0 : i32
        %dma_start3A_789 = tpu.memref_slice %arg7[%squeeze3A_781, %dma_start3A_788] : memref<1000000x64xf32, #tpu.memory_space<hbm>> -> memref<1x64xf32, #tpu.memory_space<hbm>>
        %dma_start3A_790 = arith.constant 0 : i32
        %dma_start3A_791 = tpu.memref_slice %arg13[%add3A_779, %dma_start3A_790] : memref<64x64xf32, #tpu.memory_space<vmem>> -> memref<1x64xf32, #tpu.memory_space<vmem>>
        %dma_start3A_792 = arith.constant 0 : i32
        %dma_start3A_793 = tpu.memref_slice %arg7[%squeeze3A_781, %dma_start3A_792] : memref<1000000x64xf32, #tpu.memory_space<hbm>> -> memref<1x64xf32, #tpu.memory_space<hbm>>
        tpu.enqueue_dma source(%dma_start3A_793 : memref<1x64xf32, #tpu.memory_space<hbm>>) target(%dma_start3A_791 : memref<1x64xf32, #tpu.memory_space<vmem>>) target_semaphore(%arg20 : memref<!tpu.dma_semaphore, #tpu.memory_space<semaphore_mem>>)
        %dma_start3A_794 = arith.constant 0 : i32
        %dma_start3A_795 = tpu.memref_slice %arg14[%add3A_779, %dma_start3A_794] : memref<64x64xf32, #tpu.memory_space<vmem>> -> memref<1x64xf32, #tpu.memory_space<vmem>>
        %dma_start3A_796 = arith.constant 0 : i32
        %dma_start3A_797 = tpu.memref_slice %arg5[%squeeze3A_781, %dma_start3A_796] : memref<1000000x64xf32, #tpu.memory_space<hbm>> -> memref<1x64xf32, #tpu.memory_space<hbm>>
        %dma_start3A_798 = arith.constant 0 : i32
        %dma_start3A_799 = tpu.memref_slice %arg14[%add3A_779, %dma_start3A_798] : memref<64x64xf32, #tpu.memory_space<vmem>> -> memref<1x64xf32, #tpu.memory_space<vmem>>
        %dma_start3A_800 = arith.constant 0 : i32
        %dma_start3A_801 = tpu.memref_slice %arg5[%squeeze3A_781, %dma_start3A_800] : memref<1000000x64xf32, #tpu.memory_space<hbm>> -> memref<1x64xf32, #tpu.memory_space<hbm>>
        tpu.enqueue_dma source(%dma_start3A_801 : memref<1x64xf32, #tpu.memory_space<hbm>>) target(%dma_start3A_799 : memref<1x64xf32, #tpu.memory_space<vmem>>) target_semaphore(%arg20 : memref<!tpu.dma_semaphore, #tpu.memory_space<semaphore_mem>>)
        %dma_start3A_802 = arith.constant 0 : i32
        %dma_start3A_803 = tpu.memref_slice %arg15[%add3A_779, %dma_start3A_802] : memref<64x64xf32, #tpu.memory_space<vmem>> -> memref<1x64xf32, #tpu.memory_space<vmem>>
        %dma_start3A_804 = arith.constant 0 : i32
        %dma_start3A_805 = tpu.memref_slice %arg7[%squeeze3A_783, %dma_start3A_804] : memref<1000000x64xf32, #tpu.memory_space<hbm>> -> memref<1x64xf32, #tpu.memory_space<hbm>>
        %dma_start3A_806 = arith.constant 0 : i32
        %dma_start3A_807 = tpu.memref_slice %arg15[%add3A_779, %dma_start3A_806] : memref<64x64xf32, #tpu.memory_space<vmem>> -> memref<1x64xf32, #tpu.memory_space<vmem>>
        %dma_start3A_808 = arith.constant 0 : i32
        %dma_start3A_809 = tpu.memref_slice %arg7[%squeeze3A_783, %dma_start3A_808] : memref<1000000x64xf32, #tpu.memory_space<hbm>> -> memref<1x64xf32, #tpu.memory_space<hbm>>
        tpu.enqueue_dma source(%dma_start3A_809 : memref<1x64xf32, #tpu.memory_space<hbm>>) target(%dma_start3A_807 : memref<1x64xf32, #tpu.memory_space<vmem>>) target_semaphore(%arg20 : memref<!tpu.dma_semaphore, #tpu.memory_space<semaphore_mem>>)
        %dma_start3A_810 = arith.constant 0 : i32
        %dma_start3A_811 = tpu.memref_slice %arg16[%add3A_779, %dma_start3A_810] : memref<64x64xf32, #tpu.memory_space<vmem>> -> memref<1x64xf32, #tpu.memory_space<vmem>>
        %dma_start3A_812 = arith.constant 0 : i32
        %dma_start3A_813 = tpu.memref_slice %arg5[%squeeze3A_783, %dma_start3A_812] : memref<1000000x64xf32, #tpu.memory_space<hbm>> -> memref<1x64xf32, #tpu.memory_space<hbm>>
        %dma_start3A_814 = arith.constant 0 : i32
        %dma_start3A_815 = tpu.memref_slice %arg16[%add3A_779, %dma_start3A_814] : memref<64x64xf32, #tpu.memory_space<vmem>> -> memref<1x64xf32, #tpu.memory_space<vmem>>
        %dma_start3A_816 = arith.constant 0 : i32
        %dma_start3A_817 = tpu.memref_slice %arg5[%squeeze3A_783, %dma_start3A_816] : memref<1000000x64xf32, #tpu.memory_space<hbm>> -> memref<1x64xf32, #tpu.memory_space<hbm>>
        tpu.enqueue_dma source(%dma_start3A_817 : memref<1x64xf32, #tpu.memory_space<hbm>>) target(%dma_start3A_815 : memref<1x64xf32, #tpu.memory_space<vmem>>) target_semaphore(%arg20 : memref<!tpu.dma_semaphore, #tpu.memory_space<semaphore_mem>>)
        %dma_start3A_818 = arith.constant 0 : i32
        %dma_start3A_819 = tpu.memref_slice %arg17[%add3A_779, %dma_start3A_818] : memref<64x64xf32, #tpu.memory_space<vmem>> -> memref<1x64xf32, #tpu.memory_space<vmem>>
        %dma_start3A_820 = arith.constant 0 : i32
        %dma_start3A_821 = tpu.memref_slice %arg8[%squeeze3A_785, %dma_start3A_820] : memref<1000x64xf32, #tpu.memory_space<hbm>> -> memref<1x64xf32, #tpu.memory_space<hbm>>
        %dma_start3A_822 = arith.constant 0 : i32
        %dma_start3A_823 = tpu.memref_slice %arg17[%add3A_779, %dma_start3A_822] : memref<64x64xf32, #tpu.memory_space<vmem>> -> memref<1x64xf32, #tpu.memory_space<vmem>>
        %dma_start3A_824 = arith.constant 0 : i32
        %dma_start3A_825 = tpu.memref_slice %arg8[%squeeze3A_785, %dma_start3A_824] : memref<1000x64xf32, #tpu.memory_space<hbm>> -> memref<1x64xf32, #tpu.memory_space<hbm>>
        tpu.enqueue_dma source(%dma_start3A_825 : memref<1x64xf32, #tpu.memory_space<hbm>>) target(%dma_start3A_823 : memref<1x64xf32, #tpu.memory_space<vmem>>) target_semaphore(%arg20 : memref<!tpu.dma_semaphore, #tpu.memory_space<semaphore_mem>>)
        %dma_start3A_826 = arith.constant 0 : i32
        %dma_start3A_827 = tpu.memref_slice %arg18[%add3A_779, %dma_start3A_826] : memref<64x64xf32, #tpu.memory_space<vmem>> -> memref<1x64xf32, #tpu.memory_space<vmem>>
        %dma_start3A_828 = arith.constant 0 : i32
        %dma_start3A_829 = tpu.memref_slice %arg6[%squeeze3A_785, %dma_start3A_828] : memref<1000x64xf32, #tpu.memory_space<hbm>> -> memref<1x64xf32, #tpu.memory_space<hbm>>
        %dma_start3A_830 = arith.constant 0 : i32
        %dma_start3A_831 = tpu.memref_slice %arg18[%add3A_779, %dma_start3A_830] : memref<64x64xf32, #tpu.memory_space<vmem>> -> memref<1x64xf32, #tpu.memory_space<vmem>>
        %dma_start3A_832 = arith.constant 0 : i32
        %dma_start3A_833 = tpu.memref_slice %arg6[%squeeze3A_785, %dma_start3A_832] : memref<1000x64xf32, #tpu.memory_space<hbm>> -> memref<1x64xf32, #tpu.memory_space<hbm>>
        tpu.enqueue_dma source(%dma_start3A_833 : memref<1x64xf32, #tpu.memory_space<hbm>>) target(%dma_start3A_831 : memref<1x64xf32, #tpu.memory_space<vmem>>) target_semaphore(%arg20 : memref<!tpu.dma_semaphore, #tpu.memory_space<semaphore_mem>>)
        %mul3A_834 = arith.constant 16 : i32
        %mul3A_835 = arith.muli %scan3A_61, %mul3A_834 : i32
        %add3A_836 = arith.constant 13 : i32
        %add3A_837 = arith.addi %mul3A_835, %add3A_836 : i32
        %slice3A_838 = vector.extract_strided_slice %get3A_68 {offsets = [13], sizes = [1], strides = [1]} : vector<16xi32> to vector<1xi32>
        %squeeze3A_839 = vector.extract %slice3A_838[0] : i32 from vector<1xi32>
        %slice3A_840 = vector.extract_strided_slice %get3A_75 {offsets = [13], sizes = [1], strides = [1]} : vector<16xi32> to vector<1xi32>
        %squeeze3A_841 = vector.extract %slice3A_840[0] : i32 from vector<1xi32>
        %slice3A_842 = vector.extract_strided_slice %get3A_82 {offsets = [13], sizes = [1], strides = [1]} : vector<16xi32> to vector<1xi32>
        %squeeze3A_843 = vector.extract %slice3A_842[0] : i32 from vector<1xi32>
        %dma_start3A_844 = arith.constant 0 : i32
        %dma_start3A_845 = tpu.memref_slice %arg13[%add3A_837, %dma_start3A_844] : memref<64x64xf32, #tpu.memory_space<vmem>> -> memref<1x64xf32, #tpu.memory_space<vmem>>
        %dma_start3A_846 = arith.constant 0 : i32
        %dma_start3A_847 = tpu.memref_slice %arg7[%squeeze3A_839, %dma_start3A_846] : memref<1000000x64xf32, #tpu.memory_space<hbm>> -> memref<1x64xf32, #tpu.memory_space<hbm>>
        %dma_start3A_848 = arith.constant 0 : i32
        %dma_start3A_849 = tpu.memref_slice %arg13[%add3A_837, %dma_start3A_848] : memref<64x64xf32, #tpu.memory_space<vmem>> -> memref<1x64xf32, #tpu.memory_space<vmem>>
        %dma_start3A_850 = arith.constant 0 : i32
        %dma_start3A_851 = tpu.memref_slice %arg7[%squeeze3A_839, %dma_start3A_850] : memref<1000000x64xf32, #tpu.memory_space<hbm>> -> memref<1x64xf32, #tpu.memory_space<hbm>>
        tpu.enqueue_dma source(%dma_start3A_851 : memref<1x64xf32, #tpu.memory_space<hbm>>) target(%dma_start3A_849 : memref<1x64xf32, #tpu.memory_space<vmem>>) target_semaphore(%arg20 : memref<!tpu.dma_semaphore, #tpu.memory_space<semaphore_mem>>)
        %dma_start3A_852 = arith.constant 0 : i32
        %dma_start3A_853 = tpu.memref_slice %arg14[%add3A_837, %dma_start3A_852] : memref<64x64xf32, #tpu.memory_space<vmem>> -> memref<1x64xf32, #tpu.memory_space<vmem>>
        %dma_start3A_854 = arith.constant 0 : i32
        %dma_start3A_855 = tpu.memref_slice %arg5[%squeeze3A_839, %dma_start3A_854] : memref<1000000x64xf32, #tpu.memory_space<hbm>> -> memref<1x64xf32, #tpu.memory_space<hbm>>
        %dma_start3A_856 = arith.constant 0 : i32
        %dma_start3A_857 = tpu.memref_slice %arg14[%add3A_837, %dma_start3A_856] : memref<64x64xf32, #tpu.memory_space<vmem>> -> memref<1x64xf32, #tpu.memory_space<vmem>>
        %dma_start3A_858 = arith.constant 0 : i32
        %dma_start3A_859 = tpu.memref_slice %arg5[%squeeze3A_839, %dma_start3A_858] : memref<1000000x64xf32, #tpu.memory_space<hbm>> -> memref<1x64xf32, #tpu.memory_space<hbm>>
        tpu.enqueue_dma source(%dma_start3A_859 : memref<1x64xf32, #tpu.memory_space<hbm>>) target(%dma_start3A_857 : memref<1x64xf32, #tpu.memory_space<vmem>>) target_semaphore(%arg20 : memref<!tpu.dma_semaphore, #tpu.memory_space<semaphore_mem>>)
        %dma_start3A_860 = arith.constant 0 : i32
        %dma_start3A_861 = tpu.memref_slice %arg15[%add3A_837, %dma_start3A_860] : memref<64x64xf32, #tpu.memory_space<vmem>> -> memref<1x64xf32, #tpu.memory_space<vmem>>
        %dma_start3A_862 = arith.constant 0 : i32
        %dma_start3A_863 = tpu.memref_slice %arg7[%squeeze3A_841, %dma_start3A_862] : memref<1000000x64xf32, #tpu.memory_space<hbm>> -> memref<1x64xf32, #tpu.memory_space<hbm>>
        %dma_start3A_864 = arith.constant 0 : i32
        %dma_start3A_865 = tpu.memref_slice %arg15[%add3A_837, %dma_start3A_864] : memref<64x64xf32, #tpu.memory_space<vmem>> -> memref<1x64xf32, #tpu.memory_space<vmem>>
        %dma_start3A_866 = arith.constant 0 : i32
        %dma_start3A_867 = tpu.memref_slice %arg7[%squeeze3A_841, %dma_start3A_866] : memref<1000000x64xf32, #tpu.memory_space<hbm>> -> memref<1x64xf32, #tpu.memory_space<hbm>>
        tpu.enqueue_dma source(%dma_start3A_867 : memref<1x64xf32, #tpu.memory_space<hbm>>) target(%dma_start3A_865 : memref<1x64xf32, #tpu.memory_space<vmem>>) target_semaphore(%arg20 : memref<!tpu.dma_semaphore, #tpu.memory_space<semaphore_mem>>)
        %dma_start3A_868 = arith.constant 0 : i32
        %dma_start3A_869 = tpu.memref_slice %arg16[%add3A_837, %dma_start3A_868] : memref<64x64xf32, #tpu.memory_space<vmem>> -> memref<1x64xf32, #tpu.memory_space<vmem>>
        %dma_start3A_870 = arith.constant 0 : i32
        %dma_start3A_871 = tpu.memref_slice %arg5[%squeeze3A_841, %dma_start3A_870] : memref<1000000x64xf32, #tpu.memory_space<hbm>> -> memref<1x64xf32, #tpu.memory_space<hbm>>
        %dma_start3A_872 = arith.constant 0 : i32
        %dma_start3A_873 = tpu.memref_slice %arg16[%add3A_837, %dma_start3A_872] : memref<64x64xf32, #tpu.memory_space<vmem>> -> memref<1x64xf32, #tpu.memory_space<vmem>>
        %dma_start3A_874 = arith.constant 0 : i32
        %dma_start3A_875 = tpu.memref_slice %arg5[%squeeze3A_841, %dma_start3A_874] : memref<1000000x64xf32, #tpu.memory_space<hbm>> -> memref<1x64xf32, #tpu.memory_space<hbm>>
        tpu.enqueue_dma source(%dma_start3A_875 : memref<1x64xf32, #tpu.memory_space<hbm>>) target(%dma_start3A_873 : memref<1x64xf32, #tpu.memory_space<vmem>>) target_semaphore(%arg20 : memref<!tpu.dma_semaphore, #tpu.memory_space<semaphore_mem>>)
        %dma_start3A_876 = arith.constant 0 : i32
        %dma_start3A_877 = tpu.memref_slice %arg17[%add3A_837, %dma_start3A_876] : memref<64x64xf32, #tpu.memory_space<vmem>> -> memref<1x64xf32, #tpu.memory_space<vmem>>
        %dma_start3A_878 = arith.constant 0 : i32
        %dma_start3A_879 = tpu.memref_slice %arg8[%squeeze3A_843, %dma_start3A_878] : memref<1000x64xf32, #tpu.memory_space<hbm>> -> memref<1x64xf32, #tpu.memory_space<hbm>>
        %dma_start3A_880 = arith.constant 0 : i32
        %dma_start3A_881 = tpu.memref_slice %arg17[%add3A_837, %dma_start3A_880] : memref<64x64xf32, #tpu.memory_space<vmem>> -> memref<1x64xf32, #tpu.memory_space<vmem>>
        %dma_start3A_882 = arith.constant 0 : i32
        %dma_start3A_883 = tpu.memref_slice %arg8[%squeeze3A_843, %dma_start3A_882] : memref<1000x64xf32, #tpu.memory_space<hbm>> -> memref<1x64xf32, #tpu.memory_space<hbm>>
        tpu.enqueue_dma source(%dma_start3A_883 : memref<1x64xf32, #tpu.memory_space<hbm>>) target(%dma_start3A_881 : memref<1x64xf32, #tpu.memory_space<vmem>>) target_semaphore(%arg20 : memref<!tpu.dma_semaphore, #tpu.memory_space<semaphore_mem>>)
        %dma_start3A_884 = arith.constant 0 : i32
        %dma_start3A_885 = tpu.memref_slice %arg18[%add3A_837, %dma_start3A_884] : memref<64x64xf32, #tpu.memory_space<vmem>> -> memref<1x64xf32, #tpu.memory_space<vmem>>
        %dma_start3A_886 = arith.constant 0 : i32
        %dma_start3A_887 = tpu.memref_slice %arg6[%squeeze3A_843, %dma_start3A_886] : memref<1000x64xf32, #tpu.memory_space<hbm>> -> memref<1x64xf32, #tpu.memory_space<hbm>>
        %dma_start3A_888 = arith.constant 0 : i32
        %dma_start3A_889 = tpu.memref_slice %arg18[%add3A_837, %dma_start3A_888] : memref<64x64xf32, #tpu.memory_space<vmem>> -> memref<1x64xf32, #tpu.memory_space<vmem>>
        %dma_start3A_890 = arith.constant 0 : i32
        %dma_start3A_891 = tpu.memref_slice %arg6[%squeeze3A_843, %dma_start3A_890] : memref<1000x64xf32, #tpu.memory_space<hbm>> -> memref<1x64xf32, #tpu.memory_space<hbm>>
        tpu.enqueue_dma source(%dma_start3A_891 : memref<1x64xf32, #tpu.memory_space<hbm>>) target(%dma_start3A_889 : memref<1x64xf32, #tpu.memory_space<vmem>>) target_semaphore(%arg20 : memref<!tpu.dma_semaphore, #tpu.memory_space<semaphore_mem>>)
        %mul3A_892 = arith.constant 16 : i32
        %mul3A_893 = arith.muli %scan3A_61, %mul3A_892 : i32
        %add3A_894 = arith.constant 14 : i32
        %add3A_895 = arith.addi %mul3A_893, %add3A_894 : i32
        %slice3A_896 = vector.extract_strided_slice %get3A_68 {offsets = [14], sizes = [1], strides = [1]} : vector<16xi32> to vector<1xi32>
        %squeeze3A_897 = vector.extract %slice3A_896[0] : i32 from vector<1xi32>
        %slice3A_898 = vector.extract_strided_slice %get3A_75 {offsets = [14], sizes = [1], strides = [1]} : vector<16xi32> to vector<1xi32>
        %squeeze3A_899 = vector.extract %slice3A_898[0] : i32 from vector<1xi32>
        %slice3A_900 = vector.extract_strided_slice %get3A_82 {offsets = [14], sizes = [1], strides = [1]} : vector<16xi32> to vector<1xi32>
        %squeeze3A_901 = vector.extract %slice3A_900[0] : i32 from vector<1xi32>
        %dma_start3A_902 = arith.constant 0 : i32
        %dma_start3A_903 = tpu.memref_slice %arg13[%add3A_895, %dma_start3A_902] : memref<64x64xf32, #tpu.memory_space<vmem>> -> memref<1x64xf32, #tpu.memory_space<vmem>>
        %dma_start3A_904 = arith.constant 0 : i32
        %dma_start3A_905 = tpu.memref_slice %arg7[%squeeze3A_897, %dma_start3A_904] : memref<1000000x64xf32, #tpu.memory_space<hbm>> -> memref<1x64xf32, #tpu.memory_space<hbm>>
        %dma_start3A_906 = arith.constant 0 : i32
        %dma_start3A_907 = tpu.memref_slice %arg13[%add3A_895, %dma_start3A_906] : memref<64x64xf32, #tpu.memory_space<vmem>> -> memref<1x64xf32, #tpu.memory_space<vmem>>
        %dma_start3A_908 = arith.constant 0 : i32
        %dma_start3A_909 = tpu.memref_slice %arg7[%squeeze3A_897, %dma_start3A_908] : memref<1000000x64xf32, #tpu.memory_space<hbm>> -> memref<1x64xf32, #tpu.memory_space<hbm>>
        tpu.enqueue_dma source(%dma_start3A_909 : memref<1x64xf32, #tpu.memory_space<hbm>>) target(%dma_start3A_907 : memref<1x64xf32, #tpu.memory_space<vmem>>) target_semaphore(%arg20 : memref<!tpu.dma_semaphore, #tpu.memory_space<semaphore_mem>>)
        %dma_start3A_910 = arith.constant 0 : i32
        %dma_start3A_911 = tpu.memref_slice %arg14[%add3A_895, %dma_start3A_910] : memref<64x64xf32, #tpu.memory_space<vmem>> -> memref<1x64xf32, #tpu.memory_space<vmem>>
        %dma_start3A_912 = arith.constant 0 : i32
        %dma_start3A_913 = tpu.memref_slice %arg5[%squeeze3A_897, %dma_start3A_912] : memref<1000000x64xf32, #tpu.memory_space<hbm>> -> memref<1x64xf32, #tpu.memory_space<hbm>>
        %dma_start3A_914 = arith.constant 0 : i32
        %dma_start3A_915 = tpu.memref_slice %arg14[%add3A_895, %dma_start3A_914] : memref<64x64xf32, #tpu.memory_space<vmem>> -> memref<1x64xf32, #tpu.memory_space<vmem>>
        %dma_start3A_916 = arith.constant 0 : i32
        %dma_start3A_917 = tpu.memref_slice %arg5[%squeeze3A_897, %dma_start3A_916] : memref<1000000x64xf32, #tpu.memory_space<hbm>> -> memref<1x64xf32, #tpu.memory_space<hbm>>
        tpu.enqueue_dma source(%dma_start3A_917 : memref<1x64xf32, #tpu.memory_space<hbm>>) target(%dma_start3A_915 : memref<1x64xf32, #tpu.memory_space<vmem>>) target_semaphore(%arg20 : memref<!tpu.dma_semaphore, #tpu.memory_space<semaphore_mem>>)
        %dma_start3A_918 = arith.constant 0 : i32
        %dma_start3A_919 = tpu.memref_slice %arg15[%add3A_895, %dma_start3A_918] : memref<64x64xf32, #tpu.memory_space<vmem>> -> memref<1x64xf32, #tpu.memory_space<vmem>>
        %dma_start3A_920 = arith.constant 0 : i32
        %dma_start3A_921 = tpu.memref_slice %arg7[%squeeze3A_899, %dma_start3A_920] : memref<1000000x64xf32, #tpu.memory_space<hbm>> -> memref<1x64xf32, #tpu.memory_space<hbm>>
        %dma_start3A_922 = arith.constant 0 : i32
        %dma_start3A_923 = tpu.memref_slice %arg15[%add3A_895, %dma_start3A_922] : memref<64x64xf32, #tpu.memory_space<vmem>> -> memref<1x64xf32, #tpu.memory_space<vmem>>
        %dma_start3A_924 = arith.constant 0 : i32
        %dma_start3A_925 = tpu.memref_slice %arg7[%squeeze3A_899, %dma_start3A_924] : memref<1000000x64xf32, #tpu.memory_space<hbm>> -> memref<1x64xf32, #tpu.memory_space<hbm>>
        tpu.enqueue_dma source(%dma_start3A_925 : memref<1x64xf32, #tpu.memory_space<hbm>>) target(%dma_start3A_923 : memref<1x64xf32, #tpu.memory_space<vmem>>) target_semaphore(%arg20 : memref<!tpu.dma_semaphore, #tpu.memory_space<semaphore_mem>>)
        %dma_start3A_926 = arith.constant 0 : i32
        %dma_start3A_927 = tpu.memref_slice %arg16[%add3A_895, %dma_start3A_926] : memref<64x64xf32, #tpu.memory_space<vmem>> -> memref<1x64xf32, #tpu.memory_space<vmem>>
        %dma_start3A_928 = arith.constant 0 : i32
        %dma_start3A_929 = tpu.memref_slice %arg5[%squeeze3A_899, %dma_start3A_928] : memref<1000000x64xf32, #tpu.memory_space<hbm>> -> memref<1x64xf32, #tpu.memory_space<hbm>>
        %dma_start3A_930 = arith.constant 0 : i32
        %dma_start3A_931 = tpu.memref_slice %arg16[%add3A_895, %dma_start3A_930] : memref<64x64xf32, #tpu.memory_space<vmem>> -> memref<1x64xf32, #tpu.memory_space<vmem>>
        %dma_start3A_932 = arith.constant 0 : i32
        %dma_start3A_933 = tpu.memref_slice %arg5[%squeeze3A_899, %dma_start3A_932] : memref<1000000x64xf32, #tpu.memory_space<hbm>> -> memref<1x64xf32, #tpu.memory_space<hbm>>
        tpu.enqueue_dma source(%dma_start3A_933 : memref<1x64xf32, #tpu.memory_space<hbm>>) target(%dma_start3A_931 : memref<1x64xf32, #tpu.memory_space<vmem>>) target_semaphore(%arg20 : memref<!tpu.dma_semaphore, #tpu.memory_space<semaphore_mem>>)
        %dma_start3A_934 = arith.constant 0 : i32
        %dma_start3A_935 = tpu.memref_slice %arg17[%add3A_895, %dma_start3A_934] : memref<64x64xf32, #tpu.memory_space<vmem>> -> memref<1x64xf32, #tpu.memory_space<vmem>>
        %dma_start3A_936 = arith.constant 0 : i32
        %dma_start3A_937 = tpu.memref_slice %arg8[%squeeze3A_901, %dma_start3A_936] : memref<1000x64xf32, #tpu.memory_space<hbm>> -> memref<1x64xf32, #tpu.memory_space<hbm>>
        %dma_start3A_938 = arith.constant 0 : i32
        %dma_start3A_939 = tpu.memref_slice %arg17[%add3A_895, %dma_start3A_938] : memref<64x64xf32, #tpu.memory_space<vmem>> -> memref<1x64xf32, #tpu.memory_space<vmem>>
        %dma_start3A_940 = arith.constant 0 : i32
        %dma_start3A_941 = tpu.memref_slice %arg8[%squeeze3A_901, %dma_start3A_940] : memref<1000x64xf32, #tpu.memory_space<hbm>> -> memref<1x64xf32, #tpu.memory_space<hbm>>
        tpu.enqueue_dma source(%dma_start3A_941 : memref<1x64xf32, #tpu.memory_space<hbm>>) target(%dma_start3A_939 : memref<1x64xf32, #tpu.memory_space<vmem>>) target_semaphore(%arg20 : memref<!tpu.dma_semaphore, #tpu.memory_space<semaphore_mem>>)
        %dma_start3A_942 = arith.constant 0 : i32
        %dma_start3A_943 = tpu.memref_slice %arg18[%add3A_895, %dma_start3A_942] : memref<64x64xf32, #tpu.memory_space<vmem>> -> memref<1x64xf32, #tpu.memory_space<vmem>>
        %dma_start3A_944 = arith.constant 0 : i32
        %dma_start3A_945 = tpu.memref_slice %arg6[%squeeze3A_901, %dma_start3A_944] : memref<1000x64xf32, #tpu.memory_space<hbm>> -> memref<1x64xf32, #tpu.memory_space<hbm>>
        %dma_start3A_946 = arith.constant 0 : i32
        %dma_start3A_947 = tpu.memref_slice %arg18[%add3A_895, %dma_start3A_946] : memref<64x64xf32, #tpu.memory_space<vmem>> -> memref<1x64xf32, #tpu.memory_space<vmem>>
        %dma_start3A_948 = arith.constant 0 : i32
        %dma_start3A_949 = tpu.memref_slice %arg6[%squeeze3A_901, %dma_start3A_948] : memref<1000x64xf32, #tpu.memory_space<hbm>> -> memref<1x64xf32, #tpu.memory_space<hbm>>
        tpu.enqueue_dma source(%dma_start3A_949 : memref<1x64xf32, #tpu.memory_space<hbm>>) target(%dma_start3A_947 : memref<1x64xf32, #tpu.memory_space<vmem>>) target_semaphore(%arg20 : memref<!tpu.dma_semaphore, #tpu.memory_space<semaphore_mem>>)
        %mul3A_950 = arith.constant 16 : i32
        %mul3A_951 = arith.muli %scan3A_61, %mul3A_950 : i32
        %add3A_952 = arith.constant 15 : i32
        %add3A_953 = arith.addi %mul3A_951, %add3A_952 : i32
        %slice3A_954 = vector.extract_strided_slice %get3A_68 {offsets = [15], sizes = [1], strides = [1]} : vector<16xi32> to vector<1xi32>
        %squeeze3A_955 = vector.extract %slice3A_954[0] : i32 from vector<1xi32>
        %slice3A_956 = vector.extract_strided_slice %get3A_75 {offsets = [15], sizes = [1], strides = [1]} : vector<16xi32> to vector<1xi32>
        %squeeze3A_957 = vector.extract %slice3A_956[0] : i32 from vector<1xi32>
        %slice3A_958 = vector.extract_strided_slice %get3A_82 {offsets = [15], sizes = [1], strides = [1]} : vector<16xi32> to vector<1xi32>
        %squeeze3A_959 = vector.extract %slice3A_958[0] : i32 from vector<1xi32>
        %dma_start3A_960 = arith.constant 0 : i32
        %dma_start3A_961 = tpu.memref_slice %arg13[%add3A_953, %dma_start3A_960] : memref<64x64xf32, #tpu.memory_space<vmem>> -> memref<1x64xf32, #tpu.memory_space<vmem>>
        %dma_start3A_962 = arith.constant 0 : i32
        %dma_start3A_963 = tpu.memref_slice %arg7[%squeeze3A_955, %dma_start3A_962] : memref<1000000x64xf32, #tpu.memory_space<hbm>> -> memref<1x64xf32, #tpu.memory_space<hbm>>
        %dma_start3A_964 = arith.constant 0 : i32
        %dma_start3A_965 = tpu.memref_slice %arg13[%add3A_953, %dma_start3A_964] : memref<64x64xf32, #tpu.memory_space<vmem>> -> memref<1x64xf32, #tpu.memory_space<vmem>>
        %dma_start3A_966 = arith.constant 0 : i32
        %dma_start3A_967 = tpu.memref_slice %arg7[%squeeze3A_955, %dma_start3A_966] : memref<1000000x64xf32, #tpu.memory_space<hbm>> -> memref<1x64xf32, #tpu.memory_space<hbm>>
        tpu.enqueue_dma source(%dma_start3A_967 : memref<1x64xf32, #tpu.memory_space<hbm>>) target(%dma_start3A_965 : memref<1x64xf32, #tpu.memory_space<vmem>>) target_semaphore(%arg20 : memref<!tpu.dma_semaphore, #tpu.memory_space<semaphore_mem>>)
        %dma_start3A_968 = arith.constant 0 : i32
        %dma_start3A_969 = tpu.memref_slice %arg14[%add3A_953, %dma_start3A_968] : memref<64x64xf32, #tpu.memory_space<vmem>> -> memref<1x64xf32, #tpu.memory_space<vmem>>
        %dma_start3A_970 = arith.constant 0 : i32
        %dma_start3A_971 = tpu.memref_slice %arg5[%squeeze3A_955, %dma_start3A_970] : memref<1000000x64xf32, #tpu.memory_space<hbm>> -> memref<1x64xf32, #tpu.memory_space<hbm>>
        %dma_start3A_972 = arith.constant 0 : i32
        %dma_start3A_973 = tpu.memref_slice %arg14[%add3A_953, %dma_start3A_972] : memref<64x64xf32, #tpu.memory_space<vmem>> -> memref<1x64xf32, #tpu.memory_space<vmem>>
        %dma_start3A_974 = arith.constant 0 : i32
        %dma_start3A_975 = tpu.memref_slice %arg5[%squeeze3A_955, %dma_start3A_974] : memref<1000000x64xf32, #tpu.memory_space<hbm>> -> memref<1x64xf32, #tpu.memory_space<hbm>>
        tpu.enqueue_dma source(%dma_start3A_975 : memref<1x64xf32, #tpu.memory_space<hbm>>) target(%dma_start3A_973 : memref<1x64xf32, #tpu.memory_space<vmem>>) target_semaphore(%arg20 : memref<!tpu.dma_semaphore, #tpu.memory_space<semaphore_mem>>)
        %dma_start3A_976 = arith.constant 0 : i32
        %dma_start3A_977 = tpu.memref_slice %arg15[%add3A_953, %dma_start3A_976] : memref<64x64xf32, #tpu.memory_space<vmem>> -> memref<1x64xf32, #tpu.memory_space<vmem>>
        %dma_start3A_978 = arith.constant 0 : i32
        %dma_start3A_979 = tpu.memref_slice %arg7[%squeeze3A_957, %dma_start3A_978] : memref<1000000x64xf32, #tpu.memory_space<hbm>> -> memref<1x64xf32, #tpu.memory_space<hbm>>
        %dma_start3A_980 = arith.constant 0 : i32
        %dma_start3A_981 = tpu.memref_slice %arg15[%add3A_953, %dma_start3A_980] : memref<64x64xf32, #tpu.memory_space<vmem>> -> memref<1x64xf32, #tpu.memory_space<vmem>>
        %dma_start3A_982 = arith.constant 0 : i32
        %dma_start3A_983 = tpu.memref_slice %arg7[%squeeze3A_957, %dma_start3A_982] : memref<1000000x64xf32, #tpu.memory_space<hbm>> -> memref<1x64xf32, #tpu.memory_space<hbm>>
        tpu.enqueue_dma source(%dma_start3A_983 : memref<1x64xf32, #tpu.memory_space<hbm>>) target(%dma_start3A_981 : memref<1x64xf32, #tpu.memory_space<vmem>>) target_semaphore(%arg20 : memref<!tpu.dma_semaphore, #tpu.memory_space<semaphore_mem>>)
        %dma_start3A_984 = arith.constant 0 : i32
        %dma_start3A_985 = tpu.memref_slice %arg16[%add3A_953, %dma_start3A_984] : memref<64x64xf32, #tpu.memory_space<vmem>> -> memref<1x64xf32, #tpu.memory_space<vmem>>
        %dma_start3A_986 = arith.constant 0 : i32
        %dma_start3A_987 = tpu.memref_slice %arg5[%squeeze3A_957, %dma_start3A_986] : memref<1000000x64xf32, #tpu.memory_space<hbm>> -> memref<1x64xf32, #tpu.memory_space<hbm>>
        %dma_start3A_988 = arith.constant 0 : i32
        %dma_start3A_989 = tpu.memref_slice %arg16[%add3A_953, %dma_start3A_988] : memref<64x64xf32, #tpu.memory_space<vmem>> -> memref<1x64xf32, #tpu.memory_space<vmem>>
        %dma_start3A_990 = arith.constant 0 : i32
        %dma_start3A_991 = tpu.memref_slice %arg5[%squeeze3A_957, %dma_start3A_990] : memref<1000000x64xf32, #tpu.memory_space<hbm>> -> memref<1x64xf32, #tpu.memory_space<hbm>>
        tpu.enqueue_dma source(%dma_start3A_991 : memref<1x64xf32, #tpu.memory_space<hbm>>) target(%dma_start3A_989 : memref<1x64xf32, #tpu.memory_space<vmem>>) target_semaphore(%arg20 : memref<!tpu.dma_semaphore, #tpu.memory_space<semaphore_mem>>)
        %dma_start3A_992 = arith.constant 0 : i32
        %dma_start3A_993 = tpu.memref_slice %arg17[%add3A_953, %dma_start3A_992] : memref<64x64xf32, #tpu.memory_space<vmem>> -> memref<1x64xf32, #tpu.memory_space<vmem>>
        %dma_start3A_994 = arith.constant 0 : i32
        %dma_start3A_995 = tpu.memref_slice %arg8[%squeeze3A_959, %dma_start3A_994] : memref<1000x64xf32, #tpu.memory_space<hbm>> -> memref<1x64xf32, #tpu.memory_space<hbm>>
        %dma_start3A_996 = arith.constant 0 : i32
        %dma_start3A_997 = tpu.memref_slice %arg17[%add3A_953, %dma_start3A_996] : memref<64x64xf32, #tpu.memory_space<vmem>> -> memref<1x64xf32, #tpu.memory_space<vmem>>
        %dma_start3A_998 = arith.constant 0 : i32
        %dma_start3A_999 = tpu.memref_slice %arg8[%squeeze3A_959, %dma_start3A_998] : memref<1000x64xf32, #tpu.memory_space<hbm>> -> memref<1x64xf32, #tpu.memory_space<hbm>>
        tpu.enqueue_dma source(%dma_start3A_999 : memref<1x64xf32, #tpu.memory_space<hbm>>) target(%dma_start3A_997 : memref<1x64xf32, #tpu.memory_space<vmem>>) target_semaphore(%arg20 : memref<!tpu.dma_semaphore, #tpu.memory_space<semaphore_mem>>)
        %dma_start3A_1000 = arith.constant 0 : i32
        %dma_start3A_1001 = tpu.memref_slice %arg18[%add3A_953, %dma_start3A_1000] : memref<64x64xf32, #tpu.memory_space<vmem>> -> memref<1x64xf32, #tpu.memory_space<vmem>>
        %dma_start3A_1002 = arith.constant 0 : i32
        %dma_start3A_1003 = tpu.memref_slice %arg6[%squeeze3A_959, %dma_start3A_1002] : memref<1000x64xf32, #tpu.memory_space<hbm>> -> memref<1x64xf32, #tpu.memory_space<hbm>>
        %dma_start3A_1004 = arith.constant 0 : i32
        %dma_start3A_1005 = tpu.memref_slice %arg18[%add3A_953, %dma_start3A_1004] : memref<64x64xf32, #tpu.memory_space<vmem>> -> memref<1x64xf32, #tpu.memory_space<vmem>>
        %dma_start3A_1006 = arith.constant 0 : i32
        %dma_start3A_1007 = tpu.memref_slice %arg6[%squeeze3A_959, %dma_start3A_1006] : memref<1000x64xf32, #tpu.memory_space<hbm>> -> memref<1x64xf32, #tpu.memory_space<hbm>>
        tpu.enqueue_dma source(%dma_start3A_1007 : memref<1x64xf32, #tpu.memory_space<hbm>>) target(%dma_start3A_1005 : memref<1x64xf32, #tpu.memory_space<vmem>>) target_semaphore(%arg20 : memref<!tpu.dma_semaphore, #tpu.memory_space<semaphore_mem>>)
        %scan3A_1008 = arith.constant 0 : i32
        scf.yield %scan3A_1008 : i32
      }
      %scan3A_17 = arith.constant 4 : i32
      %dma_wait3A = arith.constant 0 : i32
      %dma_wait3A_18 = arith.constant 0 : i32
      %dma_wait3A_19 = tpu.memref_slice %arg7[%dma_wait3A, %dma_wait3A_18] : memref<1000000x64xf32, #tpu.memory_space<hbm>> -> memref<64x64xf32, #tpu.memory_space<hbm>>
      %dma_wait3A_20 = arith.constant 0 : i32
      %dma_wait3A_21 = arith.constant 0 : i32
      %dma_wait3A_22 = tpu.memref_slice %arg7[%dma_wait3A_20, %dma_wait3A_21] : memref<1000000x64xf32, #tpu.memory_space<hbm>> -> memref<64x64xf32, #tpu.memory_space<hbm>>
      tpu.wait_dma2 semaphore(%arg20 : memref<!tpu.dma_semaphore, #tpu.memory_space<semaphore_mem>>) src(%dma_wait3A_22 : memref<64x64xf32, #tpu.memory_space<hbm>>) dst(%arg13 : memref<64x64xf32, #tpu.memory_space<vmem>>)
      %dma_wait3A_23 = arith.constant 0 : i32
      %dma_wait3A_24 = arith.constant 0 : i32
      %dma_wait3A_25 = tpu.memref_slice %arg5[%dma_wait3A_23, %dma_wait3A_24] : memref<1000000x64xf32, #tpu.memory_space<hbm>> -> memref<64x64xf32, #tpu.memory_space<hbm>>
      %dma_wait3A_26 = arith.constant 0 : i32
      %dma_wait3A_27 = arith.constant 0 : i32
      %dma_wait3A_28 = tpu.memref_slice %arg5[%dma_wait3A_26, %dma_wait3A_27] : memref<1000000x64xf32, #tpu.memory_space<hbm>> -> memref<64x64xf32, #tpu.memory_space<hbm>>
      tpu.wait_dma2 semaphore(%arg20 : memref<!tpu.dma_semaphore, #tpu.memory_space<semaphore_mem>>) src(%dma_wait3A_28 : memref<64x64xf32, #tpu.memory_space<hbm>>) dst(%arg14 : memref<64x64xf32, #tpu.memory_space<vmem>>)
      %dma_wait3A_29 = arith.constant 0 : i32
      %dma_wait3A_30 = arith.constant 0 : i32
      %dma_wait3A_31 = tpu.memref_slice %arg7[%dma_wait3A_29, %dma_wait3A_30] : memref<1000000x64xf32, #tpu.memory_space<hbm>> -> memref<64x64xf32, #tpu.memory_space<hbm>>
      %dma_wait3A_32 = arith.constant 0 : i32
      %dma_wait3A_33 = arith.constant 0 : i32
      %dma_wait3A_34 = tpu.memref_slice %arg7[%dma_wait3A_32, %dma_wait3A_33] : memref<1000000x64xf32, #tpu.memory_space<hbm>> -> memref<64x64xf32, #tpu.memory_space<hbm>>
      tpu.wait_dma2 semaphore(%arg20 : memref<!tpu.dma_semaphore, #tpu.memory_space<semaphore_mem>>) src(%dma_wait3A_34 : memref<64x64xf32, #tpu.memory_space<hbm>>) dst(%arg15 : memref<64x64xf32, #tpu.memory_space<vmem>>)
      %dma_wait3A_35 = arith.constant 0 : i32
      %dma_wait3A_36 = arith.constant 0 : i32
      %dma_wait3A_37 = tpu.memref_slice %arg5[%dma_wait3A_35, %dma_wait3A_36] : memref<1000000x64xf32, #tpu.memory_space<hbm>> -> memref<64x64xf32, #tpu.memory_space<hbm>>
      %dma_wait3A_38 = arith.constant 0 : i32
      %dma_wait3A_39 = arith.constant 0 : i32
      %dma_wait3A_40 = tpu.memref_slice %arg5[%dma_wait3A_38, %dma_wait3A_39] : memref<1000000x64xf32, #tpu.memory_space<hbm>> -> memref<64x64xf32, #tpu.memory_space<hbm>>
      tpu.wait_dma2 semaphore(%arg20 : memref<!tpu.dma_semaphore, #tpu.memory_space<semaphore_mem>>) src(%dma_wait3A_40 : memref<64x64xf32, #tpu.memory_space<hbm>>) dst(%arg16 : memref<64x64xf32, #tpu.memory_space<vmem>>)
      %dma_wait3A_41 = arith.constant 0 : i32
      %dma_wait3A_42 = arith.constant 0 : i32
      %dma_wait3A_43 = tpu.memref_slice %arg8[%dma_wait3A_41, %dma_wait3A_42] : memref<1000x64xf32, #tpu.memory_space<hbm>> -> memref<64x64xf32, #tpu.memory_space<hbm>>
      %dma_wait3A_44 = arith.constant 0 : i32
      %dma_wait3A_45 = arith.constant 0 : i32
      %dma_wait3A_46 = tpu.memref_slice %arg8[%dma_wait3A_44, %dma_wait3A_45] : memref<1000x64xf32, #tpu.memory_space<hbm>> -> memref<64x64xf32, #tpu.memory_space<hbm>>
      tpu.wait_dma2 semaphore(%arg20 : memref<!tpu.dma_semaphore, #tpu.memory_space<semaphore_mem>>) src(%dma_wait3A_46 : memref<64x64xf32, #tpu.memory_space<hbm>>) dst(%arg17 : memref<64x64xf32, #tpu.memory_space<vmem>>)
      %dma_wait3A_47 = arith.constant 0 : i32
      %dma_wait3A_48 = arith.constant 0 : i32
      %dma_wait3A_49 = tpu.memref_slice %arg6[%dma_wait3A_47, %dma_wait3A_48] : memref<1000x64xf32, #tpu.memory_space<hbm>> -> memref<64x64xf32, #tpu.memory_space<hbm>>
      %dma_wait3A_50 = arith.constant 0 : i32
      %dma_wait3A_51 = arith.constant 0 : i32
      %dma_wait3A_52 = tpu.memref_slice %arg6[%dma_wait3A_50, %dma_wait3A_51] : memref<1000x64xf32, #tpu.memory_space<hbm>> -> memref<64x64xf32, #tpu.memory_space<hbm>>
      tpu.wait_dma2 semaphore(%arg20 : memref<!tpu.dma_semaphore, #tpu.memory_space<semaphore_mem>>) src(%dma_wait3A_52 : memref<64x64xf32, #tpu.memory_space<hbm>>) dst(%arg18 : memref<64x64xf32, #tpu.memory_space<vmem>>)
      %scan3A_53 = arith.constant 0 : i32
      %scan3A_54 = arith.constant 0 : i32
      %scan3A_55 = arith.constant 4 : i32
      %scan3A_56 = arith.addi %scan3A_54, %scan3A_55 : i32
      %scan3A_57 = arith.constant 1 : i32
      %scan3A_58 = scf.for %scan3A_61 = %scan3A_54 to %scan3A_56 step %scan3A_57 iter_args(%scan3A_62 = %scan3A_53) -> (i32)  : i32 {
        %mul3A_63 = arith.constant 16 : i32
        %mul3A_64 = arith.muli %scan3A_61, %mul3A_63 : i32
        %add3A_65 = vector.broadcast %mul3A_64 : i32 to vector<16xi32>
        %add3A_66 = arith.addi %add3A_65, %iota3A : vector<16xi32>
        %broadcast_in_dim3A = arith.constant 0.000000e+00 : f32
        %broadcast_in_dim3A_67 = vector.broadcast %broadcast_in_dim3A : f32 to vector<16xf32>
        %scan3A_68 = arith.constant 0 : i32
        %scan3A_69 = arith.constant 64 : i32
        %scan3A_70 = arith.addi %scan3A_68, %scan3A_69 : i32
        %scan3A_71 = arith.constant 1 : i32
        %scan3A_72 = scf.for %scan3A_81 = %scan3A_68 to %scan3A_70 step %scan3A_71 iter_args(%scan3A_82 = %broadcast_in_dim3A_67) -> (vector<16xf32>)  : i32 {
          %broadcast_in_dim3A_83 = arith.constant 0 : i32
          %broadcast_in_dim3A_84 = vector.broadcast %broadcast_in_dim3A_83 : i32 to vector<16xi32>
          %add3A_85 = vector.broadcast %scan3A_81 : i32 to vector<16xi32>
          %add3A_86 = arith.addi %broadcast_in_dim3A_84, %add3A_85 : vector<16xi32>
          %gather3A = tpu.vector_load_idx %arg13[%add3A_66, %add3A_86] : memref<64x64xf32, #tpu.memory_space<vmem>>[vector<16xi32>, vector<16xi32>], vector<16xf32>,
          %gather3A_87 = tpu.vector_load_idx %arg14[%add3A_66, %add3A_86] : memref<64x64xf32, #tpu.memory_space<vmem>>[vector<16xi32>, vector<16xi32>], vector<16xf32>,
          %gather3A_88 = tpu.vector_load_idx %arg15[%add3A_66, %add3A_86] : memref<64x64xf32, #tpu.memory_space<vmem>>[vector<16xi32>, vector<16xi32>], vector<16xf32>,
          %gather3A_89 = tpu.vector_load_idx %arg16[%add3A_66, %add3A_86] : memref<64x64xf32, #tpu.memory_space<vmem>>[vector<16xi32>, vector<16xi32>], vector<16xf32>,
          %gather3A_90 = tpu.vector_load_idx %arg17[%add3A_66, %add3A_86] : memref<64x64xf32, #tpu.memory_space<vmem>>[vector<16xi32>, vector<16xi32>], vector<16xf32>,
          %gather3A_91 = tpu.vector_load_idx %arg18[%add3A_66, %add3A_86] : memref<64x64xf32, #tpu.memory_space<vmem>>[vector<16xi32>, vector<16xi32>], vector<16xf32>,
          %mul3A_92 = arith.mulf %gather3A, %gather3A_88 : vector<16xf32>
          %mul3A_93 = arith.mulf %gather3A_87, %gather3A_89 : vector<16xf32>
          %add3A_94 = arith.addf %mul3A_92, %mul3A_93 : vector<16xf32>
          %mul3A_95 = arith.mulf %add3A_94, %gather3A_90 : vector<16xf32>
          %mul3A_96 = arith.mulf %gather3A, %gather3A_89 : vector<16xf32>
          %mul3A_97 = arith.mulf %gather3A_87, %gather3A_88 : vector<16xf32>
          %sub3A = arith.subf %mul3A_96, %mul3A_97 : vector<16xf32>
          %mul3A_98 = arith.mulf %sub3A, %gather3A_91 : vector<16xf32>
          %add3A_99 = arith.addf %mul3A_95, %mul3A_98 : vector<16xf32>
          %add3A_100 = arith.addf %scan3A_82, %add3A_99 : vector<16xf32>
          scf.yield %add3A_100 : vector<16xf32>
        }
        %scan3A_73 = arith.constant 64 : i32
        %mul3A_74 = arith.constant 64 : i32
        %mul3A_75 = arith.muli %scan3A_9, %mul3A_74 : i32
        %mul3A_76 = arith.constant 16 : i32
        %mul3A_77 = arith.muli %scan3A_61, %mul3A_76 : i32
        %add3A_78 = arith.addi %mul3A_75, %mul3A_77 : i32
        %swap3A = arith.index_cast %add3A_78 : i32 to index
        %swap3A_79 = tpu.vector_load %arg19[%swap3A] {strides = array<i32>} : memref<512xf32, #tpu.memory_space<vmem>>, vector<16xf32>,
        tpu.vector_store %arg19[%swap3A], %scan3A_72 {strides = array<i32>} : memref<512xf32, #tpu.memory_space<vmem>>, vector<16xf32>,
        %scan3A_80 = arith.constant 0 : i32
        scf.yield %scan3A_80 : i32
      }
      %scan3A_59 = arith.constant 4 : i32
      %scan3A_60 = arith.constant 0 : i32
      scf.yield %scan3A_60 : i32
    }
    %scan3A_8 = arith.constant 8 : i32
    "tpu.region"() ({
      %run_scoped3A = tpu.sem_alloc : memref<!tpu.dma_semaphore, #tpu.memory_space<semaphore_mem>>
      %dma_start3A = tpu.memref_slice %arg9[%mul3A_2] : memref<16384xf32, #tpu.memory_space<hbm>> -> memref<512xf32, #tpu.memory_space<hbm>>
      %dma_start3A_9 = tpu.memref_slice %arg9[%mul3A_2] : memref<16384xf32, #tpu.memory_space<hbm>> -> memref<512xf32, #tpu.memory_space<hbm>>
      tpu.enqueue_dma source(%arg19 : memref<512xf32, #tpu.memory_space<vmem>>) target(%dma_start3A_9 : memref<512xf32, #tpu.memory_space<hbm>>) target_semaphore(%run_scoped3A : memref<!tpu.dma_semaphore, #tpu.memory_space<semaphore_mem>>)
      %dma_wait3A = tpu.memref_slice %arg9[%mul3A_2] : memref<16384xf32, #tpu.memory_space<hbm>> -> memref<512xf32, #tpu.memory_space<hbm>>
      %dma_wait3A_10 = tpu.memref_slice %arg9[%mul3A_2] : memref<16384xf32, #tpu.memory_space<hbm>> -> memref<512xf32, #tpu.memory_space<hbm>>
      tpu.wait_dma2 semaphore(%run_scoped3A : memref<!tpu.dma_semaphore, #tpu.memory_space<semaphore_mem>>) src(%arg19 : memref<512xf32, #tpu.memory_space<vmem>>) dst(%dma_wait3A_10 : memref<512xf32, #tpu.memory_space<hbm>>)
      tpu.yield
    }) : () -> ()
    return
  }
}

</mosaic_0001>

<sc_bundles>
// kernel: _complex_score.3.cloned.1.call-start
scs
__scs_entry_jumppad:
0x0: {  	(pc) =	sbr.rel $0x88, $3  }
0x1: {  	(tag) =	ssettag $0x0;
	lr =	simm.s32 $0x1  }
0x2: {  	[smem:$0x3F9A] =	sst lr;
	_ =	strace $0xD0000000  }
0x3: {  	_ = 	snop  }
0x4: {  	_ = 	snop  }
0x5: {  	_ = 	snop  }
0x6: {  	_ = 	snop  }
0x7: {  	_ = 	snop  }
__scs_overlays_trampoline_lowered:
0x8: {  	[smem:$0x3FA9] =	sst s0  }
0x9: {  	[smem:$0x3FAA] =	sst s1  }
0xa: {  	[smem:$0x3FAB] =	sst s2  }
0xb: {  	[smem:$0x3FAC] =	sst s3  }
0xc: {  	[smem:$0x3FAD] =	sst s4  }
0xd: {  	[smem:$0x3FAE] =	sst s5  }
0xe: {  	[smem:$0x3FAF] =	sst s6  }
0xf: {  	[smem:$0x3FB0] =	sst s7  }
0x10: {  	[smem:$0x3FB1] =	sst s8  }
0x11: {  	[smem:$0x3FB2] =	sst s9;
	s0 =	simm.s32 @!p0 $0x0  }
0x12: {  	s1 =	sld [smem:$0x3F98];
	s0 =	simm.s32 @p0 $0x1  }
0x13: {  	[smem:$0x3FB3] =	sst s0;
	s0 =	simm.s32 @!p1 $0x0  }
0x14: {  	s2 =	sld [smem:$0x3F97];
	s0 =	simm.s32 @p1 $0x1  }
0x15: {  	[smem:$0x3FB4] =	sst s0;
	s0 =	simm.s32 @!p2 $0x0  }
0x16: {  	s3 =	sld [smem:$0x3FDB];
	s0 =	simm.s32 @p2 $0x1  }
0x17: {  	s4 =	simm.s32 $0x1BF5;
	[smem:$0x3FB6] =	sst s0  }
0x18: {  	s0 =	sld [smem:$0x3F99];
	_ =	swait.ge [sflag:s4], $0x0  }
0x19: {  	s7 =	sld [smem:$0x3F9A]  }
0x1a: {  	s8 =	sadd.s32 $0xFFFFE003, lr  }
0x1b: {  	s9 =	sadd.s32 $0xFFFFFEF7, lr;
	s5 =	simm.s32 $0xFFFFFFFF;
	p2 =	slt.u32 s8, $0xFFFFF086  }
0x1c: {  	p1 =	slt.u32 s9, $0xF7A;
	s5 =	simm.s32 @!p2 $0x0  }
0x1d: {  	s5 =	simm.s32 @p1 $0x1;
	p0 =	seq.s32 s7, s2  }
0x1e: {  	s7 =	smul.u32 @!p0 $0xF7A, s2;
	p2 =	seq.s32 @!p0 s5, $0x0  }
0x1f: {  	s9 =	smul.u32 $0xF7A, s1;
	s8 =	simm.s32 @!p0 $0x1BF5;
	p2 =	por !p2, p0  }
0x20: {  	[sflag:s8] =	ssyncset.s32 @!p0 $0xFFFFF086;
	s6 =	sadd.s32 @!p0 s3, s7;
	s7 =	simm.s32 @!p0 $0x108  }
0x21: {  	s3 =	sadd.s32 s3, s9;
	s6 =	sadd.s32 @!p0 $0x88, s6;
	s7 =	simm.s32 @p2 $0x1082  }
0x22: {  	[simem:s7], [sflag:s8] =	dma.local @!p0 [hbm:s6], $0xF7A  }
0x23: {  	s9 =	sor.u32 $0xD0000000, s2;
	s6 =	simm.s32 $0x108;
	_ =	swait.ge @!p0 [sflag:s8], $0x0  }
0x24: {  	s3 =	sadd.s32 $0x88, s3;
	s6 =	simm.s32 @!p1 $0x1082;
	[sflag:s4] =	ssyncset.s32 $0xFFFFF086  }
0x25: {  	[simem:s6], [sflag:s4] =	dma.local [hbm:s3], $0xF7A  }
0x26: {  	[smem:$0x3F9A] =	sst s1;
	(tag) =	ssettag s2;
	_ =	strace s9  }
0x27: {  	s1 =	sld [smem:$0x3FAA]  }
0x28: {  	s2 =	sld [smem:$0x3FAB]  }
0x29: {  	s4 =	sld [smem:$0x3FAD]  }
0x2a: {  	p0 =	seq.s32 s5, $0x0;
	s5 =	sld [smem:$0x3FAE]  }
0x2b: {  	s6 =	sld [smem:$0x3FAF]  }
0x2c: {  	s7 =	sld [smem:$0x3FB0]  }
0x2d: {  	s3 =	simm.s32 $0x108;
	s8 =	sld [smem:$0x3FB1]  }
0x2e: {  	s3 =	simm.s32 @!p0 $0x1082;
	s9 =	sld [smem:$0x3FB2]  }
0x2f: {  	lr =	sadd.s32 s0, s3;
	s0 =	sld [smem:$0x3FA9]  }
0x30: {  	s3 =	sld [smem:$0x3FAC]  }
0x31: {  	[smem:$0x3FB5] =	sst s10  }
0x32: {  	s10 =	sld [smem:$0x3FB3];
	_ =	sdelay $0x3  }
0x33: {  	p0 =	seq.s32 s10, $0x1;
	s10 =	sld [smem:$0x3FB5];
	_ =	sdelay $0x3  }
0x34: {  	[smem:$0x3FB5] =	sst s10  }
0x35: {  	s10 =	sld [smem:$0x3FB4];
	_ =	sdelay $0x3  }
0x36: {  	p1 =	seq.s32 s10, $0x1;
	s10 =	sld [smem:$0x3FB5];
	_ =	sdelay $0x3  }
0x37: {  	[smem:$0x3FB5] =	sst s10  }
0x38: {  	s10 =	sld [smem:$0x3FB6]  }
0x39: {  	_ = 	snop;
	(pc) =	sbr.ind lr, $3  }
0x3a: {  	_ = 	snop  }
0x3b: {  	_ = 	snop  }
0x3c: {  	p2 =	seq.s32 s10, $0x1;
	s10 =	sld [smem:$0x3FB5]  }
0x3d: {  	_ =	shalt  }
0x3e: {  	_ =	shalt  }
0x3f: {  	_ =	shalt  }
0x40: {  	_ =	shalt  }
0x41: {  	_ =	shalt  }
0x42: {  	_ =	shalt  }
0x43: {  	_ =	shalt  }
0x44: {  	_ =	shalt  }
0x45: {  	_ =	shalt  }
0x46: {  	_ =	shalt  }
0x47: {  	_ =	shalt  }
0x48: {  	_ =	shalt  }
0x49: {  	_ =	shalt  }
0x4a: {  	_ =	shalt  }
0x4b: {  	_ =	shalt  }
0x4c: {  	_ =	shalt  }
0x4d: {  	_ =	shalt  }
0x4e: {  	_ =	shalt  }
0x4f: {  	_ =	shalt  }
0x50: {  	_ =	shalt  }
0x51: {  	_ =	shalt  }
0x52: {  	_ =	shalt  }
0x53: {  	_ =	shalt  }
0x54: {  	_ =	shalt  }
0x55: {  	_ =	shalt  }
0x56: {  	_ =	shalt  }
0x57: {  	_ =	shalt  }
0x58: {  	_ =	shalt  }
0x59: {  	_ =	shalt  }
0x5a: {  	_ =	shalt  }
0x5b: {  	_ =	shalt  }
0x5c: {  	_ =	shalt  }
0x5d: {  	_ =	shalt  }
0x5e: {  	_ =	shalt  }
0x5f: {  	_ =	shalt  }
0x60: {  	_ =	shalt  }
0x61: {  	_ =	shalt  }
0x62: {  	_ =	shalt  }
0x63: {  	_ =	shalt  }
0x64: {  	_ =	shalt  }
0x65: {  	_ =	shalt  }
0x66: {  	_ =	shalt  }
0x67: {  	_ =	shalt  }
0x68: {  	_ =	shalt  }
0x69: {  	_ =	shalt  }
0x6a: {  	_ =	shalt  }
0x6b: {  	_ =	shalt  }
0x6c: {  	_ =	shalt  }
0x6d: {  	_ =	shalt  }
0x6e: {  	_ =	shalt  }
0x6f: {  	_ =	shalt  }
0x70: {  	_ =	shalt  }
0x71: {  	_ =	shalt  }
0x72: {  	_ =	shalt  }
0x73: {  	_ =	shalt  }
0x74: {  	_ =	shalt  }
0x75: {  	_ =	shalt  }
0x76: {  	_ =	shalt  }
0x77: {  	_ =	shalt  }
0x78: {  	_ =	shalt  }
0x79: {  	_ =	shalt  }
0x7a: {  	_ =	shalt  }
0x7b: {  	_ =	shalt  }
0x7c: {  	_ =	shalt  }
0x7d: {  	_ =	shalt  }
0x7e: {  	_ =	shalt  }
0x7f: {  	_ =	shalt  }
0x80: {  	_ =	shalt  }
0x81: {  	_ =	shalt  }
0x82: {  	_ =	shalt  }
0x83: {  	_ =	shalt  }
0x84: {  	_ =	shalt  }
0x85: {  	_ =	shalt  }
0x86: {  	_ =	shalt  }
0x87: {  	_ =	shalt  }
.Lfunc_end0:
.L_simem_size_0:
called_computation_lowered:
.L_overlay_start_0:
0x88: {  	s2 =	sld [smem:$0x3FD9]  }
0x89: {  	s3 =	sld [smem:$0x3FFE];
	_ =	sdelay $0x1  }
0x8a: {  	s1 =	srdreg.scid  }
0x8b: {  	s0 =	sand.u32 $0x1, s1  }
0x8c: {  	s17 =	sshll.u32 s0, $0xA;
	s2 =	sadd.s32 s3, s2  }
0x8d: {  	s2 =	sadd.s32 s2, s17  }
0x8e: {  	[smem:$0x3FC1] =	sst s2  }
0x8f: {  	_ = 	snop  }
0x90: {  	s2 =	sld [smem:$0x3FC9]  }
0x91: {  	s18 =	sld [smem:$0x3FC8]  }
0x92: {  	s4 =	sld [smem:$0x3FC7]  }
0x93: {  	s5 =	sld [smem:$0x3FD0];
	(tm) =	ssettm $0x1  }
0x94: {  	s6 =	sld [smem:$0x3FFB];
	_ =	sdelay $0x3  }
0x95: {  	_ =	strace s6  }
0x96: {  	s6 =	sld [smem:$0x3FFC];
	_ =	sdelay $0x3  }
0x97: {  	_ =	strace s6  }
0x98: {  	s6 =	sld [smem:$0x3FFD];
	_ =	sdelay $0x3  }
0x99: {  	_ =	strace s6  }
0x9a: {  	_ =	strace $0x8FFFFFFF  }
0x9b: {  	s19 =	sld [smem:$0x3FDB];
	_ =	sdelay $0x1  }
0x9c: {  	s7 =	simm.s32 $_scs_section_size  }
0x9d: {  	s8 =	simm.s32 $_size__tile_overlayer_lowered;
	s9 =	simm.s32 $_tile_overlayer_lowered  }
0x9e: {  	s22 =	simm.s32 $0x1BFF;
	s21 =	sshll.u32 s9, $0x1;
	s6 =	sadd.s32 s7, s19  }
0x9f: {  	s10 =	simm.s32 $0x0;
	s20 =	sshll.u32 s8, $0x1;
	s8 =	sadd.s32 s21, s6  }
0xa0: {  	[timem:s10], [sflag:s22] =	dma.local [hbm:s8], s20  }
0xa1: {  	_ =	swait.ge [sflag:s22], s20  }
0xa2: {  	s7 =	ssub.s32 $0x0, s20;
	[sflag:s22] =	ssyncset.done $0x0  }
0xa3: {  	[sflag:s22] =	ssyncadd.s32 s7;
	_ =	sdelay $0x1  }
0xa4: {  	s23 =	simm.s32 $0x1B8B  }
0xa5: {  	_ =	swait.ge [sflag:s23], $0x1  }
0xa6: {  	[sflag:s23] =	ssyncset.done $0x0  }
0xa7: {  	s25 =	simm.s32 $0x1B8E;
	s24 =	sld [smem:$0x3FFE];
	[sflag:s23] =	ssyncadd.s32 $0xFFFFFFFF  }
0xa8: {  	s26 =	simm.s32 $execute0_lowered;
	[smem:$0x3FD2] =	sst s25  }
0xa9: {  	s8 =	sshll.u32 s26, $0x1;
	_ =	strace $0x80000046;
	[dreg:$0x1] =	wrdreg $0xFFFFFFFF  }
0xaa: {  	s28 =	simm.s32 $_size_execute0_lowered;
	s6 =	sadd.s32 s6, s8;
	[dreg:$0x0] =	wrdreg $0x0  }
0xab: {  	s8 =	sshll.u32 s28, $0x1;
	[dreg:$0x2] =	wrdreg s6  }
0xac: {  	[dreg:$0x3] =	wrdreg s8  }
0xad: {  	[dreg:$0x4] =	wrdreg $0xC0  }
0xae: {  	_ =	task [dreg:s10], $0x5FFFF  }
0xaf: {  	[dreg:$0x1] =	wrdreg $0xFFFFFFFF  }
0xb0: {  	[dreg:$0x0] =	wrdreg $0x60  }
0xb1: {  	[dreg:$0x2] =	wrdreg s2  }
0xb2: {  	[dreg:$0x3] =	wrdreg s18  }
0xb3: {  	[dreg:$0x4] =	wrdreg s4  }
0xb4: {  	[dreg:$0x5] =	wrdreg s24  }
0xb5: {  	[dreg:$0x6] =	wrdreg s5  }
0xb6: {  	[dreg:$0x7] =	wrdreg $0x9  }
0xb7: {  	_ =	task.clear_ibuf [dreg:s10], $0x8FFFF;
	_ =	strace $0x90000046  }
0xb8: {  	s29 =	simm.s32 $0x9;
	_ =	strace $0x80000048  }
0xb9: {  	_ =	swait.ge [sflag:s29], $0x1  }
0xba: {  	[sflag:s29] =	ssyncadd.s32 $0xFFFFFFFF  }
0xbb: {  	_ =	strace $0x90000048  }
0xbc: {  	_ =	sfence  }
0xbd: {  	s30 =	sld [smem:$0x0];
	_ =	sdelay $0x2  }
0xbe: {  	s31 =	sshll.u32 s1, $0xD;
	s1 =	sshrl.u32 s1, $0x2  }
0xbf: {  	s3 =	sand.u32 $0x4000, s31;
	s1 =	sadd.s32 s1, s30  }
0xc0: {  	s0 =	sor.u32 s3, s0;
	s1 =	sshll.u32 s1, $0x11  }
0xc1: {  	s0 =	sor.u32 s1, s0  }
0xc2: {  	s0 =	sadd.s32 $0x8F2B, s0  }
0xc3: {  	[sflag:s0] =	ssyncadd.remote.s32 $0x1  }
0xc4: {  	_ =	sfence.sel $0xFFFF  }
0xc5: {  	[dreg:$0x0] =	wrdreg $0xFFFFFFFF;
	(pc) =	sbr.abs _section_cstart, $3  }
0xc6: {  	[dreg:$0x1] =	wrdreg $0xFFFFFFFF  }
0xc7: {  	_ =	task.clear_ibuf [dreg:s10], $0x2FFFF;
	_ =	strace $0x9FFFFFFF  }
0xc8: {  	(tm) =	ssettm $0x7FFFFFFF  }
0xc9: {  	_ =	shalt  }
tec
execute0_lowered:
.L_overlay_start_1:
0x0: {  	(tag) =	ssettag $0x1  }
0x1: {  	s0 =	rddreg [dreg:$0x0]  }
0x2: {  	s2 =	rddreg [dreg:$0x1]  }
0x3: {  	s9 =	rddreg [dreg:$0x2]  }
0x4: {  	s6 =	rddreg [dreg:$0x3]  }
0x5: {  	s10 =	rddreg [dreg:$0x4];
	s1 =	simm.s32 $0x0;
	s5 =	srdreg.scid  }
0x6: {  	s12 =	stileid.u32;
	s13 =	simm.s32 $0x1;
	s14 =	simm.s32 $0x600  }
0x7: {  	s15 =	simm.s32 $0x2600;
	s16 =	simm.s32 $0x4600;
	s17 =	simm.s32 $0x6600  }
0x8: {  	s18 =	simm.s32 $0x8600;
	s19 =	simm.s32 $0xA600;
	s7 =	sand.u32 $0x1, s5  }
0x9: {  	s12 =	sshll.u32 s12, $0x7;
	s8 =	ssub.s32 $0x2, s7;
	s7 =	sshll.u32 s7, $0x6  }
0xa: {  	s21 =	simm.s32 $0x0;
	[smem:$0x7FF] =	sst s1;
	s12 =	sor.u32 s7, s12  }
0xb: {  	s3 =	sadd.s32 $0x8400, s6;
	s4 =	sadd.s32 $0x400, s6;
	s0 =	sadd.s32 s0, s12  }
0xc: {  	_ =	strace $0x80000047;
	s28 =	sadd.s32 s2, s12;
	[dreg:$0x6] =	wrdreg s0  }
0xd: {  	s11 =	sshrl.u32 s8, $0x1;
	s29 =	sadd.s32 s9, s12;
	[dreg:$0x7] =	wrdreg s28  }
0xe: {  	s11 =	ssub.s32 s8, s11;
	s30 =	sadd.s32 s10, s12;
	[dreg:$0x8] =	wrdreg s29  }
0xf: {  	v0 =	vlaneseq.u32;
	s5 =	sadd.s32 $0xF4A800, s6;
	[dreg:$0x9] =	wrdreg s30;
	s31 =	smax.u32 s11, $0x1  }
0x10: {  	s6 =	sadd.s32 $0x4400, s6;
	v0 =	vmul.u32 $0x80, v0;
	s12 =	simm.s32 $0x2;
	[dreg:$0xa] =	wrdreg s31  }
.LBB2_1:
0x11: {  	s0 =	rddreg [dreg:$0x6]  }
0x12: {  	[tilespmem:s1], [sflag:$0x2] =	stream.linear.gather [hbm4b:s0+s1], $0x200, $0x38;
	[tilespmem:$0xC800] =	vst v63  }
0x13: {  	_ =	swait.ge [sflag:s12], $0x200  }
0x14: {  	[sflag:s12] =	ssyncset.done $0x0  }
0x15: {  	s22 =	simm.s32 $0x200;
	s30 =	rddreg [dreg:$0x7];
	[sflag:s12] =	ssyncadd.s32 $0xFFFFFE00  }
0x16: {  	[tilespmem:s22], [sflag:$0x2] =	stream.linear.gather [hbm4b:s30+s1], $0x200, $0x38;
	[tilespmem:$0xC800] =	vst v63  }
0x17: {  	_ =	swait.ge [sflag:s12], $0x200  }
0x18: {  	[sflag:s12] =	ssyncset.done $0x0  }
0x19: {  	s23 =	simm.s32 $0x400;
	s31 =	rddreg [dreg:$0x8];
	[sflag:s12] =	ssyncadd.s32 $0xFFFFFE00  }
0x1a: {  	[tilespmem:s23], [sflag:$0x2] =	stream.linear.gather [hbm4b:s31+s1], $0x200, $0x38;
	[tilespmem:$0xC800] =	vst v63  }
0x1b: {  	_ =	swait.ge [sflag:s12], $0x200  }
0x1c: {  	[sflag:s12] =	ssyncset.done $0x0  }
0x1d: {  	s24 =	simm.s32 $0x0;
	s25 =	simm.s32 $0x0;
	[sflag:s12] =	ssyncadd.s32 $0xFFFFFE00  }
.LBB2_2:
0x1e: {  	v1 =	vld [tilespmem:s24+$0x0];
	_ =	sdelay $0x1  }
0x1f: {  	v2 =	vld [tilespmem:s23+$0x0];
	_ =	sdelay $0x2  }
0x20: {  	v3 =	vshll.u32 v1, $0x4  }
0x21: {  	v1 =	vld [tilespmem:s22+$0x0];
	(v2sf) =	vpush v3, $0x0  }
0x22: {  	v2 =	vshll.u32 v2, $0x4  }
0x23: {  	(v2sf) =	vpush v2, $0x0;
	_ =	sdelay $0x1  }
0x24: {  	(v2sf) =	vpush v3, $0x1  }
0x25: {  	v1 =	vshll.u32 v1, $0x4  }
0x26: {  	(v2sf) =	vpush v1, $0x0;
	_ =	sdelay $0x3  }
0x27: {  	(v2sf) =	vpush v3, $0x2;
	_ =	sdelay $0x1  }
0x28: {  	(v2sf) =	vpush v2, $0x1;
	_ =	sdelay $0x1  }
0x29: {  	s26 =	simm.s32 $0x2000  }
0x2a: {  	s2 =	simm.s32 $0x2600;
	s28 =	simm.s32 $0x600;
	s0 =	spop (v2sf)  }
0x2b: {  	s10 =	simm.s32 $0x4600;
	s9 =	simm.s32 $0x8600;
	(v2sf) =	vpush v1, $0x1;
	s0 =	sand.u32 $0x1FFFFFF0, s0  }
0x2c: {  	s30 =	sadd.s32 $0x10, s23;
	s20 =	spop (v2sf);
	s29 =	sadd.s32 s5, s0  }
0x2d: {  	[tilespmem:s28], [sflag:$0x1] =	stream.linear.gather [hbm4b:s29+s1], $0x80, $0x38;
	[tilespmem:$0xC800] =	vst v63  }
0x2e: {  	s20 =	sand.u32 $0x1FFFFFF0, s20;
	s0 =	sadd.s32 s3, s0;
	s28 =	spop (v2sf)  }
0x2f: {  	[tilespmem:s2], [sflag:$0x1] =	stream.linear.gather [hbm4b:s0+s1], $0x80, $0x38;
	[tilespmem:$0xC800] =	vst v63  }
0x30: {  	s31 =	sadd.s32 $0x10, s22;
	s11 =	sadd.s32 s5, s20;
	s29 =	spop (v2sf)  }
0x31: {  	[tilespmem:s10], [sflag:$0x1] =	stream.linear.gather [hbm4b:s11+s1], $0x80, $0x38;
	[tilespmem:$0xC800] =	vst v63  }
0x32: {  	s7 =	sadd.s32 s3, s20;
	s2 =	simm.s32 $0x6600;
	s8 =	sand.u32 $0x1FFFFFF0, s29  }
0x33: {  	(v2sf) =	vpush v2, $0x2;
	[tilespmem:s2], [sflag:$0x1] =	stream.linear.gather [hbm4b:s7+s1], $0x80, $0x38;
	[tilespmem:$0xC800] =	vst v63  }
0x34: {  	s28 =	sand.u32 $0x1FFFFFF0, s28;
	s0 =	spop (v2sf);
	s29 =	sadd.s32 s6, s8  }
0x35: {  	[tilespmem:s9], [sflag:$0x1] =	stream.linear.gather [hbm4b:s29+s1], $0x80, $0x38;
	[tilespmem:$0xC800] =	vst v63  }
0x36: {  	s10 =	sadd.s32 s4, s8;
	s11 =	simm.s32 $0xA600;
	s7 =	spop (v2sf)  }
0x37: {  	(v2sf) =	vpush v1, $0x2;
	[tilespmem:s11], [sflag:$0x1] =	stream.linear.gather [hbm4b:s10+s1], $0x80, $0x38;
	[tilespmem:$0xC800] =	vst v63  }
0x38: {  	s8 =	simm.s32 $0x680;
	s2 =	sand.u32 $0x1FFFFFF0, s7;
	s29 =	sadd.s32 s5, s28  }
0x39: {  	[tilespmem:s8], [sflag:$0x1] =	stream.linear.gather [hbm4b:s29+s1], $0x80, $0x38;
	[tilespmem:$0xC800] =	vst v63  }
0x3a: {  	s9 =	simm.s32 $0x2680;
	s28 =	sadd.s32 s3, s28;
	s10 =	spop (v2sf)  }
0x3b: {  	(v2sf) =	vpush v3, $0x3;
	[tilespmem:s9], [sflag:$0x1] =	stream.linear.gather [hbm4b:s28+s1], $0x80, $0x38;
	[tilespmem:$0xC800] =	vst v63  }
0x3c: {  	s0 =	sand.u32 $0x1FFFFFF0, s0;
	s29 =	sadd.s32 s5, s2;
	s28 =	simm.s32 $0x4680  }
0x3d: {  	[tilespmem:s28], [sflag:$0x1] =	stream.linear.gather [hbm4b:s29+s1], $0x80, $0x38;
	[tilespmem:$0xC800] =	vst v63  }
0x3e: {  	s2 =	sadd.s32 s3, s2;
	s20 =	sand.u32 $0x1FFFFFF0, s10;
	s28 =	simm.s32 $0x6680  }
0x3f: {  	(v2sf) =	vpush v2, $0x3;
	[tilespmem:s28], [sflag:$0x1] =	stream.linear.gather [hbm4b:s2+s1], $0x80, $0x38;
	[tilespmem:$0xC800] =	vst v63  }
0x40: {  	s7 =	simm.s32 $0xA680;
	s11 =	simm.s32 $0x8680;
	s29 =	sadd.s32 s6, s20  }
0x41: {  	[tilespmem:s11], [sflag:$0x1] =	stream.linear.gather [hbm4b:s29+s1], $0x80, $0x38;
	[tilespmem:$0xC800] =	vst v63  }
0x42: {  	s8 =	spop (v2sf);
	s10 =	simm.s32 $0x2700;
	s20 =	sadd.s32 s4, s20  }
0x43: {  	(v2sf) =	vpush v1, $0x3;
	[tilespmem:s7], [sflag:$0x1] =	stream.linear.gather [hbm4b:s20+s1], $0x80, $0x38;
	[tilespmem:$0xC800] =	vst v63  }
0x44: {  	s9 =	simm.s32 $0x700;
	s28 =	simm.s32 $0x0;
	s29 =	sadd.s32 s5, s0  }
0x45: {  	[tilespmem:s9], [sflag:$0x1] =	stream.linear.gather [hbm4b:s29+s1], $0x80, $0x38;
	[tilespmem:$0xC800] =	vst v63  }
0x46: {  	s2 =	sand.u32 $0x1FFFFFF0, s8;
	s0 =	sadd.s32 s3, s0;
	s11 =	spop (v2sf)  }
0x47: {  	(v2sf) =	vpush v3, $0x4;
	[tilespmem:s10], [sflag:$0x1] =	stream.linear.gather [hbm4b:s0+s1], $0x80, $0x38;
	[tilespmem:$0xC800] =	vst v63  }
0x48: {  	s8 =	simm.s32 $0x6700;
	s7 =	simm.s32 $0x4700;
	s29 =	sadd.s32 s5, s2  }
0x49: {  	[tilespmem:s7], [sflag:$0x1] =	stream.linear.gather [hbm4b:s29+s1], $0x80, $0x38;
	[tilespmem:$0xC800] =	vst v63  }
0x4a: {  	s2 =	sadd.s32 s3, s2;
	s0 =	sand.u32 $0x1FFFFFF0, s11;
	s9 =	spop (v2sf)  }
0x4b: {  	(v2sf) =	vpush v2, $0x4;
	[tilespmem:s8], [sflag:$0x1] =	stream.linear.gather [hbm4b:s2+s1], $0x80, $0x38;
	[tilespmem:$0xC800] =	vst v63  }
0x4c: {  	s10 =	simm.s32 $0x8700;
	s11 =	simm.s32 $0xA700;
	s29 =	sadd.s32 s6, s0  }
0x4d: {  	[tilespmem:s10], [sflag:$0x1] =	stream.linear.gather [hbm4b:s29+s1], $0x80, $0x38;
	[tilespmem:$0xC800] =	vst v63  }
0x4e: {  	s0 =	sadd.s32 s4, s0;
	s7 =	spop (v2sf);
	s2 =	sand.u32 $0x1FFFFFF0, s9  }
0x4f: {  	(v2sf) =	vpush v1, $0x4;
	[tilespmem:s11], [sflag:$0x1] =	stream.linear.gather [hbm4b:s0+s1], $0x80, $0x38;
	[tilespmem:$0xC800] =	vst v63  }
0x50: {  	s8 =	simm.s32 $0x780;
	s9 =	simm.s32 $0x2780;
	s29 =	sadd.s32 s5, s2  }
0x51: {  	[tilespmem:s8], [sflag:$0x1] =	stream.linear.gather [hbm4b:s29+s1], $0x80, $0x38;
	[tilespmem:$0xC800] =	vst v63  }
0x52: {  	s2 =	sadd.s32 s3, s2;
	s10 =	spop (v2sf);
	s0 =	sand.u32 $0x1FFFFFF0, s7  }
0x53: {  	(v2sf) =	vpush v3, $0x5;
	[tilespmem:s9], [sflag:$0x1] =	stream.linear.gather [hbm4b:s2+s1], $0x80, $0x38;
	[tilespmem:$0xC800] =	vst v63  }
0x54: {  	s11 =	simm.s32 $0x4780;
	s7 =	simm.s32 $0x6780;
	s29 =	sadd.s32 s5, s0  }
0x55: {  	[tilespmem:s11], [sflag:$0x1] =	stream.linear.gather [hbm4b:s29+s1], $0x80, $0x38;
	[tilespmem:$0xC800] =	vst v63  }
0x56: {  	s0 =	sadd.s32 s3, s0;
	s8 =	spop (v2sf);
	s2 =	sand.u32 $0x1FFFFFF0, s10  }
0x57: {  	(v2sf) =	vpush v2, $0x5;
	[tilespmem:s7], [sflag:$0x1] =	stream.linear.gather [hbm4b:s0+s1], $0x80, $0x38;
	[tilespmem:$0xC800] =	vst v63  }
0x58: {  	s9 =	simm.s32 $0x8780;
	s10 =	simm.s32 $0xA780;
	s29 =	sadd.s32 s6, s2  }
0x59: {  	[tilespmem:s9], [sflag:$0x1] =	stream.linear.gather [hbm4b:s29+s1], $0x80, $0x38;
	[tilespmem:$0xC800] =	vst v63  }
0x5a: {  	s2 =	sadd.s32 s4, s2;
	s0 =	sand.u32 $0x1FFFFFF0, s8;
	s11 =	spop (v2sf)  }
0x5b: {  	(v2sf) =	vpush v1, $0x5;
	[tilespmem:s10], [sflag:$0x1] =	stream.linear.gather [hbm4b:s2+s1], $0x80, $0x38;
	[tilespmem:$0xC800] =	vst v63  }
0x5c: {  	s7 =	simm.s32 $0x800;
	s8 =	simm.s32 $0x2800;
	s29 =	sadd.s32 s5, s0  }
0x5d: {  	[tilespmem:s7], [sflag:$0x1] =	stream.linear.gather [hbm4b:s29+s1], $0x80, $0x38;
	[tilespmem:$0xC800] =	vst v63  }
0x5e: {  	s0 =	sadd.s32 s3, s0;
	s9 =	spop (v2sf);
	s2 =	sand.u32 $0x1FFFFFF0, s11  }
0x5f: {  	(v2sf) =	vpush v3, $0x6;
	[tilespmem:s8], [sflag:$0x1] =	stream.linear.gather [hbm4b:s0+s1], $0x80, $0x38;
	[tilespmem:$0xC800] =	vst v63  }
0x60: {  	s10 =	simm.s32 $0x4800;
	s11 =	simm.s32 $0x6800;
	s29 =	sadd.s32 s5, s2  }
0x61: {  	[tilespmem:s10], [sflag:$0x1] =	stream.linear.gather [hbm4b:s29+s1], $0x80, $0x38;
	[tilespmem:$0xC800] =	vst v63  }
0x62: {  	s2 =	sadd.s32 s3, s2;
	s7 =	spop (v2sf);
	s0 =	sand.u32 $0x1FFFFFF0, s9  }
0x63: {  	(v2sf) =	vpush v2, $0x6;
	[tilespmem:s11], [sflag:$0x1] =	stream.linear.gather [hbm4b:s2+s1], $0x80, $0x38;
	[tilespmem:$0xC800] =	vst v63  }
0x64: {  	s8 =	simm.s32 $0x8800;
	s9 =	simm.s32 $0xA800;
	s29 =	sadd.s32 s6, s0  }
0x65: {  	[tilespmem:s8], [sflag:$0x1] =	stream.linear.gather [hbm4b:s29+s1], $0x80, $0x38;
	[tilespmem:$0xC800] =	vst v63  }
0x66: {  	s0 =	sadd.s32 s4, s0;
	s10 =	spop (v2sf);
	s2 =	sand.u32 $0x1FFFFFF0, s7  }
0x67: {  	(v2sf) =	vpush v1, $0x6;
	[tilespmem:s9], [sflag:$0x1] =	stream.linear.gather [hbm4b:s0+s1], $0x80, $0x38;
	[tilespmem:$0xC800] =	vst v63  }
0x68: {  	s11 =	simm.s32 $0x880;
	s7 =	simm.s32 $0x2880;
	s29 =	sadd.s32 s5, s2  }
0x69: {  	[tilespmem:s11], [sflag:$0x1] =	stream.linear.gather [hbm4b:s29+s1], $0x80, $0x38;
	[tilespmem:$0xC800] =	vst v63  }
0x6a: {  	s2 =	sadd.s32 s3, s2;
	s8 =	spop (v2sf);
	s0 =	sand.u32 $0x1FFFFFF0, s10  }
0x6b: {  	(v2sf) =	vpush v3, $0x7;
	[tilespmem:s7], [sflag:$0x1] =	stream.linear.gather [hbm4b:s2+s1], $0x80, $0x38;
	[tilespmem:$0xC800] =	vst v63  }
0x6c: {  	s9 =	simm.s32 $0x4880;
	s10 =	simm.s32 $0x6880;
	s29 =	sadd.s32 s5, s0  }
0x6d: {  	[tilespmem:s9], [sflag:$0x1] =	stream.linear.gather [hbm4b:s29+s1], $0x80, $0x38;
	[tilespmem:$0xC800] =	vst v63  }
0x6e: {  	s0 =	sadd.s32 s3, s0;
	s11 =	spop (v2sf);
	s2 =	sand.u32 $0x1FFFFFF0, s8  }
0x6f: {  	(v2sf) =	vpush v2, $0x7;
	[tilespmem:s10], [sflag:$0x1] =	stream.linear.gather [hbm4b:s0+s1], $0x80, $0x38;
	[tilespmem:$0xC800] =	vst v63  }
0x70: {  	s7 =	simm.s32 $0x8880;
	s8 =	simm.s32 $0xA880;
	s29 =	sadd.s32 s6, s2  }
0x71: {  	[tilespmem:s7], [sflag:$0x1] =	stream.linear.gather [hbm4b:s29+s1], $0x80, $0x38;
	[tilespmem:$0xC800] =	vst v63  }
0x72: {  	s2 =	sadd.s32 s4, s2;
	s9 =	spop (v2sf);
	s0 =	sand.u32 $0x1FFFFFF0, s11  }
0x73: {  	(v2sf) =	vpush v1, $0x7;
	[tilespmem:s8], [sflag:$0x1] =	stream.linear.gather [hbm4b:s2+s1], $0x80, $0x38;
	[tilespmem:$0xC800] =	vst v63  }
0x74: {  	s10 =	simm.s32 $0x900;
	s11 =	simm.s32 $0x2900;
	s29 =	sadd.s32 s5, s0  }
0x75: {  	[tilespmem:s10], [sflag:$0x1] =	stream.linear.gather [hbm4b:s29+s1], $0x80, $0x38;
	[tilespmem:$0xC800] =	vst v63  }
0x76: {  	s0 =	sadd.s32 s3, s0;
	s7 =	spop (v2sf);
	s2 =	sand.u32 $0x1FFFFFF0, s9  }
0x77: {  	(v2sf) =	vpush v3, $0x8;
	[tilespmem:s11], [sflag:$0x1] =	stream.linear.gather [hbm4b:s0+s1], $0x80, $0x38;
	[tilespmem:$0xC800] =	vst v63  }
0x78: {  	s8 =	simm.s32 $0x4900;
	s9 =	simm.s32 $0x6900;
	s29 =	sadd.s32 s5, s2  }
0x79: {  	[tilespmem:s8], [sflag:$0x1] =	stream.linear.gather [hbm4b:s29+s1], $0x80, $0x38;
	[tilespmem:$0xC800] =	vst v63  }
0x7a: {  	s2 =	sadd.s32 s3, s2;
	s10 =	spop (v2sf);
	s0 =	sand.u32 $0x1FFFFFF0, s7  }
0x7b: {  	(v2sf) =	vpush v2, $0x8;
	[tilespmem:s9], [sflag:$0x1] =	stream.linear.gather [hbm4b:s2+s1], $0x80, $0x38;
	[tilespmem:$0xC800] =	vst v63  }
0x7c: {  	s11 =	simm.s32 $0x8900;
	s7 =	simm.s32 $0xA900;
	s29 =	sadd.s32 s6, s0  }
0x7d: {  	[tilespmem:s11], [sflag:$0x1] =	stream.linear.gather [hbm4b:s29+s1], $0x80, $0x38;
	[tilespmem:$0xC800] =	vst v63  }
0x7e: {  	s0 =	sadd.s32 s4, s0;
	s8 =	spop (v2sf);
	s2 =	sand.u32 $0x1FFFFFF0, s10  }
0x7f: {  	(v2sf) =	vpush v1, $0x8;
	[tilespmem:s7], [sflag:$0x1] =	stream.linear.gather [hbm4b:s0+s1], $0x80, $0x38;
	[tilespmem:$0xC800] =	vst v63  }
0x80: {  	s9 =	simm.s32 $0x980;
	s10 =	simm.s32 $0x2980;
	s29 =	sadd.s32 s5, s2  }
0x81: {  	[tilespmem:s9], [sflag:$0x1] =	stream.linear.gather [hbm4b:s29+s1], $0x80, $0x38;
	[tilespmem:$0xC800] =	vst v63  }
0x82: {  	s2 =	sadd.s32 s3, s2;
	s11 =	spop (v2sf);
	s0 =	sand.u32 $0x1FFFFFF0, s8  }
0x83: {  	(v2sf) =	vpush v3, $0x9;
	[tilespmem:s10], [sflag:$0x1] =	stream.linear.gather [hbm4b:s2+s1], $0x80, $0x38;
	[tilespmem:$0xC800] =	vst v63  }
0x84: {  	s7 =	simm.s32 $0x4980;
	s8 =	simm.s32 $0x6980;
	s29 =	sadd.s32 s5, s0  }
0x85: {  	[tilespmem:s7], [sflag:$0x1] =	stream.linear.gather [hbm4b:s29+s1], $0x80, $0x38;
	[tilespmem:$0xC800] =	vst v63  }
0x86: {  	s0 =	sadd.s32 s3, s0;
	s9 =	spop (v2sf);
	s2 =	sand.u32 $0x1FFFFFF0, s11  }
0x87: {  	(v2sf) =	vpush v2, $0x9;
	[tilespmem:s8], [sflag:$0x1] =	stream.linear.gather [hbm4b:s0+s1], $0x80, $0x38;
	[tilespmem:$0xC800] =	vst v63  }
0x88: {  	s10 =	simm.s32 $0x8980;
	s11 =	simm.s32 $0xA980;
	s29 =	sadd.s32 s6, s2  }
0x89: {  	[tilespmem:s10], [sflag:$0x1] =	stream.linear.gather [hbm4b:s29+s1], $0x80, $0x38;
	[tilespmem:$0xC800] =	vst v63  }
0x8a: {  	s2 =	sadd.s32 s4, s2;
	s7 =	spop (v2sf);
	s0 =	sand.u32 $0x1FFFFFF0, s9  }
0x8b: {  	(v2sf) =	vpush v1, $0x9;
	[tilespmem:s11], [sflag:$0x1] =	stream.linear.gather [hbm4b:s2+s1], $0x80, $0x38;
	[tilespmem:$0xC800] =	vst v63  }
0x8c: {  	s8 =	simm.s32 $0xA00;
	s9 =	simm.s32 $0x2A00;
	s29 =	sadd.s32 s5, s0  }
0x8d: {  	[tilespmem:s8], [sflag:$0x1] =	stream.linear.gather [hbm4b:s29+s1], $0x80, $0x38;
	[tilespmem:$0xC800] =	vst v63  }
0x8e: {  	s0 =	sadd.s32 s3, s0;
	s10 =	spop (v2sf);
	s2 =	sand.u32 $0x1FFFFFF0, s7  }
0x8f: {  	(v2sf) =	vpush v3, $0xA;
	[tilespmem:s9], [sflag:$0x1] =	stream.linear.gather [hbm4b:s0+s1], $0x80, $0x38;
	[tilespmem:$0xC800] =	vst v63  }
0x90: {  	s11 =	simm.s32 $0x4A00;
	s7 =	simm.s32 $0x6A00;
	s29 =	sadd.s32 s5, s2  }
0x91: {  	[tilespmem:s11], [sflag:$0x1] =	stream.linear.gather [hbm4b:s29+s1], $0x80, $0x38;
	[tilespmem:$0xC800] =	vst v63  }
0x92: {  	s2 =	sadd.s32 s3, s2;
	s8 =	spop (v2sf);
	s0 =	sand.u32 $0x1FFFFFF0, s10  }
0x93: {  	(v2sf) =	vpush v2, $0xA;
	[tilespmem:s7], [sflag:$0x1] =	stream.linear.gather [hbm4b:s2+s1], $0x80, $0x38;
	[tilespmem:$0xC800] =	vst v63  }
0x94: {  	s9 =	simm.s32 $0x8A00;
	s10 =	simm.s32 $0xAA00;
	s29 =	sadd.s32 s6, s0  }
0x95: {  	[tilespmem:s9], [sflag:$0x1] =	stream.linear.gather [hbm4b:s29+s1], $0x80, $0x38;
	[tilespmem:$0xC800] =	vst v63  }
0x96: {  	s0 =	sadd.s32 s4, s0;
	s11 =	spop (v2sf);
	s2 =	sand.u32 $0x1FFFFFF0, s8  }
0x97: {  	(v2sf) =	vpush v1, $0xA;
	[tilespmem:s10], [sflag:$0x1] =	stream.linear.gather [hbm4b:s0+s1], $0x80, $0x38;
	[tilespmem:$0xC800] =	vst v63  }
0x98: {  	s7 =	simm.s32 $0xA80;
	s8 =	simm.s32 $0x2A80;
	s29 =	sadd.s32 s5, s2  }
0x99: {  	[tilespmem:s7], [sflag:$0x1] =	stream.linear.gather [hbm4b:s29+s1], $0x80, $0x38;
	[tilespmem:$0xC800] =	vst v63  }
0x9a: {  	s2 =	sadd.s32 s3, s2;
	s9 =	spop (v2sf);
	s0 =	sand.u32 $0x1FFFFFF0, s11  }
0x9b: {  	(v2sf) =	vpush v3, $0xB;
	[tilespmem:s8], [sflag:$0x1] =	stream.linear.gather [hbm4b:s2+s1], $0x80, $0x38;
	[tilespmem:$0xC800] =	vst v63  }
0x9c: {  	s10 =	simm.s32 $0x4A80;
	s11 =	simm.s32 $0x6A80;
	s29 =	sadd.s32 s5, s0  }
0x9d: {  	[tilespmem:s10], [sflag:$0x1] =	stream.linear.gather [hbm4b:s29+s1], $0x80, $0x38;
	[tilespmem:$0xC800] =	vst v63  }
0x9e: {  	s0 =	sadd.s32 s3, s0;
	s7 =	spop (v2sf);
	s2 =	sand.u32 $0x1FFFFFF0, s9  }
0x9f: {  	(v2sf) =	vpush v2, $0xB;
	[tilespmem:s11], [sflag:$0x1] =	stream.linear.gather [hbm4b:s0+s1], $0x80, $0x38;
	[tilespmem:$0xC800] =	vst v63  }
0xa0: {  	s8 =	simm.s32 $0x8A80;
	s9 =	simm.s32 $0xAA80;
	s29 =	sadd.s32 s6, s2  }
0xa1: {  	[tilespmem:s8], [sflag:$0x1] =	stream.linear.gather [hbm4b:s29+s1], $0x80, $0x38;
	[tilespmem:$0xC800] =	vst v63  }
0xa2: {  	s2 =	sadd.s32 s4, s2;
	s10 =	spop (v2sf);
	s0 =	sand.u32 $0x1FFFFFF0, s7  }
0xa3: {  	(v2sf) =	vpush v1, $0xB;
	[tilespmem:s9], [sflag:$0x1] =	stream.linear.gather [hbm4b:s2+s1], $0x80, $0x38;
	[tilespmem:$0xC800] =	vst v63  }
0xa4: {  	s11 =	simm.s32 $0xB00;
	s7 =	simm.s32 $0x2B00;
	s29 =	sadd.s32 s5, s0  }
0xa5: {  	[tilespmem:s11], [sflag:$0x1] =	stream.linear.gather [hbm4b:s29+s1], $0x80, $0x38;
	[tilespmem:$0xC800] =	vst v63  }
0xa6: {  	s0 =	sadd.s32 s3, s0;
	s8 =	spop (v2sf);
	s2 =	sand.u32 $0x1FFFFFF0, s10  }
0xa7: {  	(v2sf) =	vpush v3, $0xC;
	[tilespmem:s7], [sflag:$0x1] =	stream.linear.gather [hbm4b:s0+s1], $0x80, $0x38;
	[tilespmem:$0xC800] =	vst v63  }
0xa8: {  	s9 =	simm.s32 $0x4B00;
	s10 =	simm.s32 $0x6B00;
	s29 =	sadd.s32 s5, s2  }
0xa9: {  	[tilespmem:s9], [sflag:$0x1] =	stream.linear.gather [hbm4b:s29+s1], $0x80, $0x38;
	[tilespmem:$0xC800] =	vst v63  }
0xaa: {  	s2 =	sadd.s32 s3, s2;
	s11 =	spop (v2sf);
	s0 =	sand.u32 $0x1FFFFFF0, s8  }
0xab: {  	(v2sf) =	vpush v2, $0xC;
	[tilespmem:s10], [sflag:$0x1] =	stream.linear.gather [hbm4b:s2+s1], $0x80, $0x38;
	[tilespmem:$0xC800] =	vst v63  }
0xac: {  	s7 =	simm.s32 $0x8B00;
	s8 =	simm.s32 $0xAB00;
	s29 =	sadd.s32 s6, s0  }
0xad: {  	[tilespmem:s7], [sflag:$0x1] =	stream.linear.gather [hbm4b:s29+s1], $0x80, $0x38;
	[tilespmem:$0xC800] =	vst v63  }
0xae: {  	s0 =	sadd.s32 s4, s0;
	s9 =	spop (v2sf);
	s2 =	sand.u32 $0x1FFFFFF0, s11  }
0xaf: {  	(v2sf) =	vpush v1, $0xC;
	[tilespmem:s8], [sflag:$0x1] =	stream.linear.gather [hbm4b:s0+s1], $0x80, $0x38;
	[tilespmem:$0xC800] =	vst v63  }
0xb0: {  	s10 =	simm.s32 $0xB80;
	s11 =	simm.s32 $0x2B80;
	s29 =	sadd.s32 s5, s2  }
0xb1: {  	[tilespmem:s10], [sflag:$0x1] =	stream.linear.gather [hbm4b:s29+s1], $0x80, $0x38;
	[tilespmem:$0xC800] =	vst v63  }
0xb2: {  	s2 =	sadd.s32 s3, s2;
	s7 =	spop (v2sf);
	s0 =	sand.u32 $0x1FFFFFF0, s9  }
0xb3: {  	(v2sf) =	vpush v3, $0xD;
	[tilespmem:s11], [sflag:$0x1] =	stream.linear.gather [hbm4b:s2+s1], $0x80, $0x38;
	[tilespmem:$0xC800] =	vst v63  }
0xb4: {  	s8 =	simm.s32 $0x4B80;
	s9 =	simm.s32 $0x6B80;
	s29 =	sadd.s32 s5, s0  }
0xb5: {  	[tilespmem:s8], [sflag:$0x1] =	stream.linear.gather [hbm4b:s29+s1], $0x80, $0x38;
	[tilespmem:$0xC800] =	vst v63  }
0xb6: {  	s0 =	sadd.s32 s3, s0;
	s10 =	spop (v2sf);
	s2 =	sand.u32 $0x1FFFFFF0, s7  }
0xb7: {  	(v2sf) =	vpush v2, $0xD;
	[tilespmem:s9], [sflag:$0x1] =	stream.linear.gather [hbm4b:s0+s1], $0x80, $0x38;
	[tilespmem:$0xC800] =	vst v63  }
0xb8: {  	s11 =	simm.s32 $0x8B80;
	s7 =	simm.s32 $0xAB80;
	s29 =	sadd.s32 s6, s2  }
0xb9: {  	[tilespmem:s11], [sflag:$0x1] =	stream.linear.gather [hbm4b:s29+s1], $0x80, $0x38;
	[tilespmem:$0xC800] =	vst v63  }
0xba: {  	s2 =	sadd.s32 s4, s2;
	s8 =	spop (v2sf);
	s0 =	sand.u32 $0x1FFFFFF0, s10  }
0xbb: {  	(v2sf) =	vpush v1, $0xD;
	[tilespmem:s7], [sflag:$0x1] =	stream.linear.gather [hbm4b:s2+s1], $0x80, $0x38;
	[tilespmem:$0xC800] =	vst v63  }
0xbc: {  	s9 =	simm.s32 $0xC00;
	s10 =	simm.s32 $0x2C00;
	s29 =	sadd.s32 s5, s0  }
0xbd: {  	[tilespmem:s9], [sflag:$0x1] =	stream.linear.gather [hbm4b:s29+s1], $0x80, $0x38;
	[tilespmem:$0xC800] =	vst v63  }
0xbe: {  	s0 =	sadd.s32 s3, s0;
	s11 =	spop (v2sf);
	s2 =	sand.u32 $0x1FFFFFF0, s8  }
0xbf: {  	(v2sf) =	vpush v3, $0xE;
	[tilespmem:s10], [sflag:$0x1] =	stream.linear.gather [hbm4b:s0+s1], $0x80, $0x38;
	[tilespmem:$0xC800] =	vst v63  }
0xc0: {  	s7 =	simm.s32 $0x4C00;
	s8 =	simm.s32 $0x6C00;
	s29 =	sadd.s32 s5, s2  }
0xc1: {  	[tilespmem:s7], [sflag:$0x1] =	stream.linear.gather [hbm4b:s29+s1], $0x80, $0x38;
	[tilespmem:$0xC800] =	vst v63  }
0xc2: {  	s2 =	sadd.s32 s3, s2;
	s9 =	spop (v2sf);
	s0 =	sand.u32 $0x1FFFFFF0, s11  }
0xc3: {  	(v2sf) =	vpush v2, $0xE;
	[tilespmem:s8], [sflag:$0x1] =	stream.linear.gather [hbm4b:s2+s1], $0x80, $0x38;
	[tilespmem:$0xC800] =	vst v63  }
0xc4: {  	s10 =	simm.s32 $0x8C00;
	s11 =	simm.s32 $0xAC00;
	s29 =	sadd.s32 s6, s0  }
0xc5: {  	[tilespmem:s10], [sflag:$0x1] =	stream.linear.gather [hbm4b:s29+s1], $0x80, $0x38;
	[tilespmem:$0xC800] =	vst v63  }
0xc6: {  	s0 =	sadd.s32 s4, s0;
	s7 =	spop (v2sf);
	s2 =	sand.u32 $0x1FFFFFF0, s9  }
0xc7: {  	(v2sf) =	vpush v1, $0xE;
	[tilespmem:s11], [sflag:$0x1] =	stream.linear.gather [hbm4b:s0+s1], $0x80, $0x38;
	[tilespmem:$0xC800] =	vst v63  }
0xc8: {  	s8 =	simm.s32 $0xC80;
	s9 =	simm.s32 $0x2C80;
	s29 =	sadd.s32 s5, s2  }
0xc9: {  	[tilespmem:s8], [sflag:$0x1] =	stream.linear.gather [hbm4b:s29+s1], $0x80, $0x38;
	[tilespmem:$0xC800] =	vst v63  }
0xca: {  	s2 =	sadd.s32 s3, s2;
	s10 =	spop (v2sf);
	s0 =	sand.u32 $0x1FFFFFF0, s7  }
0xcb: {  	(v2sf) =	vpush v3, $0xF;
	[tilespmem:s9], [sflag:$0x1] =	stream.linear.gather [hbm4b:s2+s1], $0x80, $0x38;
	[tilespmem:$0xC800] =	vst v63  }
0xcc: {  	s11 =	simm.s32 $0x4C80;
	s7 =	simm.s32 $0x6C80;
	s29 =	sadd.s32 s5, s0  }
0xcd: {  	[tilespmem:s11], [sflag:$0x1] =	stream.linear.gather [hbm4b:s29+s1], $0x80, $0x38;
	[tilespmem:$0xC800] =	vst v63  }
0xce: {  	s0 =	sadd.s32 s3, s0;
	s8 =	spop (v2sf);
	s2 =	sand.u32 $0x1FFFFFF0, s10  }
0xcf: {  	(v2sf) =	vpush v2, $0xF;
	[tilespmem:s7], [sflag:$0x1] =	stream.linear.gather [hbm4b:s0+s1], $0x80, $0x38;
	[tilespmem:$0xC800] =	vst v63  }
0xd0: {  	s9 =	simm.s32 $0x8C80;
	s10 =	simm.s32 $0xAC80;
	s29 =	sadd.s32 s6, s2  }
0xd1: {  	[tilespmem:s9], [sflag:$0x1] =	stream.linear.gather [hbm4b:s29+s1], $0x80, $0x38;
	[tilespmem:$0xC800] =	vst v63  }
0xd2: {  	s2 =	sadd.s32 s4, s2;
	s11 =	spop (v2sf);
	s0 =	sand.u32 $0x1FFFFFF0, s8  }
0xd3: {  	(v2sf) =	vpush v1, $0xF;
	[tilespmem:s10], [sflag:$0x1] =	stream.linear.gather [hbm4b:s2+s1], $0x80, $0x38;
	[tilespmem:$0xC800] =	vst v63  }
0xd4: {  	s7 =	simm.s32 $0xD00;
	s8 =	simm.s32 $0x2D00;
	s29 =	sadd.s32 s5, s0  }
0xd5: {  	[tilespmem:s7], [sflag:$0x1] =	stream.linear.gather [hbm4b:s29+s1], $0x80, $0x38;
	[tilespmem:$0xC800] =	vst v63  }
0xd6: {  	s0 =	sadd.s32 s3, s0;
	s9 =	spop (v2sf);
	s2 =	sand.u32 $0x1FFFFFF0, s11  }
0xd7: {  	[tilespmem:s8], [sflag:$0x1] =	stream.linear.gather [hbm4b:s0+s1], $0x80, $0x38;
	[tilespmem:$0xC800] =	vst v63  }
0xd8: {  	s10 =	simm.s32 $0x4D00;
	s11 =	simm.s32 $0x6D00;
	s29 =	sadd.s32 s5, s2  }
0xd9: {  	[tilespmem:s10], [sflag:$0x1] =	stream.linear.gather [hbm4b:s29+s1], $0x80, $0x38;
	[tilespmem:$0xC800] =	vst v63  }
0xda: {  	s2 =	sadd.s32 s3, s2;
	s7 =	spop (v2sf);
	s0 =	sand.u32 $0x1FFFFFF0, s9  }
0xdb: {  	[tilespmem:s11], [sflag:$0x1] =	stream.linear.gather [hbm4b:s2+s1], $0x80, $0x38;
	[tilespmem:$0xC800] =	vst v63  }
0xdc: {  	s8 =	simm.s32 $0x8D00;
	s9 =	simm.s32 $0xAD00;
	s29 =	sadd.s32 s6, s0  }
0xdd: {  	[tilespmem:s8], [sflag:$0x1] =	stream.linear.gather [hbm4b:s29+s1], $0x80, $0x38;
	[tilespmem:$0xC800] =	vst v63  }
0xde: {  	s0 =	sadd.s32 s4, s0;
	s10 =	spop (v2sf);
	s2 =	sand.u32 $0x1FFFFFF0, s7  }
0xdf: {  	[tilespmem:s9], [sflag:$0x1] =	stream.linear.gather [hbm4b:s0+s1], $0x80, $0x38;
	[tilespmem:$0xC800] =	vst v63  }
0xe0: {  	s11 =	simm.s32 $0xD80;
	s7 =	sand.u32 $0x1FFFFFF0, s10;
	s29 =	sadd.s32 s5, s2  }
0xe1: {  	[tilespmem:s11], [sflag:$0x1] =	stream.linear.gather [hbm4b:s29+s1], $0x80, $0x38;
	[tilespmem:$0xC800] =	vst v63  }
0xe2: {  	s10 =	spop (v2sf);
	s8 =	sadd.s32 s3, s2;
	s9 =	simm.s32 $0x2D80  }
0xe3: {  	[tilespmem:s9], [sflag:$0x1] =	stream.linear.gather [hbm4b:s8+s1], $0x80, $0x38;
	[tilespmem:$0xC800] =	vst v63  }
0xe4: {  	s20 =	sadd.s32 s3, s7;
	s11 =	simm.s32 $0x4D80;
	s29 =	sadd.s32 s5, s7  }
0xe5: {  	[tilespmem:s11], [sflag:$0x1] =	stream.linear.gather [hbm4b:s29+s1], $0x80, $0x38;
	[tilespmem:$0xC800] =	vst v63  }
0xe6: {  	s2 =	simm.s32 $0x6D80;
	s0 =	sand.u32 $0x1FFFFFF0, s10;
	s29 =	sadd.s32 $0x10, s24  }
.LBB2_3:
0xe7: {  	[tilespmem:s2], [sflag:$0x1] =	stream.linear.gather [hbm4b:s20+s1], $0x80, $0x38;
	[tilespmem:$0xC800] =	vst v63  }
0xe8: {  	s2 =	smov.u32 s26  }
0xe9: {  	p0 =	sne.s32 s26, $0x6000;
	s20 =	sadd.s32 $0x8D80, s28;
	s7 =	sadd.s32 s6, s0  }
0xea: {  	[tilespmem:s20], [sflag:$0x1] =	stream.linear.gather [hbm4b:s7+s1], $0x80, $0x38;
	[tilespmem:$0xC800] =	vst v63  }
0xeb: {  	s26 =	sadd.s32 $0x2000, s26;
	s0 =	sadd.s32 s4, s0;
	s7 =	sadd.s32 $0xAD80, s28  }
0xec: {  	[tilespmem:s7], [sflag:$0x1] =	stream.linear.gather [hbm4b:s0+s1], $0x80, $0x38;
	[tilespmem:$0xC800] =	vst v63  }
0xed: {  	v1 =	vld [tilespmem:s29+$0x0]  }
0xee: {  	v2 =	vld [tilespmem:s30+$0x0];
	_ =	sdelay $0x3  }
0xef: {  	v4 =	vld [tilespmem:s31+$0x0];
	v3 =	vshll.u32 v1, $0x4  }
0xf0: {  	v2 =	vshll.u32 v2, $0x4;
	(v2sf) =	vpush v3, $0x0  }
0xf1: {  	(v2sf) =	vpush v2, $0x0;
	_ =	sdelay $0x2  }
0xf2: {  	v1 =	vshll.u32 v4, $0x4;
	(v2sf) =	vpush v3, $0x1;
	_ =	sdelay $0x1  }
0xf3: {  	(v2sf) =	vpush v1, $0x0;
	_ =	sdelay $0x1  }
0xf4: {  	(v2sf) =	vpush v3, $0x2;
	_ =	sdelay $0x2  }
0xf5: {  	(v2sf) =	vpush v2, $0x1;
	_ =	sdelay $0x1  }
0xf6: {  	(v2sf) =	vpush v1, $0x1;
	_ =	sdelay $0x1  }
0xf7: {  	s28 =	sshra.s32 s2, $0x2;
	s0 =	spop (v2sf)  }
0xf8: {  	s2 =	sadd.s32 $0x2600, s28;
	s0 =	sand.u32 $0x1FFFFFF0, s0;
	s7 =	spop (v2sf)  }
0xf9: {  	s20 =	sadd.s32 $0x600, s28;
	s8 =	sadd.s32 s5, s0;
	s7 =	sand.u32 $0x1FFFFFF0, s7  }
0xfa: {  	[tilespmem:s20], [sflag:$0x1] =	stream.linear.gather [hbm4b:s8+s1], $0x80, $0x38;
	[tilespmem:$0xC800] =	vst v63  }
0xfb: {  	s0 =	sadd.s32 s3, s0;
	s8 =	sadd.s32 $0x6600, s28;
	s20 =	spop (v2sf);
	(v2sf) =	vpush v2, $0x2  }
0xfc: {  	[tilespmem:s2], [sflag:$0x1] =	stream.linear.gather [hbm4b:s0+s1], $0x80, $0x38;
	[tilespmem:$0xC800] =	vst v63  }
0xfd: {  	s0 =	sadd.s32 $0x4600, s28;
	s2 =	sadd.s32 s5, s7;
	s9 =	spop (v2sf);
	(v2sf) =	vpush v1, $0x2  }
0xfe: {  	[tilespmem:s0], [sflag:$0x1] =	stream.linear.gather [hbm4b:s2+s1], $0x80, $0x38;
	[tilespmem:$0xC800] =	vst v63  }
0xff: {  	s0 =	sadd.s32 s3, s7;
	s2 =	sand.u32 $0x1FFFFFF0, s9;
	s7 =	spop (v2sf)  }
0x100: {  	s9 =	sadd.s32 $0x8600, s28;
	s10 =	sadd.s32 s6, s2;
	s2 =	sadd.s32 s4, s2  }
0x101: {  	[tilespmem:s8], [sflag:$0x1] =	stream.linear.gather [hbm4b:s0+s1], $0x80, $0x38;
	[tilespmem:$0xC800] =	vst v63  }
0x102: {  	s0 =	sadd.s32 $0xA600, s28;
	s8 =	sand.u32 $0x1FFFFFF0, s20;
	s20 =	spop (v2sf)  }
0x103: {  	[tilespmem:s9], [sflag:$0x1] =	stream.linear.gather [hbm4b:s10+s1], $0x80, $0x38;
	(v2sf) =	vpush v3, $0x3;
	[tilespmem:$0xC800] =	vst v63  }
0x104: {  	s9 =	sadd.s32 $0x680, s28;
	s10 =	sand.u32 $0x1FFFFFF0, s20;
	s20 =	spop (v2sf)  }
0x105: {  	[tilespmem:s0], [sflag:$0x1] =	stream.linear.gather [hbm4b:s2+s1], $0x80, $0x38;
	[tilespmem:$0xC800] =	vst v63  }
0x106: {  	s0 =	sadd.s32 s5, s8;
	s2 =	sadd.s32 $0x2680, s28;
	s20 =	sand.u32 $0x1FFFFFF0, s20  }
0x107: {  	[tilespmem:s9], [sflag:$0x1] =	stream.linear.gather [hbm4b:s0+s1], $0x80, $0x38;
	(v2sf) =	vpush v2, $0x3;
	[tilespmem:$0xC800] =	vst v63  }
0x108: {  	s7 =	sand.u32 $0x1FFFFFF0, s7;
	s0 =	sadd.s32 s3, s8;
	s8 =	sadd.s32 $0x4680, s28  }
0x109: {  	[tilespmem:s2], [sflag:$0x1] =	stream.linear.gather [hbm4b:s0+s1], $0x80, $0x38;
	(v2sf) =	vpush v1, $0x3;
	[tilespmem:$0xC800] =	vst v63  }
0x10a: {  	s0 =	sadd.s32 s5, s10;
	s2 =	sadd.s32 $0x6680, s28;
	s9 =	spop (v2sf)  }
0x10b: {  	[tilespmem:s8], [sflag:$0x1] =	stream.linear.gather [hbm4b:s0+s1], $0x80, $0x38;
	[tilespmem:$0xC800] =	vst v63  }
0x10c: {  	s0 =	sadd.s32 s3, s10;
	s8 =	sadd.s32 $0x8680, s28;
	s10 =	spop (v2sf)  }
0x10d: {  	[tilespmem:s2], [sflag:$0x1] =	stream.linear.gather [hbm4b:s0+s1], $0x80, $0x38;
	[tilespmem:$0xC800] =	vst v63  }
0x10e: {  	s9 =	sand.u32 $0x1FFFFFF0, s9;
	s0 =	sadd.s32 s6, s20;
	s2 =	sadd.s32 $0xA680, s28  }
0x10f: {  	[tilespmem:s8], [sflag:$0x1] =	stream.linear.gather [hbm4b:s0+s1], $0x80, $0x38;
	(v2sf) =	vpush v3, $0x4;
	[tilespmem:$0xC800] =	vst v63  }
0x110: {  	s10 =	sand.u32 $0x1FFFFFF0, s10;
	s0 =	sadd.s32 s4, s20;
	s8 =	sadd.s32 $0x700, s28  }
0x111: {  	[tilespmem:s2], [sflag:$0x1] =	stream.linear.gather [hbm4b:s0+s1], $0x80, $0x38;
	[tilespmem:$0xC800] =	vst v63  }
0x112: {  	s0 =	sadd.s32 s5, s7;
	s2 =	sadd.s32 $0x2700, s28;
	s20 =	spop (v2sf)  }
0x113: {  	[tilespmem:s8], [sflag:$0x1] =	stream.linear.gather [hbm4b:s0+s1], $0x80, $0x38;
	(v2sf) =	vpush v2, $0x4;
	[tilespmem:$0xC800] =	vst v63  }
0x114: {  	s0 =	sadd.s32 s3, s7;
	s7 =	sadd.s32 $0x4700, s28;
	s8 =	sand.u32 $0x1FFFFFF0, s20  }
0x115: {  	[tilespmem:s2], [sflag:$0x1] =	stream.linear.gather [hbm4b:s0+s1], $0x80, $0x38;
	[tilespmem:$0xC800] =	vst v63  }
0x116: {  	s0 =	sadd.s32 s5, s9;
	s2 =	sadd.s32 $0x6700, s28;
	s20 =	spop (v2sf)  }
0x117: {  	[tilespmem:s7], [sflag:$0x1] =	stream.linear.gather [hbm4b:s0+s1], $0x80, $0x38;
	[tilespmem:$0xC800] =	vst v63  }
0x118: {  	s0 =	sadd.s32 s3, s9;
	s7 =	sadd.s32 $0x8700, s28;
	s9 =	spop (v2sf)  }
0x119: {  	[tilespmem:s2], [sflag:$0x1] =	stream.linear.gather [hbm4b:s0+s1], $0x80, $0x38;
	[tilespmem:$0xC800] =	vst v63  }
0x11a: {  	s20 =	sand.u32 $0x1FFFFFF0, s20;
	s0 =	sadd.s32 s6, s10;
	s2 =	sadd.s32 $0xA700, s28  }
0x11b: {  	[tilespmem:s7], [sflag:$0x1] =	stream.linear.gather [hbm4b:s0+s1], $0x80, $0x38;
	(v2sf) =	vpush v1, $0x4;
	[tilespmem:$0xC800] =	vst v63  }
0x11c: {  	s0 =	sadd.s32 s4, s10;
	s7 =	sadd.s32 $0x780, s28;
	s10 =	sadd.s32 s5, s8  }
0x11d: {  	[tilespmem:s2], [sflag:$0x1] =	stream.linear.gather [hbm4b:s0+s1], $0x80, $0x38;
	[tilespmem:$0xC800] =	vst v63  }
0x11e: {  	s0 =	sadd.s32 $0x2780, s28;
	s2 =	sadd.s32 s3, s8;
	s8 =	spop (v2sf)  }
0x11f: {  	[tilespmem:s7], [sflag:$0x1] =	stream.linear.gather [hbm4b:s10+s1], $0x80, $0x38;
	(v2sf) =	vpush v3, $0x5;
	[tilespmem:$0xC800] =	vst v63  }
0x120: {  	s7 =	sadd.s32 $0x4780, s28;
	s10 =	sadd.s32 s5, s20;
	s8 =	sand.u32 $0x1FFFFFF0, s8  }
0x121: {  	[tilespmem:s0], [sflag:$0x1] =	stream.linear.gather [hbm4b:s2+s1], $0x80, $0x38;
	[tilespmem:$0xC800] =	vst v63  }
0x122: {  	s2 =	sadd.s32 s3, s20;
	s0 =	sadd.s32 $0x2880, s28;
	s20 =	spop (v2sf)  }
0x123: {  	[tilespmem:s7], [sflag:$0x1] =	stream.linear.gather [hbm4b:s10+s1], $0x80, $0x38;
	(v2sf) =	vpush v2, $0x5;
	[tilespmem:$0xC800] =	vst v63  }
0x124: {  	s9 =	sand.u32 $0x1FFFFFF0, s9;
	s7 =	sadd.s32 $0x6780, s28;
	s10 =	sadd.s32 $0x8780, s28  }
0x125: {  	[tilespmem:s7], [sflag:$0x1] =	stream.linear.gather [hbm4b:s2+s1], $0x80, $0x38;
	(v2sf) =	vpush v1, $0x5;
	[tilespmem:$0xC800] =	vst v63  }
0x126: {  	s2 =	sadd.s32 s6, s9;
	s7 =	sadd.s32 $0xA780, s28;
	s9 =	sadd.s32 s4, s9  }
0x127: {  	[tilespmem:s10], [sflag:$0x1] =	stream.linear.gather [hbm4b:s2+s1], $0x80, $0x38;
	[tilespmem:$0xC800] =	vst v63  }
0x128: {  	s20 =	sand.u32 $0x1FFFFFF0, s20;
	s2 =	sadd.s32 $0x800, s28;
	s10 =	sadd.s32 s5, s8  }
0x129: {  	[tilespmem:s7], [sflag:$0x1] =	stream.linear.gather [hbm4b:s9+s1], $0x80, $0x38;
	(v2sf) =	vpush v3, $0x6;
	[tilespmem:$0xC800] =	vst v63  }
0x12a: {  	s8 =	sadd.s32 s3, s8;
	s7 =	sadd.s32 $0x2800, s28;
	s9 =	spop (v2sf)  }
0x12b: {  	[tilespmem:s2], [sflag:$0x1] =	stream.linear.gather [hbm4b:s10+s1], $0x80, $0x38;
	[tilespmem:$0xC800] =	vst v63  }
0x12c: {  	s2 =	sadd.s32 $0x4800, s28;
	s10 =	sadd.s32 s5, s20;
	s9 =	sand.u32 $0x1FFFFFF0, s9  }
0x12d: {  	[tilespmem:s7], [sflag:$0x1] =	stream.linear.gather [hbm4b:s8+s1], $0x80, $0x38;
	(v2sf) =	vpush v2, $0x6;
	[tilespmem:$0xC800] =	vst v63  }
0x12e: {  	s7 =	sadd.s32 $0x6800, s28;
	s8 =	sadd.s32 s3, s20;
	s20 =	spop (v2sf)  }
0x12f: {  	[tilespmem:s2], [sflag:$0x1] =	stream.linear.gather [hbm4b:s10+s1], $0x80, $0x38;
	(v2sf) =	vpush v1, $0x6;
	[tilespmem:$0xC800] =	vst v63  }
0x130: {  	s2 =	sadd.s32 $0x8800, s28;
	s10 =	sadd.s32 s6, s9;
	s20 =	sand.u32 $0x1FFFFFF0, s20  }
0x131: {  	[tilespmem:s7], [sflag:$0x1] =	stream.linear.gather [hbm4b:s8+s1], $0x80, $0x38;
	[tilespmem:$0xC800] =	vst v63  }
0x132: {  	s7 =	sadd.s32 $0xA800, s28;
	s8 =	sadd.s32 s4, s9;
	s9 =	spop (v2sf)  }
0x133: {  	[tilespmem:s2], [sflag:$0x1] =	stream.linear.gather [hbm4b:s10+s1], $0x80, $0x38;
	[tilespmem:$0xC800] =	vst v63  }
0x134: {  	s2 =	sadd.s32 $0x880, s28;
	s10 =	sadd.s32 s5, s20;
	s11 =	spop (v2sf)  }
0x135: {  	[tilespmem:s7], [sflag:$0x1] =	stream.linear.gather [hbm4b:s8+s1], $0x80, $0x38;
	(v2sf) =	vpush v3, $0x7;
	[tilespmem:$0xC800] =	vst v63  }
0x136: {  	s7 =	sadd.s32 s3, s20;
	s8 =	sand.u32 $0x1FFFFFF0, s9;
	s9 =	sand.u32 $0x1FFFFFF0, s11  }
0x137: {  	[tilespmem:s2], [sflag:$0x1] =	stream.linear.gather [hbm4b:s10+s1], $0x80, $0x38;
	[tilespmem:$0xC800] =	vst v63  }
0x138: {  	s2 =	sadd.s32 $0x4880, s28;
	s10 =	sadd.s32 s5, s8;
	s11 =	spop (v2sf)  }
0x139: {  	[tilespmem:s0], [sflag:$0x1] =	stream.linear.gather [hbm4b:s7+s1], $0x80, $0x38;
	(v2sf) =	vpush v2, $0x7;
	[tilespmem:$0xC800] =	vst v63  }
0x13a: {  	s0 =	sadd.s32 $0x6880, s28;
	s7 =	sadd.s32 s3, s8;
	s8 =	sand.u32 $0x1FFFFFF0, s11  }
0x13b: {  	[tilespmem:s2], [sflag:$0x1] =	stream.linear.gather [hbm4b:s10+s1], $0x80, $0x38;
	(v2sf) =	vpush v1, $0x7;
	[tilespmem:$0xC800] =	vst v63  }
0x13c: {  	s2 =	sadd.s32 $0x8880, s28;
	s10 =	sadd.s32 s6, s9;
	s11 =	spop (v2sf)  }
0x13d: {  	[tilespmem:s0], [sflag:$0x1] =	stream.linear.gather [hbm4b:s7+s1], $0x80, $0x38;
	[tilespmem:$0xC800] =	vst v63  }
0x13e: {  	s0 =	sadd.s32 $0xA880, s28;
	s7 =	sadd.s32 s4, s9;
	s9 =	spop (v2sf)  }
0x13f: {  	[tilespmem:s2], [sflag:$0x1] =	stream.linear.gather [hbm4b:s10+s1], $0x80, $0x38;
	[tilespmem:$0xC800] =	vst v63  }
0x140: {  	s11 =	sand.u32 $0x1FFFFFF0, s11;
	s2 =	sadd.s32 $0x900, s28;
	s10 =	sadd.s32 s5, s8  }
0x141: {  	[tilespmem:s0], [sflag:$0x1] =	stream.linear.gather [hbm4b:s7+s1], $0x80, $0x38;
	(v2sf) =	vpush v3, $0x8;
	[tilespmem:$0xC800] =	vst v63  }
0x142: {  	s0 =	sadd.s32 $0x2900, s28;
	s7 =	sadd.s32 s3, s8;
	s8 =	sand.u32 $0x1FFFFFF0, s9  }
0x143: {  	[tilespmem:s2], [sflag:$0x1] =	stream.linear.gather [hbm4b:s10+s1], $0x80, $0x38;
	[tilespmem:$0xC800] =	vst v63  }
0x144: {  	s9 =	sadd.s32 s5, s11;
	s2 =	sadd.s32 $0x4900, s28;
	s10 =	spop (v2sf)  }
0x145: {  	[tilespmem:s0], [sflag:$0x1] =	stream.linear.gather [hbm4b:s7+s1], $0x80, $0x38;
	(v2sf) =	vpush v2, $0x8;
	[tilespmem:$0xC800] =	vst v63  }
0x146: {  	s0 =	sadd.s32 $0x6900, s28;
	s7 =	sadd.s32 s3, s11;
	s10 =	sand.u32 $0x1FFFFFF0, s10  }
0x147: {  	[tilespmem:s2], [sflag:$0x1] =	stream.linear.gather [hbm4b:s9+s1], $0x80, $0x38;
	(v2sf) =	vpush v1, $0x8;
	[tilespmem:$0xC800] =	vst v63  }
0x148: {  	s2 =	sadd.s32 $0x8900, s28;
	s9 =	sadd.s32 s6, s8;
	s11 =	spop (v2sf)  }
0x149: {  	[tilespmem:s0], [sflag:$0x1] =	stream.linear.gather [hbm4b:s7+s1], $0x80, $0x38;
	[tilespmem:$0xC800] =	vst v63  }
0x14a: {  	s0 =	sadd.s32 $0xA900, s28;
	s7 =	sadd.s32 s4, s8;
	s8 =	spop (v2sf)  }
0x14b: {  	[tilespmem:s2], [sflag:$0x1] =	stream.linear.gather [hbm4b:s9+s1], $0x80, $0x38;
	[tilespmem:$0xC800] =	vst v63  }
0x14c: {  	s11 =	sand.u32 $0x1FFFFFF0, s11;
	s2 =	sadd.s32 $0x980, s28;
	s9 =	sadd.s32 s5, s10  }
0x14d: {  	[tilespmem:s0], [sflag:$0x1] =	stream.linear.gather [hbm4b:s7+s1], $0x80, $0x38;
	(v2sf) =	vpush v3, $0x9;
	[tilespmem:$0xC800] =	vst v63  }
0x14e: {  	s8 =	sand.u32 $0x1FFFFFF0, s8;
	s0 =	sadd.s32 $0x2980, s28;
	s7 =	sadd.s32 s3, s10  }
0x14f: {  	[tilespmem:s2], [sflag:$0x1] =	stream.linear.gather [hbm4b:s9+s1], $0x80, $0x38;
	[tilespmem:$0xC800] =	vst v63  }
0x150: {  	s2 =	sadd.s32 $0x4980, s28;
	s9 =	sadd.s32 s5, s11;
	s10 =	spop (v2sf)  }
0x151: {  	[tilespmem:s0], [sflag:$0x1] =	stream.linear.gather [hbm4b:s7+s1], $0x80, $0x38;
	(v2sf) =	vpush v2, $0x9;
	[tilespmem:$0xC800] =	vst v63  }
0x152: {  	s0 =	sadd.s32 $0x6980, s28;
	s7 =	sadd.s32 s3, s11;
	s10 =	sand.u32 $0x1FFFFFF0, s10  }
0x153: {  	[tilespmem:s2], [sflag:$0x1] =	stream.linear.gather [hbm4b:s9+s1], $0x80, $0x38;
	(v2sf) =	vpush v1, $0x9;
	[tilespmem:$0xC800] =	vst v63  }
0x154: {  	s2 =	sadd.s32 $0x8980, s28;
	s9 =	sadd.s32 s6, s8;
	s11 =	spop (v2sf)  }
0x155: {  	[tilespmem:s0], [sflag:$0x1] =	stream.linear.gather [hbm4b:s7+s1], $0x80, $0x38;
	[tilespmem:$0xC800] =	vst v63  }
0x156: {  	s0 =	sadd.s32 $0xA980, s28;
	s7 =	sadd.s32 s4, s8;
	s8 =	spop (v2sf)  }
0x157: {  	[tilespmem:s2], [sflag:$0x1] =	stream.linear.gather [hbm4b:s9+s1], $0x80, $0x38;
	[tilespmem:$0xC800] =	vst v63  }
0x158: {  	s11 =	sand.u32 $0x1FFFFFF0, s11;
	s2 =	sadd.s32 $0xA00, s28;
	s9 =	sadd.s32 s5, s10  }
0x159: {  	[tilespmem:s0], [sflag:$0x1] =	stream.linear.gather [hbm4b:s7+s1], $0x80, $0x38;
	(v2sf) =	vpush v3, $0xA;
	[tilespmem:$0xC800] =	vst v63  }
0x15a: {  	s8 =	sand.u32 $0x1FFFFFF0, s8;
	s0 =	sadd.s32 $0x2A00, s28;
	s7 =	sadd.s32 s3, s10  }
0x15b: {  	[tilespmem:s2], [sflag:$0x1] =	stream.linear.gather [hbm4b:s9+s1], $0x80, $0x38;
	[tilespmem:$0xC800] =	vst v63  }
0x15c: {  	s2 =	sadd.s32 $0x4A00, s28;
	s9 =	sadd.s32 s5, s11;
	s10 =	spop (v2sf)  }
0x15d: {  	[tilespmem:s0], [sflag:$0x1] =	stream.linear.gather [hbm4b:s7+s1], $0x80, $0x38;
	(v2sf) =	vpush v2, $0xA;
	[tilespmem:$0xC800] =	vst v63  }
0x15e: {  	s0 =	sadd.s32 $0x6A00, s28;
	s7 =	sadd.s32 s3, s11;
	s10 =	sand.u32 $0x1FFFFFF0, s10  }
0x15f: {  	[tilespmem:s2], [sflag:$0x1] =	stream.linear.gather [hbm4b:s9+s1], $0x80, $0x38;
	(v2sf) =	vpush v1, $0xA;
	[tilespmem:$0xC800] =	vst v63  }
0x160: {  	s2 =	sadd.s32 $0x8A00, s28;
	s9 =	sadd.s32 s6, s8;
	s11 =	spop (v2sf)  }
0x161: {  	[tilespmem:s0], [sflag:$0x1] =	stream.linear.gather [hbm4b:s7+s1], $0x80, $0x38;
	[tilespmem:$0xC800] =	vst v63  }
0x162: {  	s0 =	sadd.s32 $0xAA00, s28;
	s7 =	sadd.s32 s4, s8;
	s8 =	spop (v2sf)  }
0x163: {  	[tilespmem:s2], [sflag:$0x1] =	stream.linear.gather [hbm4b:s9+s1], $0x80, $0x38;
	[tilespmem:$0xC800] =	vst v63  }
0x164: {  	s11 =	sand.u32 $0x1FFFFFF0, s11;
	s2 =	sadd.s32 $0xA80, s28;
	s9 =	sadd.s32 s5, s10  }
0x165: {  	[tilespmem:s0], [sflag:$0x1] =	stream.linear.gather [hbm4b:s7+s1], $0x80, $0x38;
	(v2sf) =	vpush v3, $0xB;
	[tilespmem:$0xC800] =	vst v63  }
0x166: {  	s8 =	sand.u32 $0x1FFFFFF0, s8;
	s0 =	sadd.s32 $0x2A80, s28;
	s7 =	sadd.s32 s3, s10  }
0x167: {  	[tilespmem:s2], [sflag:$0x1] =	stream.linear.gather [hbm4b:s9+s1], $0x80, $0x38;
	[tilespmem:$0xC800] =	vst v63  }
0x168: {  	s2 =	sadd.s32 $0x4A80, s28;
	s9 =	sadd.s32 s5, s11;
	s10 =	spop (v2sf)  }
0x169: {  	[tilespmem:s0], [sflag:$0x1] =	stream.linear.gather [hbm4b:s7+s1], $0x80, $0x38;
	(v2sf) =	vpush v2, $0xB;
	[tilespmem:$0xC800] =	vst v63  }
0x16a: {  	s0 =	sadd.s32 $0x6A80, s28;
	s7 =	sadd.s32 s3, s11;
	s10 =	sand.u32 $0x1FFFFFF0, s10  }
0x16b: {  	[tilespmem:s2], [sflag:$0x1] =	stream.linear.gather [hbm4b:s9+s1], $0x80, $0x38;
	(v2sf) =	vpush v1, $0xB;
	[tilespmem:$0xC800] =	vst v63  }
0x16c: {  	s2 =	sadd.s32 $0x8A80, s28;
	s9 =	sadd.s32 s6, s8;
	s11 =	spop (v2sf)  }
0x16d: {  	[tilespmem:s0], [sflag:$0x1] =	stream.linear.gather [hbm4b:s7+s1], $0x80, $0x38;
	[tilespmem:$0xC800] =	vst v63  }
0x16e: {  	s0 =	sadd.s32 $0xAA80, s28;
	s7 =	sadd.s32 s4, s8;
	s8 =	spop (v2sf)  }
0x16f: {  	[tilespmem:s2], [sflag:$0x1] =	stream.linear.gather [hbm4b:s9+s1], $0x80, $0x38;
	[tilespmem:$0xC800] =	vst v63  }
0x170: {  	s11 =	sand.u32 $0x1FFFFFF0, s11;
	s2 =	sadd.s32 $0xB00, s28;
	s9 =	sadd.s32 s5, s10  }
0x171: {  	[tilespmem:s0], [sflag:$0x1] =	stream.linear.gather [hbm4b:s7+s1], $0x80, $0x38;
	(v2sf) =	vpush v3, $0xC;
	[tilespmem:$0xC800] =	vst v63  }
0x172: {  	s8 =	sand.u32 $0x1FFFFFF0, s8;
	s0 =	sadd.s32 $0x2B00, s28;
	s7 =	sadd.s32 s3, s10  }
0x173: {  	[tilespmem:s2], [sflag:$0x1] =	stream.linear.gather [hbm4b:s9+s1], $0x80, $0x38;
	[tilespmem:$0xC800] =	vst v63  }
0x174: {  	s2 =	sadd.s32 $0x4B00, s28;
	s9 =	sadd.s32 s5, s11;
	s10 =	spop (v2sf)  }
0x175: {  	[tilespmem:s0], [sflag:$0x1] =	stream.linear.gather [hbm4b:s7+s1], $0x80, $0x38;
	(v2sf) =	vpush v2, $0xC;
	[tilespmem:$0xC800] =	vst v63  }
0x176: {  	s0 =	sadd.s32 $0x6B00, s28;
	s7 =	sadd.s32 s3, s11;
	s10 =	sand.u32 $0x1FFFFFF0, s10  }
0x177: {  	[tilespmem:s2], [sflag:$0x1] =	stream.linear.gather [hbm4b:s9+s1], $0x80, $0x38;
	(v2sf) =	vpush v1, $0xC;
	[tilespmem:$0xC800] =	vst v63  }
0x178: {  	s2 =	sadd.s32 $0x8B00, s28;
	s9 =	sadd.s32 s6, s8;
	s11 =	spop (v2sf)  }
0x179: {  	[tilespmem:s0], [sflag:$0x1] =	stream.linear.gather [hbm4b:s7+s1], $0x80, $0x38;
	[tilespmem:$0xC800] =	vst v63  }
0x17a: {  	s0 =	sadd.s32 $0xAB00, s28;
	s7 =	sadd.s32 s4, s8;
	s8 =	spop (v2sf)  }
0x17b: {  	[tilespmem:s2], [sflag:$0x1] =	stream.linear.gather [hbm4b:s9+s1], $0x80, $0x38;
	[tilespmem:$0xC800] =	vst v63  }
0x17c: {  	s11 =	sand.u32 $0x1FFFFFF0, s11;
	s2 =	sadd.s32 $0xB80, s28;
	s9 =	sadd.s32 s5, s10  }
0x17d: {  	[tilespmem:s0], [sflag:$0x1] =	stream.linear.gather [hbm4b:s7+s1], $0x80, $0x38;
	(v2sf) =	vpush v3, $0xD;
	[tilespmem:$0xC800] =	vst v63  }
0x17e: {  	s8 =	sand.u32 $0x1FFFFFF0, s8;
	s0 =	sadd.s32 $0x2B80, s28;
	s7 =	sadd.s32 s3, s10  }
0x17f: {  	[tilespmem:s2], [sflag:$0x1] =	stream.linear.gather [hbm4b:s9+s1], $0x80, $0x38;
	[tilespmem:$0xC800] =	vst v63  }
0x180: {  	s2 =	sadd.s32 $0x4B80, s28;
	s9 =	sadd.s32 s5, s11;
	s10 =	spop (v2sf)  }
0x181: {  	[tilespmem:s0], [sflag:$0x1] =	stream.linear.gather [hbm4b:s7+s1], $0x80, $0x38;
	(v2sf) =	vpush v2, $0xD;
	[tilespmem:$0xC800] =	vst v63  }
0x182: {  	s0 =	sadd.s32 $0x6B80, s28;
	s7 =	sadd.s32 s3, s11;
	s10 =	sand.u32 $0x1FFFFFF0, s10  }
0x183: {  	[tilespmem:s2], [sflag:$0x1] =	stream.linear.gather [hbm4b:s9+s1], $0x80, $0x38;
	(v2sf) =	vpush v1, $0xD;
	[tilespmem:$0xC800] =	vst v63  }
0x184: {  	s2 =	sadd.s32 $0x8B80, s28;
	s9 =	sadd.s32 s6, s8;
	s11 =	spop (v2sf)  }
0x185: {  	[tilespmem:s0], [sflag:$0x1] =	stream.linear.gather [hbm4b:s7+s1], $0x80, $0x38;
	[tilespmem:$0xC800] =	vst v63  }
0x186: {  	s0 =	sadd.s32 $0xAB80, s28;
	s7 =	sadd.s32 s4, s8;
	s8 =	spop (v2sf)  }
0x187: {  	[tilespmem:s2], [sflag:$0x1] =	stream.linear.gather [hbm4b:s9+s1], $0x80, $0x38;
	[tilespmem:$0xC800] =	vst v63  }
0x188: {  	s2 =	sadd.s32 $0xC00, s28;
	s9 =	sadd.s32 s5, s10;
	s8 =	sand.u32 $0x1FFFFFF0, s8  }
0x189: {  	[tilespmem:s0], [sflag:$0x1] =	stream.linear.gather [hbm4b:s7+s1], $0x80, $0x38;
	(v2sf) =	vpush v3, $0xE;
	[tilespmem:$0xC800] =	vst v63  }
0x18a: {  	s0 =	sadd.s32 $0x2C00, s28;
	s7 =	sadd.s32 s3, s10;
	s10 =	sand.u32 $0x1FFFFFF0, s11  }
0x18b: {  	[tilespmem:s2], [sflag:$0x1] =	stream.linear.gather [hbm4b:s9+s1], $0x80, $0x38;
	[tilespmem:$0xC800] =	vst v63  }
0x18c: {  	s2 =	sadd.s32 $0x4C00, s28;
	s9 =	sadd.s32 s5, s10;
	s11 =	spop (v2sf)  }
0x18d: {  	[tilespmem:s0], [sflag:$0x1] =	stream.linear.gather [hbm4b:s7+s1], $0x80, $0x38;
	(v2sf) =	vpush v2, $0xE;
	[tilespmem:$0xC800] =	vst v63  }
0x18e: {  	s0 =	sadd.s32 $0x6C00, s28;
	s7 =	sadd.s32 s3, s10;
	s10 =	sand.u32 $0x1FFFFFF0, s11  }
0x18f: {  	[tilespmem:s2], [sflag:$0x1] =	stream.linear.gather [hbm4b:s9+s1], $0x80, $0x38;
	(v2sf) =	vpush v1, $0xE;
	[tilespmem:$0xC800] =	vst v63  }
0x190: {  	s2 =	sadd.s32 $0x8C00, s28;
	s9 =	sadd.s32 s6, s8;
	s11 =	spop (v2sf)  }
0x191: {  	[tilespmem:s0], [sflag:$0x1] =	stream.linear.gather [hbm4b:s7+s1], $0x80, $0x38;
	[tilespmem:$0xC800] =	vst v63  }
0x192: {  	s0 =	sadd.s32 $0xAC00, s28;
	s7 =	sadd.s32 s4, s8;
	s8 =	spop (v2sf)  }
0x193: {  	[tilespmem:s2], [sflag:$0x1] =	stream.linear.gather [hbm4b:s9+s1], $0x80, $0x38;
	(v2sf) =	vpush v3, $0xF;
	[tilespmem:$0xC800] =	vst v63  }
0x194: {  	s11 =	sand.u32 $0x1FFFFFF0, s11;
	s2 =	sadd.s32 $0xC80, s28;
	s9 =	sadd.s32 s5, s10  }
0x195: {  	[tilespmem:s0], [sflag:$0x1] =	stream.linear.gather [hbm4b:s7+s1], $0x80, $0x38;
	[tilespmem:$0xC800] =	vst v63  }
0x196: {  	s8 =	sand.u32 $0x1FFFFFF0, s8;
	s0 =	sadd.s32 $0x2C80, s28;
	s7 =	sadd.s32 s3, s10  }
0x197: {  	[tilespmem:s2], [sflag:$0x1] =	stream.linear.gather [hbm4b:s9+s1], $0x80, $0x38;
	[tilespmem:$0xC800] =	vst v63  }
0x198: {  	s2 =	sadd.s32 $0x4C80, s28;
	s9 =	sadd.s32 s5, s11;
	s10 =	spop (v2sf)  }
0x199: {  	[tilespmem:s0], [sflag:$0x1] =	stream.linear.gather [hbm4b:s7+s1], $0x80, $0x38;
	(v2sf) =	vpush v2, $0xF;
	[tilespmem:$0xC800] =	vst v63  }
0x19a: {  	s0 =	sadd.s32 $0x6C80, s28;
	s7 =	sadd.s32 s3, s11;
	s10 =	sand.u32 $0x1FFFFFF0, s10  }
0x19b: {  	[tilespmem:s2], [sflag:$0x1] =	stream.linear.gather [hbm4b:s9+s1], $0x80, $0x38;
	[tilespmem:$0xC800] =	vst v63  }
0x19c: {  	s2 =	sadd.s32 $0x8C80, s28;
	s9 =	sadd.s32 s6, s8;
	s11 =	spop (v2sf)  }
0x19d: {  	[tilespmem:s0], [sflag:$0x1] =	stream.linear.gather [hbm4b:s7+s1], $0x80, $0x38;
	(v2sf) =	vpush v1, $0xF;
	[tilespmem:$0xC800] =	vst v63  }
0x19e: {  	s0 =	sadd.s32 $0xAC80, s28;
	s7 =	sadd.s32 s4, s8;
	s8 =	spop (v2sf)  }
0x19f: {  	[tilespmem:s2], [sflag:$0x1] =	stream.linear.gather [hbm4b:s9+s1], $0x80, $0x38;
	[tilespmem:$0xC800] =	vst v63  }
0x1a0: {  	s11 =	sand.u32 $0x1FFFFFF0, s11;
	s2 =	sadd.s32 $0xD00, s28;
	s9 =	sadd.s32 s5, s10  }
0x1a1: {  	[tilespmem:s0], [sflag:$0x1] =	stream.linear.gather [hbm4b:s7+s1], $0x80, $0x38;
	[tilespmem:$0xC800] =	vst v63  }
0x1a2: {  	s0 =	sadd.s32 $0x2D00, s28;
	s7 =	sadd.s32 s3, s10;
	s10 =	spop (v2sf)  }
0x1a3: {  	[tilespmem:s2], [sflag:$0x1] =	stream.linear.gather [hbm4b:s9+s1], $0x80, $0x38;
	[tilespmem:$0xC800] =	vst v63  }
0x1a4: {  	s2 =	sadd.s32 $0x4D00, s28;
	s9 =	sadd.s32 s5, s11;
	s10 =	sand.u32 $0x1FFFFFF0, s10  }
0x1a5: {  	[tilespmem:s0], [sflag:$0x1] =	stream.linear.gather [hbm4b:s7+s1], $0x80, $0x38;
	[tilespmem:$0xC800] =	vst v63  }
0x1a6: {  	s8 =	sand.u32 $0x1FFFFFF0, s8;
	s0 =	sadd.s32 $0x6D00, s28;
	s7 =	sadd.s32 s3, s11  }
0x1a7: {  	[tilespmem:s2], [sflag:$0x1] =	stream.linear.gather [hbm4b:s9+s1], $0x80, $0x38;
	[tilespmem:$0xC800] =	vst v63  }
0x1a8: {  	s2 =	sadd.s32 $0x8D00, s28;
	s9 =	sadd.s32 s6, s8;
	s11 =	spop (v2sf)  }
0x1a9: {  	[tilespmem:s0], [sflag:$0x1] =	stream.linear.gather [hbm4b:s7+s1], $0x80, $0x38;
	[tilespmem:$0xC800] =	vst v63  }
0x1aa: {  	s0 =	sadd.s32 $0xAD00, s28;
	s7 =	sadd.s32 s4, s8;
	s8 =	sand.u32 $0x1FFFFFF0, s11  }
0x1ab: {  	[tilespmem:s2], [sflag:$0x1] =	stream.linear.gather [hbm4b:s9+s1], $0x80, $0x38;
	[tilespmem:$0xC800] =	vst v63  }
0x1ac: {  	s2 =	sadd.s32 $0xD80, s28;
	s9 =	sadd.s32 s5, s10;
	s11 =	spop (v2sf)  }
0x1ad: {  	[tilespmem:s0], [sflag:$0x1] =	stream.linear.gather [hbm4b:s7+s1], $0x80, $0x38;
	[tilespmem:$0xC800] =	vst v63  }
0x1ae: {  	s7 =	sadd.s32 s3, s10;
	s0 =	sand.u32 $0x1FFFFFF0, s11;
	s10 =	sadd.s32 s5, s8  }
0x1af: {  	[tilespmem:s2], [sflag:$0x1] =	stream.linear.gather [hbm4b:s9+s1], $0x80, $0x38;
	[tilespmem:$0xC800] =	vst v63  }
.Ltmp0:
0x1b0: {  	s2 =	sadd.s32 $0x2D80, s28;
	s9 =	sadd.s32 $0x4D80, s28;
	(pc) =	sbr.rel @p0 .LBB2_3-.Ltmp0, $4  }
0x1b1: {  	[tilespmem:s2], [sflag:$0x1] =	stream.linear.gather [hbm4b:s7+s1], $0x80, $0x38;
	[tilespmem:$0xC800] =	vst v63  }
0x1b2: {  	s20 =	sadd.s32 s3, s8;
	s2 =	sadd.s32 $0x6D80, s28  }
0x1b3: {  	[tilespmem:s9], [sflag:$0x1] =	stream.linear.gather [hbm4b:s10+s1], $0x80, $0x38;
	[tilespmem:$0xC800] =	vst v63  }
0x1b4: {  	s29 =	sadd.s32 $0x10, s29;
	s30 =	sadd.s32 $0x10, s30;
	s31 =	sadd.s32 $0x10, s31  }
0x1b5: {  	[tilespmem:s2], [sflag:$0x1] =	stream.linear.gather [hbm4b:s20+s1], $0x80, $0x38;
	[tilespmem:$0xC800] =	vst v63  }
0x1b6: {  	s26 =	sadd.s32 $0x8D80, s28;
	s7 =	sadd.s32 s6, s0  }
0x1b7: {  	[tilespmem:s26], [sflag:$0x1] =	stream.linear.gather [hbm4b:s7+s1], $0x80, $0x38;
	[tilespmem:$0xC800] =	vst v63  }
0x1b8: {  	s29 =	sadd.s32 $0xAD80, s28;
	s30 =	sadd.s32 s4, s0  }
0x1b9: {  	[tilespmem:s29], [sflag:$0x1] =	stream.linear.gather [hbm4b:s30+s1], $0x80, $0x38;
	[tilespmem:$0xC800] =	vst v63  }
0x1ba: {  	_ =	swait.ge [sflag:s13], $0x2000  }
0x1bb: {  	[sflag:s13] =	ssyncset.done $0x0  }
0x1bc: {  	[sflag:s13] =	ssyncadd.s32 $0xFFFFE000  }
0x1bd: {  	_ =	swait.ge [sflag:s13], $0x2000  }
0x1be: {  	[sflag:s13] =	ssyncset.done $0x0  }
0x1bf: {  	[sflag:s13] =	ssyncadd.s32 $0xFFFFE000  }
0x1c0: {  	_ =	swait.ge [sflag:s13], $0x2000  }
0x1c1: {  	[sflag:s13] =	ssyncset.done $0x0  }
0x1c2: {  	[sflag:s13] =	ssyncadd.s32 $0xFFFFE000  }
0x1c3: {  	_ =	swait.ge [sflag:s13], $0x2000  }
0x1c4: {  	[sflag:s13] =	ssyncset.done $0x0  }
0x1c5: {  	[sflag:s13] =	ssyncadd.s32 $0xFFFFE000  }
0x1c6: {  	_ =	swait.ge [sflag:s13], $0x2000  }
0x1c7: {  	[sflag:s13] =	ssyncset.done $0x0  }
0x1c8: {  	s31 =	sshll.u32 s25, $0x6;
	[sflag:s13] =	ssyncadd.s32 $0xFFFFE000  }
0x1c9: {  	s0 =	sand.u32 $0x3FFFFFC0, s31;
	_ =	swait.ge [sflag:s13], $0x2000  }
0x1ca: {  	s0 =	sadd.s32 $0xC600, s0;
	[sflag:s13] =	ssyncset.done $0x0  }
0x1cb: {  	s28 =	simm.s32 $0x0;
	s26 =	simm.s32 $0x0;
	v1 =	vmov s0;
	[sflag:s13] =	ssyncadd.s32 $0xFFFFE000  }
.LBB2_5:
0x1cc: {  	s29 =	sshll.u32 s28, $0x4;
	v2 =	vmov s26  }
0x1cd: {  	v3 =	vmov s29;
	v2 =	vand.u32 $0x7F, v2  }
0x1ce: {  	v3 =	vshll.u32 v3, $0x7;
	v4 =	vbroadcast v2, $0x0  }
0x1cf: {  	v2 =	vor.u32 v0, v3  }
0x1d0: {  	v3 =	vor.u32 v2, v4;
	_ =	sdelay $0x2  }
0x1d1: {  	s0 =	simm.s32 $0x1  }
0x1d2: {  	v4 =	vmov s0  }
0x1d3: {  	v4 =	vand.u32 $0x7F, v4;
	v5 =	vld.idx.msk [tilespmem:v3+s14+$0x0], $0xffff  }
0x1d4: {  	v4 =	vbroadcast v4, $0x0;
	v6 =	vld.idx.msk [tilespmem:v3+s15+$0x0], $0xffff  }
0x1d5: {  	v8 =	vld.idx.msk [tilespmem:v3+s16+$0x0], $0xffff  }
0x1d6: {  	s30 =	simm.s32 $0x2;
	v7 =	vor.u32 v2, v4;
	v9 =	vld.idx.msk [tilespmem:v3+s17+$0x0], $0xffff  }
0x1d7: {  	v4 =	vmov s30  }
0x1d8: {  	v4 =	vand.u32 $0x7F, v4  }
0x1d9: {  	v10 =	vld.idx.msk [tilespmem:v3+s18+$0x0], $0xffff;
	v4 =	vbroadcast v4, $0x0  }
0x1da: {  	v3 =	vld.idx.msk [tilespmem:v3+s19+$0x0], $0xffff  }
0x1db: {  	s31 =	simm.s32 $0x3;
	v4 =	vor.u32 v2, v4;
	v12 =	vld.idx.msk [tilespmem:v7+s14+$0x0], $0xffff;
	v11 =	vmul.f32 v8, v5;
	v13 =	vmul.f32 v9, v6  }
0x1dc: {  	v14 =	vld.idx.msk [tilespmem:v7+s15+$0x0], $0xffff;
	v5 =	vmul.f32 v9, v5;
	v9 =	vmul.f32 v8, v6;
	v6 =	vmov s31  }
0x1dd: {  	v15 =	vld.idx.msk [tilespmem:v7+s16+$0x0], $0xffff;
	v16 =	vand.u32 $0x7F, v6  }
0x1de: {  	v8 =	vld.idx.msk [tilespmem:v7+s17+$0x0], $0xffff;
	v11 =	vadd.f32 v13, v11;
	v13 =	vbroadcast v16, $0x0  }
0x1df: {  	v6 =	vld.idx.msk [tilespmem:v7+s18+$0x0], $0xffff  }
0x1e0: {  	v5 =	vsub.f32 v5, v9;
	v9 =	vld.idx.msk [tilespmem:v7+s19+$0x0], $0xffff  }
0x1e1: {  	v7 =	vld.idx.msk [tilespmem:v4+s14+$0x0], $0xffff  }
0x1e2: {  	v16 =	vmul.f32 v11, v10;
	v19 =	vmul.f32 v3, v5;
	v5 =	vor.u32 v2, v13;
	v13 =	vmovc v4  }
0x1e3: {  	v3 =	vimm.f32 $0.0e+00;
	v10 =	vld.idx.msk [tilespmem:v4+s15+$0x0], $0xffff  }
0x1e4: {  	s0 =	simm.s32 $0x4;
	v11 =	vld.idx.msk [tilespmem:v4+s16+$0x0], $0xffff;
	v17 =	vmul.f32 v15, v12;
	v18 =	vmul.f32 v8, v14;
	v16 =	vadd.f32 v19, v16  }
.LBB2_6:
0x1e5: {  	p0 =	sne.s32 s0, $0x3F;
	v20 =	vmul.f32 v8, v12;
	v8 =	vld.idx.msk [tilespmem:v4+s17+$0x0], $0xffff;
	v14 =	vmul.f32 v15, v14;
	v4 =	vmovc v5;
	v19 =	vmov v5  }
0x1e6: {  	v15 =	vmov s0;
	v3 =	vadd.f32 v16, v3;
	v16 =	vmov v6  }
.Ltmp1:
0x1e7: {  	v15 =	vand.u32 $0x7F, v15;
	v17 =	vadd.f32 v18, v17;
	v18 =	vmovc v9;
	v6 =	vld.idx.msk [tilespmem:v13+s18+$0x0], $0xffff;
	v21 =	vsub.f32 v20, v14;
	(pc) =	sbr.rel @p0 .LBB2_6-.Ltmp1, $4  }
0x1e8: {  	v22 =	vbroadcast v15, $0x0;
	v12 =	vmov v7;
	v9 =	vld.idx.msk [tilespmem:v13+s19+$0x0], $0xffff;
	v13 =	vmov v5  }
0x1e9: {  	v16 =	vmul.f32 v17, v16;
	v7 =	vld.idx.msk [tilespmem:v5+s14+$0x0], $0xffff;
	v20 =	vmul.f32 v18, v21;
	v14 =	vmov v10  }
0x1ea: {  	v15 =	vmov v11;
	v10 =	vld.idx.msk [tilespmem:v5+s15+$0x0], $0xffff;
	v5 =	vor.u32 v2, v22  }
0x1eb: {  	s0 =	sadd.s32 $0x1, s0;
	v17 =	vmul.f32 v15, v12;
	v18 =	vmul.f32 v8, v14;
	v11 =	vld.idx.msk [tilespmem:v19+s16+$0x0], $0xffff;
	v16 =	vadd.f32 v20, v16  }
0x1ec: {  	_ =	sdelay $0x3  }
0x1ed: {  	v2 =	vld.idx.msk [tilespmem:v4+s17+$0x0], $0xffff  }
0x1ee: {  	v45 =	vld.idx.msk [tilespmem:v5+s14+$0x0], $0xffff  }
0x1ef: {  	v8 =	vmul.f32 v8, v12;
	v46 =	vmul.f32 v15, v14;
	v47 =	vld.idx.msk [tilespmem:v5+s15+$0x0], $0xffff  }
0x1f0: {  	v48 =	vld.idx.msk [tilespmem:v5+s16+$0x0], $0xffff;
	v17 =	vadd.f32 v18, v17  }
0x1f1: {  	v49 =	vld.idx.msk [tilespmem:v5+s17+$0x0], $0xffff;
	v8 =	vsub.f32 v8, v46  }
0x1f2: {  	v6 =	vmul.f32 v17, v6  }
0x1f3: {  	v50 =	vld.idx.msk [tilespmem:v13+s18+$0x0], $0xffff;
	v8 =	vmul.f32 v9, v8;
	v52 =	vmul.f32 v11, v7  }
0x1f4: {  	v51 =	vld.idx.msk [tilespmem:v13+s19+$0x0], $0xffff;
	v54 =	vmul.f32 v11, v10;
	v53 =	vmul.f32 v2, v10  }
0x1f5: {  	v55 =	vld.idx.msk [tilespmem:v5+s18+$0x0], $0xffff;
	v2 =	vmul.f32 v2, v7;
	v58 =	vmul.f32 v48, v45  }
0x1f6: {  	v57 =	vld.idx.msk [tilespmem:v5+s19+$0x0], $0xffff;
	v3 =	vadd.f32 v16, v3;
	v59 =	vmul.f32 v49, v47;
	v4 =	vmul.f32 v49, v45  }
0x1f7: {  	v60 =	vmul.f32 v48, v47;
	v56 =	vadd.f32 v53, v52;
	v2 =	vsub.f32 v2, v54  }
0x1f8: {  	v6 =	vadd.f32 v8, v6;
	v62 =	vadd.f32 v59, v58  }
0x1f9: {  	v4 =	vsub.f32 v4, v60;
	v61 =	vmul.f32 v56, v50;
	v2 =	vmul.f32 v51, v2  }
0x1fa: {  	v3 =	vadd.f32 v6, v3  }
0x1fb: {  	s28 =	sadd.s32 $0x1, s28;
	v63 =	vmul.f32 v62, v55;
	v4 =	vmul.f32 v57, v4;
	v2 =	vadd.f32 v2, v61  }
0x1fc: {  	p0 =	sne.s32 s28, $0x4  }
.Ltmp2:
0x1fd: {  	v2 =	vadd.f32 v2, v3;
	v3 =	vadd.f32 v4, v63;
	(pc) =	sbr.rel @p0 .LBB2_5-.Ltmp2, $3  }
0x1fe: {  	_ = 	snop  }
0x1ff: {  	v2 =	vadd.f32 v3, v2;
	_ =	sdelay $0x1  }
0x200: {  	[tilespmem:v1+s29+$0x0 ss:$0x1] =	vst.idx.msk $0xffff, v2  }
0x201: {  	s25 =	sadd.s32 $0x1, s25  }
0x202: {  	p0 =	sne.s32 s25, $0x8  }
.Ltmp3:
0x203: {  	_ = 	snop;
	(pc) =	sbr.rel @p0 .LBB2_2-.Ltmp3, $2  }
0x204: {  	_ =	sdelay $0x2  }
0x205: {  	s24 =	sadd.s32 $0x40, s24;
	s23 =	sadd.s32 $0x40, s23;
	s22 =	sadd.s32 $0x40, s22  }
0x206: {  	s0 =	rddreg [dreg:$0x9];
	s2 =	simm.s32 $0xC600  }
0x207: {  	[hbm4b:s0+s1] =	stream.linear.scatter [tilespmem:s2], [sflag:$0x2], $0x200, $0x38;
	[tilespmem:$0xC800] =	vst v63  }
0x208: {  	_ =	swait.ge [sflag:s12], $0x200  }
0x209: {  	s21 =	sadd.s32 $0x1, s21;
	s31 =	rddreg [dreg:$0xa]  }
0x20a: {  	p0 =	sne.s32 s21, s31  }
.Ltmp4:
0x20b: {  	_ = 	snop;
	(pc) =	sbr.rel @p0 .LBB2_1-.Ltmp4, $3  }
0x20c: {  	_ =	sdelay $0x1  }
0x20d: {  	[sflag:s12] =	ssyncset.done $0x0  }
0x20e: {  	[sflag:s12] =	ssyncadd.s32 $0xFFFFFE00  }
0x20f: {  	_ =	sfence.sel $0x180000  }
0x210: {  	[bflag:$0x0] =	sbarrier.arrive $0xFFFF  }
0x211: {  	_ =	strace $0x90000047  }
0x212: {  	s0 =	stileid.u32;
	[bflag:$0x2] =	sbarrier.arrive $0xFFFF  }
0x213: {  	p0 =	sne.s32 s0, $0x0;
	s0 =	rddreg [dreg:$0x5]  }
0x214: {  	s0 =	sadd.s32 @!p0 $0x100000, s0  }
0x215: {  	[sflag:s0] =	ssyncadd.tile.s32 @!p0 $0x1;
	_ =	shalt  }
.Lfunc_end2:
_tile_overlayer_lowered:
.L_overlay_start_2:
0x216: {  	(tag) =	ssettag $0x2  }
0x217: {  	s0 =	rddreg [dreg:$0x0];
	s2 =	stileid.u32  }
0x218: {  	s1 =	rddreg [dreg:$0x1];
	p0 =	sne.s32 s2, $0x0  }
0x219: {  	s3 =	rddreg [dreg:$0x2];
	[bflag:$0x3] =	sbarrier.arrive $0xFFFF;
	s2 =	simm.s32 @!p0 $0x1C02  }
0x21a: {  	[timem:s3], [sflag:s2] =	dma.local @!p0 [hbm:s0], s1  }
0x21b: {  	s0 =	simm.s32 @!p0 $0x2  }
0x21c: {  	_ =	swait.ge @!p0 [sflag:s0], s1  }
0x21d: {  	s1 =	ssub.s32 @!p0 $0x0, s1;
	[sflag:s0] =	ssyncset.done @!p0 $0x0  }
0x21e: {  	[sflag:s0] =	ssyncadd.s32 @!p0 s1  }
0x21f: {  	[bflag:$0x3] =	sbarrier.arrive $0xFFFF  }
0x220: {  	_ =	shalt  }

</sc_bundles>
